<compile_context>
chip_gen: v7x
topology: tpu7x:2x2x1
jax: 0.10.2.dev20260603
libtpu: 0.0.44.dev20260713+nightly
codegen_flags: <defaults>
</compile_context>

<pallas_src>
import functools

import jax
import jax.numpy as jnp
from jax import lax
from jax.experimental import pallas as pl
from jax.experimental.pallas import tpu as pltpu
from jax.experimental.pallas import tpu_sc as plsc

_N = 10000
_E = 320000
_D = 128
_NC = 2
_NS = 16
_NW = _NC * _NS
_B = 128
_NB = 80
_EP = _NW * _NB * _B
_NP = 10240
_RPW = _NP // _NS
_L = 16

_mesh = plsc.VectorSubcoreMesh(core_axis_name="c", subcore_axis_name="s")


_DW = 16


@functools.partial(
    pl.kernel,
    out_type=jax.ShapeDtypeStruct((_NC, _NP, _D), jnp.float32),
    mesh=_mesh,
    compiler_params=pltpu.CompilerParams(use_tc_tiling_on_sc=False),
    scratch_types=[
        pltpu.VMEM((_NB, _B), jnp.int32),
        pltpu.VMEM((_B, _DW), jnp.float32),
        pltpu.VMEM((_B, _DW), jnp.float32),
        pltpu.VMEM((_RPW, _DW), jnp.float32),
        pltpu.VMEM((_B, _D), jnp.float32),
        pltpu.VMEM_SHARED((_NP, _DW), jnp.float32),
        pltpu.SemaphoreType.DMA,
    ],
)
def _sc_deg(dst_hbm, deg_hbm, idx_v, ones_v, zero_v, nar_v, stg_v, deg_s, sem):
    cid = lax.axis_index("c")
    sid = lax.axis_index("s")
    wid = cid * _NS + sid
    pltpu.sync_copy(dst_hbm.at[wid], idx_v)
    one16 = jnp.ones((_L,), jnp.float32)
    zero16 = jnp.zeros((_L,), jnp.float32)

    def fill(r, carry):
        for k in range(_DW // _L):
            ones_v[r, pl.ds(k * _L, _L)] = one16
            zero_v[r, pl.ds(k * _L, _L)] = zero16
        return carry

    lax.fori_loop(0, _B, fill, 0)
    for k in range(_RPW // _B):
        pltpu.sync_copy(zero_v, deg_s.at[pl.ds(sid * _RPW + k * _B, _B)])
    plsc.subcore_barrier()

    def fire(j, carry):
        pltpu.async_copy(ones_v, deg_s.at[idx_v.at[j]], sem, add=True)
        return carry

    lax.fori_loop(0, _NB, fire, 0)

    def drain(j, carry):
        pltpu.make_async_copy(ones_v, deg_s.at[idx_v.at[j]], sem).wait()
        return carry

    lax.fori_loop(0, _NB, drain, 0)
    plsc.subcore_barrier()
    pltpu.sync_copy(deg_s.at[pl.ds(sid * _RPW, _RPW)], nar_v)
    for c in range(_RPW // _B):
        def rep(r, carry):
            v = nar_v[c * _B + r, pl.ds(0, _L)]
            for k in range(_D // _L):
                stg_v[r, pl.ds(k * _L, _L)] = v
            return carry

        lax.fori_loop(0, _B, rep, 0)
        pltpu.sync_copy(stg_v, deg_hbm.at[cid, pl.ds(sid * _RPW + c * _B, _B)])


@functools.partial(
    pl.kernel,
    out_type=jax.ShapeDtypeStruct((_NC, _NP, _D), jnp.float32),
    mesh=_mesh,
    compiler_params=pltpu.CompilerParams(use_tc_tiling_on_sc=False),
    scratch_types=[
        pltpu.VMEM((_NB, _B), jnp.int32),
        pltpu.VMEM((_B,), jnp.int32),
        pltpu.VMEM((_B,), jnp.int32),
        pltpu.VMEM((_B,), jnp.int32),
        pltpu.VMEM((_B,), jnp.int32),
        pltpu.VMEM((_B, _D), jnp.float32),
        pltpu.VMEM((_B, _D), jnp.float32),
        pltpu.VMEM_SHARED((_NP, _D), jnp.float32),
        pltpu.SemaphoreType.DMA,
        pltpu.SemaphoreType.DMA,
        pltpu.SemaphoreType.DMA,
        pltpu.SemaphoreType.DMA,
    ],
)
def _sc_agg(g_hbm, pidx_hbm, zrows_hbm, agg_hbm,
            pidx_v, si0, si1, di0, di1, rows0, rows1, agg_s,
            gs0, gs1, ss0, ss1):
    cid = lax.axis_index("c")
    sid = lax.axis_index("s")
    wid = cid * _NS + sid
    pltpu.sync_copy(pidx_hbm.at[wid], pidx_v)
    pltpu.sync_copy(zrows_hbm, rows0)
    for k in range(_RPW // _B):
        pltpu.sync_copy(rows0, agg_s.at[pl.ds(sid * _RPW + k * _B, _B)])
    plsc.subcore_barrier()

    def unpack(j, si, di):
        for k in range(_B // _L):
            p = pidx_v[j, pl.ds(k * _L, _L)]
            si[pl.ds(k * _L, _L)] = lax.bitwise_and(p, 0xFFFF)
            di[pl.ds(k * _L, _L)] = lax.shift_right_logical(p, 16)

    unpack(0, si0, di0)
    pltpu.async_copy(g_hbm.at[si0], rows0, gs0)
    unpack(1, si1, di1)
    pltpu.async_copy(g_hbm.at[si1], rows1, gs1)

    def step(i, carry):
        j = 2 * i
        pltpu.make_async_copy(g_hbm.at[si0], rows0, gs0).wait()
        sc0 = pltpu.async_copy(rows0, agg_s.at[di0], ss0, add=True)
        pltpu.make_async_copy(g_hbm.at[si1], rows1, gs1).wait()
        sc1 = pltpu.async_copy(rows1, agg_s.at[di1], ss1, add=True)
        sc0.wait()

        @pl.when(j + 2 < _NB)
        def _():
            unpack(j + 2, si0, di0)
            pltpu.async_copy(g_hbm.at[si0], rows0, gs0)

        sc1.wait()

        @pl.when(j + 3 < _NB)
        def _():
            unpack(j + 3, si1, di1)
            pltpu.async_copy(g_hbm.at[si1], rows1, gs1)

        return carry

    lax.fori_loop(0, _NB // 2, step, 0)
    plsc.subcore_barrier()
    for k in range(_RPW // _B):
        pltpu.sync_copy(agg_s.at[pl.ds(sid * _RPW + k * _B, _B)], rows0)
        pltpu.sync_copy(rows0, agg_hbm.at[cid, pl.ds(sid * _RPW + k * _B, _B)])


def _prep_body(x_ref, w_ref, deg_ref, g_ref, dis_ref):
    deg = deg_ref[0, 0:_N, 0:1] + deg_ref[1, 0:_N, 0:1] + 1.0
    dis = lax.rsqrt(deg)
    h = jnp.dot(x_ref[...], w_ref[...], preferred_element_type=jnp.float32)
    g_ref[...] = h * dis
    dis_ref[...] = dis


def _tc_prep(x, W, deg128):
    return pl.pallas_call(
        _prep_body,
        out_shape=[
            jax.ShapeDtypeStruct((_N, _D), jnp.float32),
            jax.ShapeDtypeStruct((_N, 1), jnp.float32),
        ],
    )(x, W, deg128)


def _final_body(agg_ref, g_ref, dis_ref, b_ref, gam_ref, bet_ref, o_ref):
    pre = (agg_ref[0, 0:_N, :] + agg_ref[1, 0:_N, :] + g_ref[...]) * dis_ref[...] + b_ref[...]
    mean = jnp.mean(pre, axis=0, keepdims=True)
    cen = pre - mean
    var = jnp.mean(cen * cen, axis=0, keepdims=True)
    o_ref[...] = jnp.maximum(
        cen * lax.rsqrt(var + 1e-5) * gam_ref[...] + bet_ref[...], 0.0)


def _tc_final(agg, g, dis, b, gamma, beta):
    return pl.pallas_call(
        _final_body,
        out_shape=jax.ShapeDtypeStruct((_N, _D), jnp.float32),
    )(agg, g, dis, b, gamma, beta)


def kernel(x, edge_index, W, b, gamma, beta):
    pad = _EP - _E
    src_pad = jnp.tile(jnp.arange(240, dtype=jnp.int32), pad // 240)
    dst_pad = _N + src_pad
    src = jnp.concatenate([edge_index[0], src_pad])
    dst = jnp.concatenate([edge_index[1], dst_pad])
    dst_r = dst.reshape(_NW, _NB, _B)
    pidx = (src | (dst << 16)).reshape(_NW, _NB, _B)
    zrows = jnp.zeros((_B, _D), jnp.float32)
    deg128 = _sc_deg(dst_r)
    g, dis = _tc_prep(x, W, deg128)
    agg = _sc_agg(g, pidx, zrows)
    out = _tc_final(agg, g, dis, b.reshape(1, _D), gamma.reshape(1, _D),
                    beta.reshape(1, _D))
    return out

# --- scband reference (transcript-rebuilt; emitter-appended) ---
"""Pipeline reference for scband-graph-conv-2310692405383 (READ-ONLY COPY).

The authoritative reference and input builder live on the scoring server;
editing this copy changes nothing except your own understanding.
"""

import jax, jax.numpy as jnp
import numpy as np

N = 10000
E = 320000
D_IN = 128
D_OUT = 128

def setup_inputs(seed: int = 0) -> dict:
    key = jax.random.key(seed)
    k1, k2, k3 = jax.random.split(key, 3)
    x = jax.random.normal(k1, (N, D_IN), dtype=jnp.float32)
    edge_index = jax.random.randint(k2, (2, E), 0, N, dtype=jnp.int32)
    W = jax.random.normal(k3, (D_IN, D_OUT), dtype=jnp.float32) * (1.0 / np.sqrt(D_IN))
    b = jnp.zeros((D_OUT,), dtype=jnp.float32)
    gamma = jnp.ones((D_OUT,), dtype=jnp.float32)
    beta = jnp.zeros((D_OUT,), dtype=jnp.float32)
    return {"x": x, "edge_index": edge_index, "W": W, "b": b, "gamma": gamma, "beta": beta}

def reference(x, edge_index, W, b, gamma, beta):
    # GCNConv: add self loops, symmetric normalization, linear transform, scatter-add aggregation
    src = edge_index[0]
    dst = edge_index[1]
    loop = jnp.arange(N, dtype=src.dtype)
    src = jnp.concatenate([src, loop])
    dst = jnp.concatenate([dst, loop])
    h = x @ W
    ones = jnp.ones(src.shape[0], dtype=x.dtype)
    deg = jnp.zeros((N,), dtype=x.dtype).at[dst].add(ones)
    deg_inv_sqrt = jnp.where(deg > 0, jax.lax.rsqrt(jnp.maximum(deg, 1e-12)), 0.0)
    norm = deg_inv_sqrt[src] * deg_inv_sqrt[dst]
    msg = h[src] * norm[:, None]
    out = jnp.zeros((N, D_OUT), dtype=x.dtype).at[dst].add(msg)
    out = out + b
    # BatchNorm1d (training-mode batch statistics)
    mean = jnp.mean(out, axis=0)
    var = jnp.var(out, axis=0)
    out = (out - mean) * jax.lax.rsqrt(var + 1e-5) * gamma + beta
    # act = relu; dropout is identity in eval
    out = jax.nn.relu(out)
    return out

if __name__ == "__main__":
    import jax
    _d = setup_inputs()
    print(jax.jit(kernel)(*tuple(_d.values())))

</pallas_src>

<mosaic_0001>
#map = affine_map<(d0, d1) -> (0, 0)>
#map1 = affine_map<(d0, d1) -> (0, 0, 0)>
module attributes {stable_mosaic.version = 14 : i64} {
  func.func @_sc_agg(%arg0: i32, %arg1: i32, %arg2: memref<10000x128xf32, #tpu.memory_space<hbm>>, %arg3: memref<32x80x128xi32, #tpu.memory_space<hbm>>, %arg4: memref<128x128xf32, #tpu.memory_space<hbm>>, %arg5: memref<2x10240x128xf32, #tpu.memory_space<hbm>>, %arg6: memref<80x128xi32, #tpu.memory_space<vmem>>, %arg7: memref<128xi32, #tpu.memory_space<vmem>>, %arg8: memref<128xi32, #tpu.memory_space<vmem>>, %arg9: memref<128xi32, #tpu.memory_space<vmem>>, %arg10: memref<128xi32, #tpu.memory_space<vmem>>, %arg11: memref<128x128xf32, #tpu.memory_space<vmem>>, %arg12: memref<128x128xf32, #tpu.memory_space<vmem>>, %arg13: memref<10240x128xf32, #tpu.memory_space<vmem_shared>>, %arg14: memref<!tpu.dma_semaphore, #tpu.memory_space<semaphore_mem>>, %arg15: memref<!tpu.dma_semaphore, #tpu.memory_space<semaphore_mem>>, %arg16: memref<!tpu.dma_semaphore, #tpu.memory_space<semaphore_mem>>, %arg17: memref<!tpu.dma_semaphore, #tpu.memory_space<semaphore_mem>>) attributes {dimension_semantics = [#tpu.dimension_semantics<core_parallel>, #tpu.dimension_semantics<subcore_parallel>], iteration_bounds = array<i64: 2, 16>, scalar_prefetch = 0 : i64, scratch_operands = 12 : i64, tpu.core_type = #tpu.core_type<sc_vector_subcore>, window_params = [{transform_indices = #map}, {transform_indices = #map1}, {transform_indices = #map}, {transform_indices = #map1}]} {
    %mul3A = arith.constant 16 : i32
    %mul3A_0 = arith.muli %arg0, %mul3A : i32
    %add3A = arith.addi %mul3A_0, %arg1 : i32
    "tpu.region"() ({
      %run_scoped3A = tpu.sem_alloc : memref<!tpu.dma_semaphore, #tpu.memory_space<semaphore_mem>>
      %dma_start3A_372 = arith.constant 0 : i32
      %dma_start3A_373 = arith.constant 0 : i32
      %dma_start3A_374 = tpu.memref_slice %arg3[%add3A, %dma_start3A_372, %dma_start3A_373] : memref<32x80x128xi32, #tpu.memory_space<hbm>> -> memref<1x80x128xi32, #tpu.memory_space<hbm>>
      %dma_start3A_375 = tpu.memref_squeeze %dma_start3A_374 : memref<1x80x128xi32, #tpu.memory_space<hbm>> -> memref<80x128xi32, #tpu.memory_space<hbm>>
      %dma_start3A_376 = arith.constant 0 : i32
      %dma_start3A_377 = arith.constant 0 : i32
      %dma_start3A_378 = tpu.memref_slice %arg3[%add3A, %dma_start3A_376, %dma_start3A_377] : memref<32x80x128xi32, #tpu.memory_space<hbm>> -> memref<1x80x128xi32, #tpu.memory_space<hbm>>
      %dma_start3A_379 = tpu.memref_squeeze %dma_start3A_378 : memref<1x80x128xi32, #tpu.memory_space<hbm>> -> memref<80x128xi32, #tpu.memory_space<hbm>>
      tpu.enqueue_dma source(%dma_start3A_379 : memref<80x128xi32, #tpu.memory_space<hbm>>) target(%arg6 : memref<80x128xi32, #tpu.memory_space<vmem>>) target_semaphore(%run_scoped3A : memref<!tpu.dma_semaphore, #tpu.memory_space<semaphore_mem>>)
      %dma_wait3A = arith.constant 0 : i32
      %dma_wait3A_380 = arith.constant 0 : i32
      %dma_wait3A_381 = tpu.memref_slice %arg3[%add3A, %dma_wait3A, %dma_wait3A_380] : memref<32x80x128xi32, #tpu.memory_space<hbm>> -> memref<1x80x128xi32, #tpu.memory_space<hbm>>
      %dma_wait3A_382 = tpu.memref_squeeze %dma_wait3A_381 : memref<1x80x128xi32, #tpu.memory_space<hbm>> -> memref<80x128xi32, #tpu.memory_space<hbm>>
      %dma_wait3A_383 = arith.constant 0 : i32
      %dma_wait3A_384 = arith.constant 0 : i32
      %dma_wait3A_385 = tpu.memref_slice %arg3[%add3A, %dma_wait3A_383, %dma_wait3A_384] : memref<32x80x128xi32, #tpu.memory_space<hbm>> -> memref<1x80x128xi32, #tpu.memory_space<hbm>>
      %dma_wait3A_386 = tpu.memref_squeeze %dma_wait3A_385 : memref<1x80x128xi32, #tpu.memory_space<hbm>> -> memref<80x128xi32, #tpu.memory_space<hbm>>
      tpu.wait_dma2 semaphore(%run_scoped3A : memref<!tpu.dma_semaphore, #tpu.memory_space<semaphore_mem>>) src(%dma_wait3A_386 : memref<80x128xi32, #tpu.memory_space<hbm>>) dst(%arg6 : memref<80x128xi32, #tpu.memory_space<vmem>>)
      tpu.yield
    }) : () -> ()
    "tpu.region"() ({
      %run_scoped3A = tpu.sem_alloc : memref<!tpu.dma_semaphore, #tpu.memory_space<semaphore_mem>>
      tpu.enqueue_dma source(%arg4 : memref<128x128xf32, #tpu.memory_space<hbm>>) target(%arg11 : memref<128x128xf32, #tpu.memory_space<vmem>>) target_semaphore(%run_scoped3A : memref<!tpu.dma_semaphore, #tpu.memory_space<semaphore_mem>>)
      tpu.wait_dma2 semaphore(%run_scoped3A : memref<!tpu.dma_semaphore, #tpu.memory_space<semaphore_mem>>) src(%arg4 : memref<128x128xf32, #tpu.memory_space<hbm>>) dst(%arg11 : memref<128x128xf32, #tpu.memory_space<vmem>>)
      tpu.yield
    }) : () -> ()
    %mul3A_1 = arith.constant 640 : i32
    %mul3A_2 = arith.muli %arg1, %mul3A_1 : i32
    %add3A_3 = arith.constant 0 : i32
    %add3A_4 = arith.addi %mul3A_2, %add3A_3 : i32
    "tpu.region"() ({
      %run_scoped3A = tpu.sem_alloc : memref<!tpu.dma_semaphore, #tpu.memory_space<semaphore_mem>>
      %dma_start3A_372 = arith.constant 0 : i32
      %dma_start3A_373 = tpu.memref_slice %arg13[%add3A_4, %dma_start3A_372] : memref<10240x128xf32, #tpu.memory_space<vmem_shared>> -> memref<128x128xf32, #tpu.memory_space<vmem_shared>>
      %dma_start3A_374 = arith.constant 0 : i32
      %dma_start3A_375 = tpu.memref_slice %arg13[%add3A_4, %dma_start3A_374] : memref<10240x128xf32, #tpu.memory_space<vmem_shared>> -> memref<128x128xf32, #tpu.memory_space<vmem_shared>>
      tpu.enqueue_dma source(%arg11 : memref<128x128xf32, #tpu.memory_space<vmem>>) target(%dma_start3A_375 : memref<128x128xf32, #tpu.memory_space<vmem_shared>>) target_semaphore(%run_scoped3A : memref<!tpu.dma_semaphore, #tpu.memory_space<semaphore_mem>>)
      %dma_wait3A = arith.constant 0 : i32
      %dma_wait3A_376 = tpu.memref_slice %arg13[%add3A_4, %dma_wait3A] : memref<10240x128xf32, #tpu.memory_space<vmem_shared>> -> memref<128x128xf32, #tpu.memory_space<vmem_shared>>
      %dma_wait3A_377 = arith.constant 0 : i32
      %dma_wait3A_378 = tpu.memref_slice %arg13[%add3A_4, %dma_wait3A_377] : memref<10240x128xf32, #tpu.memory_space<vmem_shared>> -> memref<128x128xf32, #tpu.memory_space<vmem_shared>>
      tpu.wait_dma2 semaphore(%run_scoped3A : memref<!tpu.dma_semaphore, #tpu.memory_space<semaphore_mem>>) src(%arg11 : memref<128x128xf32, #tpu.memory_space<vmem>>) dst(%dma_wait3A_378 : memref<128x128xf32, #tpu.memory_space<vmem_shared>>)
      tpu.yield
    }) : () -> ()
    %mul3A_5 = arith.constant 640 : i32
    %mul3A_6 = arith.muli %arg1, %mul3A_5 : i32
    %add3A_7 = arith.constant 128 : i32
    %add3A_8 = arith.addi %mul3A_6, %add3A_7 : i32
    "tpu.region"() ({
      %run_scoped3A = tpu.sem_alloc : memref<!tpu.dma_semaphore, #tpu.memory_space<semaphore_mem>>
      %dma_start3A_372 = arith.constant 0 : i32
      %dma_start3A_373 = tpu.memref_slice %arg13[%add3A_8, %dma_start3A_372] : memref<10240x128xf32, #tpu.memory_space<vmem_shared>> -> memref<128x128xf32, #tpu.memory_space<vmem_shared>>
      %dma_start3A_374 = arith.constant 0 : i32
      %dma_start3A_375 = tpu.memref_slice %arg13[%add3A_8, %dma_start3A_374] : memref<10240x128xf32, #tpu.memory_space<vmem_shared>> -> memref<128x128xf32, #tpu.memory_space<vmem_shared>>
      tpu.enqueue_dma source(%arg11 : memref<128x128xf32, #tpu.memory_space<vmem>>) target(%dma_start3A_375 : memref<128x128xf32, #tpu.memory_space<vmem_shared>>) target_semaphore(%run_scoped3A : memref<!tpu.dma_semaphore, #tpu.memory_space<semaphore_mem>>)
      %dma_wait3A = arith.constant 0 : i32
      %dma_wait3A_376 = tpu.memref_slice %arg13[%add3A_8, %dma_wait3A] : memref<10240x128xf32, #tpu.memory_space<vmem_shared>> -> memref<128x128xf32, #tpu.memory_space<vmem_shared>>
      %dma_wait3A_377 = arith.constant 0 : i32
      %dma_wait3A_378 = tpu.memref_slice %arg13[%add3A_8, %dma_wait3A_377] : memref<10240x128xf32, #tpu.memory_space<vmem_shared>> -> memref<128x128xf32, #tpu.memory_space<vmem_shared>>
      tpu.wait_dma2 semaphore(%run_scoped3A : memref<!tpu.dma_semaphore, #tpu.memory_space<semaphore_mem>>) src(%arg11 : memref<128x128xf32, #tpu.memory_space<vmem>>) dst(%dma_wait3A_378 : memref<128x128xf32, #tpu.memory_space<vmem_shared>>)
      tpu.yield
    }) : () -> ()
    %mul3A_9 = arith.constant 640 : i32
    %mul3A_10 = arith.muli %arg1, %mul3A_9 : i32
    %add3A_11 = arith.constant 256 : i32
    %add3A_12 = arith.addi %mul3A_10, %add3A_11 : i32
    "tpu.region"() ({
      %run_scoped3A = tpu.sem_alloc : memref<!tpu.dma_semaphore, #tpu.memory_space<semaphore_mem>>
      %dma_start3A_372 = arith.constant 0 : i32
      %dma_start3A_373 = tpu.memref_slice %arg13[%add3A_12, %dma_start3A_372] : memref<10240x128xf32, #tpu.memory_space<vmem_shared>> -> memref<128x128xf32, #tpu.memory_space<vmem_shared>>
      %dma_start3A_374 = arith.constant 0 : i32
      %dma_start3A_375 = tpu.memref_slice %arg13[%add3A_12, %dma_start3A_374] : memref<10240x128xf32, #tpu.memory_space<vmem_shared>> -> memref<128x128xf32, #tpu.memory_space<vmem_shared>>
      tpu.enqueue_dma source(%arg11 : memref<128x128xf32, #tpu.memory_space<vmem>>) target(%dma_start3A_375 : memref<128x128xf32, #tpu.memory_space<vmem_shared>>) target_semaphore(%run_scoped3A : memref<!tpu.dma_semaphore, #tpu.memory_space<semaphore_mem>>)
      %dma_wait3A = arith.constant 0 : i32
      %dma_wait3A_376 = tpu.memref_slice %arg13[%add3A_12, %dma_wait3A] : memref<10240x128xf32, #tpu.memory_space<vmem_shared>> -> memref<128x128xf32, #tpu.memory_space<vmem_shared>>
      %dma_wait3A_377 = arith.constant 0 : i32
      %dma_wait3A_378 = tpu.memref_slice %arg13[%add3A_12, %dma_wait3A_377] : memref<10240x128xf32, #tpu.memory_space<vmem_shared>> -> memref<128x128xf32, #tpu.memory_space<vmem_shared>>
      tpu.wait_dma2 semaphore(%run_scoped3A : memref<!tpu.dma_semaphore, #tpu.memory_space<semaphore_mem>>) src(%arg11 : memref<128x128xf32, #tpu.memory_space<vmem>>) dst(%dma_wait3A_378 : memref<128x128xf32, #tpu.memory_space<vmem_shared>>)
      tpu.yield
    }) : () -> ()
    %mul3A_13 = arith.constant 640 : i32
    %mul3A_14 = arith.muli %arg1, %mul3A_13 : i32
    %add3A_15 = arith.constant 384 : i32
    %add3A_16 = arith.addi %mul3A_14, %add3A_15 : i32
    "tpu.region"() ({
      %run_scoped3A = tpu.sem_alloc : memref<!tpu.dma_semaphore, #tpu.memory_space<semaphore_mem>>
      %dma_start3A_372 = arith.constant 0 : i32
      %dma_start3A_373 = tpu.memref_slice %arg13[%add3A_16, %dma_start3A_372] : memref<10240x128xf32, #tpu.memory_space<vmem_shared>> -> memref<128x128xf32, #tpu.memory_space<vmem_shared>>
      %dma_start3A_374 = arith.constant 0 : i32
      %dma_start3A_375 = tpu.memref_slice %arg13[%add3A_16, %dma_start3A_374] : memref<10240x128xf32, #tpu.memory_space<vmem_shared>> -> memref<128x128xf32, #tpu.memory_space<vmem_shared>>
      tpu.enqueue_dma source(%arg11 : memref<128x128xf32, #tpu.memory_space<vmem>>) target(%dma_start3A_375 : memref<128x128xf32, #tpu.memory_space<vmem_shared>>) target_semaphore(%run_scoped3A : memref<!tpu.dma_semaphore, #tpu.memory_space<semaphore_mem>>)
      %dma_wait3A = arith.constant 0 : i32
      %dma_wait3A_376 = tpu.memref_slice %arg13[%add3A_16, %dma_wait3A] : memref<10240x128xf32, #tpu.memory_space<vmem_shared>> -> memref<128x128xf32, #tpu.memory_space<vmem_shared>>
      %dma_wait3A_377 = arith.constant 0 : i32
      %dma_wait3A_378 = tpu.memref_slice %arg13[%add3A_16, %dma_wait3A_377] : memref<10240x128xf32, #tpu.memory_space<vmem_shared>> -> memref<128x128xf32, #tpu.memory_space<vmem_shared>>
      tpu.wait_dma2 semaphore(%run_scoped3A : memref<!tpu.dma_semaphore, #tpu.memory_space<semaphore_mem>>) src(%arg11 : memref<128x128xf32, #tpu.memory_space<vmem>>) dst(%dma_wait3A_378 : memref<128x128xf32, #tpu.memory_space<vmem_shared>>)
      tpu.yield
    }) : () -> ()
    %mul3A_17 = arith.constant 640 : i32
    %mul3A_18 = arith.muli %arg1, %mul3A_17 : i32
    %add3A_19 = arith.constant 512 : i32
    %add3A_20 = arith.addi %mul3A_18, %add3A_19 : i32
    "tpu.region"() ({
      %run_scoped3A = tpu.sem_alloc : memref<!tpu.dma_semaphore, #tpu.memory_space<semaphore_mem>>
      %dma_start3A_372 = arith.constant 0 : i32
      %dma_start3A_373 = tpu.memref_slice %arg13[%add3A_20, %dma_start3A_372] : memref<10240x128xf32, #tpu.memory_space<vmem_shared>> -> memref<128x128xf32, #tpu.memory_space<vmem_shared>>
      %dma_start3A_374 = arith.constant 0 : i32
      %dma_start3A_375 = tpu.memref_slice %arg13[%add3A_20, %dma_start3A_374] : memref<10240x128xf32, #tpu.memory_space<vmem_shared>> -> memref<128x128xf32, #tpu.memory_space<vmem_shared>>
      tpu.enqueue_dma source(%arg11 : memref<128x128xf32, #tpu.memory_space<vmem>>) target(%dma_start3A_375 : memref<128x128xf32, #tpu.memory_space<vmem_shared>>) target_semaphore(%run_scoped3A : memref<!tpu.dma_semaphore, #tpu.memory_space<semaphore_mem>>)
      %dma_wait3A = arith.constant 0 : i32
      %dma_wait3A_376 = tpu.memref_slice %arg13[%add3A_20, %dma_wait3A] : memref<10240x128xf32, #tpu.memory_space<vmem_shared>> -> memref<128x128xf32, #tpu.memory_space<vmem_shared>>
      %dma_wait3A_377 = arith.constant 0 : i32
      %dma_wait3A_378 = tpu.memref_slice %arg13[%add3A_20, %dma_wait3A_377] : memref<10240x128xf32, #tpu.memory_space<vmem_shared>> -> memref<128x128xf32, #tpu.memory_space<vmem_shared>>
      tpu.wait_dma2 semaphore(%run_scoped3A : memref<!tpu.dma_semaphore, #tpu.memory_space<semaphore_mem>>) src(%arg11 : memref<128x128xf32, #tpu.memory_space<vmem>>) dst(%dma_wait3A_378 : memref<128x128xf32, #tpu.memory_space<vmem_shared>>)
      tpu.yield
    }) : () -> ()
    %barrier3A = arith.constant 0 : index
    tpu.barrier barrier_id(%barrier3A)
    %get3A = arith.constant 0 : i32
    %get3A_21 = arith.index_cast %get3A : i32 to index
    %get3A_22 = arith.constant 0 : index
    %get3A_23 = tpu.vector_load %arg6[%get3A_21, %get3A_22] {strides = array<i32>} : memref<80x128xi32, #tpu.memory_space<vmem>>, vector<1x16xi32>,
    %get3A_24 = vector.shape_cast %get3A_23 : vector<1x16xi32> to vector<16xi32>
    %and3A = arith.constant 65535 : i32
    %and3A_25 = vector.broadcast %and3A : i32 to vector<16xi32>
    %and3A_26 = arith.andi %get3A_24, %and3A_25 : vector<16xi32>
    %swap3A = arith.constant 0 : index
    %swap3A_27 = tpu.vector_load %arg7[%swap3A] {strides = array<i32>} : memref<128xi32, #tpu.memory_space<vmem>>, vector<16xi32>,
    %swap3A_28 = vector.shape_cast %swap3A_27 : vector<16xi32> to vector<16xi32>
    %swap3A_29 = vector.shape_cast %and3A_26 : vector<16xi32> to vector<16xi32>
    tpu.vector_store %arg7[%swap3A], %swap3A_29 {strides = array<i32>} : memref<128xi32, #tpu.memory_space<vmem>>, vector<16xi32>,
    %shift_right_logical3A = arith.constant 16 : i32
    %shift_right_logical3A_30 = vector.broadcast %shift_right_logical3A : i32 to vector<16xi32>
    %shift_right_logical3A_31 = arith.shrui %get3A_24, %shift_right_logical3A_30 : vector<16xi32>
    %swap3A_32 = arith.constant 0 : index
    %swap3A_33 = tpu.vector_load %arg9[%swap3A_32] {strides = array<i32>} : memref<128xi32, #tpu.memory_space<vmem>>, vector<16xi32>,
    %swap3A_34 = vector.shape_cast %swap3A_33 : vector<16xi32> to vector<16xi32>
    %swap3A_35 = vector.shape_cast %shift_right_logical3A_31 : vector<16xi32> to vector<16xi32>
    tpu.vector_store %arg9[%swap3A_32], %swap3A_35 {strides = array<i32>} : memref<128xi32, #tpu.memory_space<vmem>>, vector<16xi32>,
    %get3A_36 = arith.constant 0 : i32
    %get3A_37 = arith.index_cast %get3A_36 : i32 to index
    %get3A_38 = arith.constant 16 : index
    %get3A_39 = tpu.vector_load %arg6[%get3A_37, %get3A_38] {strides = array<i32>} : memref<80x128xi32, #tpu.memory_space<vmem>>, vector<1x16xi32>,
    %get3A_40 = vector.shape_cast %get3A_39 : vector<1x16xi32> to vector<16xi32>
    %and3A_41 = arith.constant 65535 : i32
    %and3A_42 = vector.broadcast %and3A_41 : i32 to vector<16xi32>
    %and3A_43 = arith.andi %get3A_40, %and3A_42 : vector<16xi32>
    %swap3A_44 = arith.constant 16 : index
    %swap3A_45 = tpu.vector_load %arg7[%swap3A_44] {strides = array<i32>} : memref<128xi32, #tpu.memory_space<vmem>>, vector<16xi32>,
    %swap3A_46 = vector.shape_cast %swap3A_45 : vector<16xi32> to vector<16xi32>
    %swap3A_47 = vector.shape_cast %and3A_43 : vector<16xi32> to vector<16xi32>
    tpu.vector_store %arg7[%swap3A_44], %swap3A_47 {strides = array<i32>} : memref<128xi32, #tpu.memory_space<vmem>>, vector<16xi32>,
    %shift_right_logical3A_48 = arith.constant 16 : i32
    %shift_right_logical3A_49 = vector.broadcast %shift_right_logical3A_48 : i32 to vector<16xi32>
    %shift_right_logical3A_50 = arith.shrui %get3A_40, %shift_right_logical3A_49 : vector<16xi32>
    %swap3A_51 = arith.constant 16 : index
    %swap3A_52 = tpu.vector_load %arg9[%swap3A_51] {strides = array<i32>} : memref<128xi32, #tpu.memory_space<vmem>>, vector<16xi32>,
    %swap3A_53 = vector.shape_cast %swap3A_52 : vector<16xi32> to vector<16xi32>
    %swap3A_54 = vector.shape_cast %shift_right_logical3A_50 : vector<16xi32> to vector<16xi32>
    tpu.vector_store %arg9[%swap3A_51], %swap3A_54 {strides = array<i32>} : memref<128xi32, #tpu.memory_space<vmem>>, vector<16xi32>,
    %get3A_55 = arith.constant 0 : i32
    %get3A_56 = arith.index_cast %get3A_55 : i32 to index
    %get3A_57 = arith.constant 32 : index
    %get3A_58 = tpu.vector_load %arg6[%get3A_56, %get3A_57] {strides = array<i32>} : memref<80x128xi32, #tpu.memory_space<vmem>>, vector<1x16xi32>,
    %get3A_59 = vector.shape_cast %get3A_58 : vector<1x16xi32> to vector<16xi32>
    %and3A_60 = arith.constant 65535 : i32
    %and3A_61 = vector.broadcast %and3A_60 : i32 to vector<16xi32>
    %and3A_62 = arith.andi %get3A_59, %and3A_61 : vector<16xi32>
    %swap3A_63 = arith.constant 32 : index
    %swap3A_64 = tpu.vector_load %arg7[%swap3A_63] {strides = array<i32>} : memref<128xi32, #tpu.memory_space<vmem>>, vector<16xi32>,
    %swap3A_65 = vector.shape_cast %swap3A_64 : vector<16xi32> to vector<16xi32>
    %swap3A_66 = vector.shape_cast %and3A_62 : vector<16xi32> to vector<16xi32>
    tpu.vector_store %arg7[%swap3A_63], %swap3A_66 {strides = array<i32>} : memref<128xi32, #tpu.memory_space<vmem>>, vector<16xi32>,
    %shift_right_logical3A_67 = arith.constant 16 : i32
    %shift_right_logical3A_68 = vector.broadcast %shift_right_logical3A_67 : i32 to vector<16xi32>
    %shift_right_logical3A_69 = arith.shrui %get3A_59, %shift_right_logical3A_68 : vector<16xi32>
    %swap3A_70 = arith.constant 32 : index
    %swap3A_71 = tpu.vector_load %arg9[%swap3A_70] {strides = array<i32>} : memref<128xi32, #tpu.memory_space<vmem>>, vector<16xi32>,
    %swap3A_72 = vector.shape_cast %swap3A_71 : vector<16xi32> to vector<16xi32>
    %swap3A_73 = vector.shape_cast %shift_right_logical3A_69 : vector<16xi32> to vector<16xi32>
    tpu.vector_store %arg9[%swap3A_70], %swap3A_73 {strides = array<i32>} : memref<128xi32, #tpu.memory_space<vmem>>, vector<16xi32>,
    %get3A_74 = arith.constant 0 : i32
    %get3A_75 = arith.index_cast %get3A_74 : i32 to index
    %get3A_76 = arith.constant 48 : index
    %get3A_77 = tpu.vector_load %arg6[%get3A_75, %get3A_76] {strides = array<i32>} : memref<80x128xi32, #tpu.memory_space<vmem>>, vector<1x16xi32>,
    %get3A_78 = vector.shape_cast %get3A_77 : vector<1x16xi32> to vector<16xi32>
    %and3A_79 = arith.constant 65535 : i32
    %and3A_80 = vector.broadcast %and3A_79 : i32 to vector<16xi32>
    %and3A_81 = arith.andi %get3A_78, %and3A_80 : vector<16xi32>
    %swap3A_82 = arith.constant 48 : index
    %swap3A_83 = tpu.vector_load %arg7[%swap3A_82] {strides = array<i32>} : memref<128xi32, #tpu.memory_space<vmem>>, vector<16xi32>,
    %swap3A_84 = vector.shape_cast %swap3A_83 : vector<16xi32> to vector<16xi32>
    %swap3A_85 = vector.shape_cast %and3A_81 : vector<16xi32> to vector<16xi32>
    tpu.vector_store %arg7[%swap3A_82], %swap3A_85 {strides = array<i32>} : memref<128xi32, #tpu.memory_space<vmem>>, vector<16xi32>,
    %shift_right_logical3A_86 = arith.constant 16 : i32
    %shift_right_logical3A_87 = vector.broadcast %shift_right_logical3A_86 : i32 to vector<16xi32>
    %shift_right_logical3A_88 = arith.shrui %get3A_78, %shift_right_logical3A_87 : vector<16xi32>
    %swap3A_89 = arith.constant 48 : index
    %swap3A_90 = tpu.vector_load %arg9[%swap3A_89] {strides = array<i32>} : memref<128xi32, #tpu.memory_space<vmem>>, vector<16xi32>,
    %swap3A_91 = vector.shape_cast %swap3A_90 : vector<16xi32> to vector<16xi32>
    %swap3A_92 = vector.shape_cast %shift_right_logical3A_88 : vector<16xi32> to vector<16xi32>
    tpu.vector_store %arg9[%swap3A_89], %swap3A_92 {strides = array<i32>} : memref<128xi32, #tpu.memory_space<vmem>>, vector<16xi32>,
    %get3A_93 = arith.constant 0 : i32
    %get3A_94 = arith.index_cast %get3A_93 : i32 to index
    %get3A_95 = arith.constant 64 : index
    %get3A_96 = tpu.vector_load %arg6[%get3A_94, %get3A_95] {strides = array<i32>} : memref<80x128xi32, #tpu.memory_space<vmem>>, vector<1x16xi32>,
    %get3A_97 = vector.shape_cast %get3A_96 : vector<1x16xi32> to vector<16xi32>
    %and3A_98 = arith.constant 65535 : i32
    %and3A_99 = vector.broadcast %and3A_98 : i32 to vector<16xi32>
    %and3A_100 = arith.andi %get3A_97, %and3A_99 : vector<16xi32>
    %swap3A_101 = arith.constant 64 : index
    %swap3A_102 = tpu.vector_load %arg7[%swap3A_101] {strides = array<i32>} : memref<128xi32, #tpu.memory_space<vmem>>, vector<16xi32>,
    %swap3A_103 = vector.shape_cast %swap3A_102 : vector<16xi32> to vector<16xi32>
    %swap3A_104 = vector.shape_cast %and3A_100 : vector<16xi32> to vector<16xi32>
    tpu.vector_store %arg7[%swap3A_101], %swap3A_104 {strides = array<i32>} : memref<128xi32, #tpu.memory_space<vmem>>, vector<16xi32>,
    %shift_right_logical3A_105 = arith.constant 16 : i32
    %shift_right_logical3A_106 = vector.broadcast %shift_right_logical3A_105 : i32 to vector<16xi32>
    %shift_right_logical3A_107 = arith.shrui %get3A_97, %shift_right_logical3A_106 : vector<16xi32>
    %swap3A_108 = arith.constant 64 : index
    %swap3A_109 = tpu.vector_load %arg9[%swap3A_108] {strides = array<i32>} : memref<128xi32, #tpu.memory_space<vmem>>, vector<16xi32>,
    %swap3A_110 = vector.shape_cast %swap3A_109 : vector<16xi32> to vector<16xi32>
    %swap3A_111 = vector.shape_cast %shift_right_logical3A_107 : vector<16xi32> to vector<16xi32>
    tpu.vector_store %arg9[%swap3A_108], %swap3A_111 {strides = array<i32>} : memref<128xi32, #tpu.memory_space<vmem>>, vector<16xi32>,
    %get3A_112 = arith.constant 0 : i32
    %get3A_113 = arith.index_cast %get3A_112 : i32 to index
    %get3A_114 = arith.constant 80 : index
    %get3A_115 = tpu.vector_load %arg6[%get3A_113, %get3A_114] {strides = array<i32>} : memref<80x128xi32, #tpu.memory_space<vmem>>, vector<1x16xi32>,
    %get3A_116 = vector.shape_cast %get3A_115 : vector<1x16xi32> to vector<16xi32>
    %and3A_117 = arith.constant 65535 : i32
    %and3A_118 = vector.broadcast %and3A_117 : i32 to vector<16xi32>
    %and3A_119 = arith.andi %get3A_116, %and3A_118 : vector<16xi32>
    %swap3A_120 = arith.constant 80 : index
    %swap3A_121 = tpu.vector_load %arg7[%swap3A_120] {strides = array<i32>} : memref<128xi32, #tpu.memory_space<vmem>>, vector<16xi32>,
    %swap3A_122 = vector.shape_cast %swap3A_121 : vector<16xi32> to vector<16xi32>
    %swap3A_123 = vector.shape_cast %and3A_119 : vector<16xi32> to vector<16xi32>
    tpu.vector_store %arg7[%swap3A_120], %swap3A_123 {strides = array<i32>} : memref<128xi32, #tpu.memory_space<vmem>>, vector<16xi32>,
    %shift_right_logical3A_124 = arith.constant 16 : i32
    %shift_right_logical3A_125 = vector.broadcast %shift_right_logical3A_124 : i32 to vector<16xi32>
    %shift_right_logical3A_126 = arith.shrui %get3A_116, %shift_right_logical3A_125 : vector<16xi32>
    %swap3A_127 = arith.constant 80 : index
    %swap3A_128 = tpu.vector_load %arg9[%swap3A_127] {strides = array<i32>} : memref<128xi32, #tpu.memory_space<vmem>>, vector<16xi32>,
    %swap3A_129 = vector.shape_cast %swap3A_128 : vector<16xi32> to vector<16xi32>
    %swap3A_130 = vector.shape_cast %shift_right_logical3A_126 : vector<16xi32> to vector<16xi32>
    tpu.vector_store %arg9[%swap3A_127], %swap3A_130 {strides = array<i32>} : memref<128xi32, #tpu.memory_space<vmem>>, vector<16xi32>,
    %get3A_131 = arith.constant 0 : i32
    %get3A_132 = arith.index_cast %get3A_131 : i32 to index
    %get3A_133 = arith.constant 96 : index
    %get3A_134 = tpu.vector_load %arg6[%get3A_132, %get3A_133] {strides = array<i32>} : memref<80x128xi32, #tpu.memory_space<vmem>>, vector<1x16xi32>,
    %get3A_135 = vector.shape_cast %get3A_134 : vector<1x16xi32> to vector<16xi32>
    %and3A_136 = arith.constant 65535 : i32
    %and3A_137 = vector.broadcast %and3A_136 : i32 to vector<16xi32>
    %and3A_138 = arith.andi %get3A_135, %and3A_137 : vector<16xi32>
    %swap3A_139 = arith.constant 96 : index
    %swap3A_140 = tpu.vector_load %arg7[%swap3A_139] {strides = array<i32>} : memref<128xi32, #tpu.memory_space<vmem>>, vector<16xi32>,
    %swap3A_141 = vector.shape_cast %swap3A_140 : vector<16xi32> to vector<16xi32>
    %swap3A_142 = vector.shape_cast %and3A_138 : vector<16xi32> to vector<16xi32>
    tpu.vector_store %arg7[%swap3A_139], %swap3A_142 {strides = array<i32>} : memref<128xi32, #tpu.memory_space<vmem>>, vector<16xi32>,
    %shift_right_logical3A_143 = arith.constant 16 : i32
    %shift_right_logical3A_144 = vector.broadcast %shift_right_logical3A_143 : i32 to vector<16xi32>
    %shift_right_logical3A_145 = arith.shrui %get3A_135, %shift_right_logical3A_144 : vector<16xi32>
    %swap3A_146 = arith.constant 96 : index
    %swap3A_147 = tpu.vector_load %arg9[%swap3A_146] {strides = array<i32>} : memref<128xi32, #tpu.memory_space<vmem>>, vector<16xi32>,
    %swap3A_148 = vector.shape_cast %swap3A_147 : vector<16xi32> to vector<16xi32>
    %swap3A_149 = vector.shape_cast %shift_right_logical3A_145 : vector<16xi32> to vector<16xi32>
    tpu.vector_store %arg9[%swap3A_146], %swap3A_149 {strides = array<i32>} : memref<128xi32, #tpu.memory_space<vmem>>, vector<16xi32>,
    %get3A_150 = arith.constant 0 : i32
    %get3A_151 = arith.index_cast %get3A_150 : i32 to index
    %get3A_152 = arith.constant 112 : index
    %get3A_153 = tpu.vector_load %arg6[%get3A_151, %get3A_152] {strides = array<i32>} : memref<80x128xi32, #tpu.memory_space<vmem>>, vector<1x16xi32>,
    %get3A_154 = vector.shape_cast %get3A_153 : vector<1x16xi32> to vector<16xi32>
    %and3A_155 = arith.constant 65535 : i32
    %and3A_156 = vector.broadcast %and3A_155 : i32 to vector<16xi32>
    %and3A_157 = arith.andi %get3A_154, %and3A_156 : vector<16xi32>
    %swap3A_158 = arith.constant 112 : index
    %swap3A_159 = tpu.vector_load %arg7[%swap3A_158] {strides = array<i32>} : memref<128xi32, #tpu.memory_space<vmem>>, vector<16xi32>,
    %swap3A_160 = vector.shape_cast %swap3A_159 : vector<16xi32> to vector<16xi32>
    %swap3A_161 = vector.shape_cast %and3A_157 : vector<16xi32> to vector<16xi32>
    tpu.vector_store %arg7[%swap3A_158], %swap3A_161 {strides = array<i32>} : memref<128xi32, #tpu.memory_space<vmem>>, vector<16xi32>,
    %shift_right_logical3A_162 = arith.constant 16 : i32
    %shift_right_logical3A_163 = vector.broadcast %shift_right_logical3A_162 : i32 to vector<16xi32>
    %shift_right_logical3A_164 = arith.shrui %get3A_154, %shift_right_logical3A_163 : vector<16xi32>
    %swap3A_165 = arith.constant 112 : index
    %swap3A_166 = tpu.vector_load %arg9[%swap3A_165] {strides = array<i32>} : memref<128xi32, #tpu.memory_space<vmem>>, vector<16xi32>,
    %swap3A_167 = vector.shape_cast %swap3A_166 : vector<16xi32> to vector<16xi32>
    %swap3A_168 = vector.shape_cast %shift_right_logical3A_164 : vector<16xi32> to vector<16xi32>
    tpu.vector_store %arg9[%swap3A_165], %swap3A_168 {strides = array<i32>} : memref<128xi32, #tpu.memory_space<vmem>>, vector<16xi32>,
    %dma_start3A = arith.constant 0 : i32
    %dma_start3A_169 = arith.constant 0 : i32
    %dma_start3A_170 = tpu.memref_slice %arg2[%dma_start3A, %dma_start3A_169] : memref<10000x128xf32, #tpu.memory_space<hbm>> -> memref<10000x128xf32, #tpu.memory_space<hbm>>
    tpu.enqueue_indirect_dma source(%dma_start3A_170 : memref<10000x128xf32, #tpu.memory_space<hbm>>) target(%arg11 : memref<128x128xf32, #tpu.memory_space<vmem>>) offsets(%arg7 : memref<128xi32, #tpu.memory_space<vmem>>) semaphore(%arg14 : memref<!tpu.dma_semaphore, #tpu.memory_space<semaphore_mem>>)
    %get3A_171 = arith.constant 1 : i32
    %get3A_172 = arith.index_cast %get3A_171 : i32 to index
    %get3A_173 = arith.constant 0 : index
    %get3A_174 = tpu.vector_load %arg6[%get3A_172, %get3A_173] {strides = array<i32>} : memref<80x128xi32, #tpu.memory_space<vmem>>, vector<1x16xi32>,
    %get3A_175 = vector.shape_cast %get3A_174 : vector<1x16xi32> to vector<16xi32>
    %and3A_176 = arith.constant 65535 : i32
    %and3A_177 = vector.broadcast %and3A_176 : i32 to vector<16xi32>
    %and3A_178 = arith.andi %get3A_175, %and3A_177 : vector<16xi32>
    %swap3A_179 = arith.constant 0 : index
    %swap3A_180 = tpu.vector_load %arg8[%swap3A_179] {strides = array<i32>} : memref<128xi32, #tpu.memory_space<vmem>>, vector<16xi32>,
    %swap3A_181 = vector.shape_cast %swap3A_180 : vector<16xi32> to vector<16xi32>
    %swap3A_182 = vector.shape_cast %and3A_178 : vector<16xi32> to vector<16xi32>
    tpu.vector_store %arg8[%swap3A_179], %swap3A_182 {strides = array<i32>} : memref<128xi32, #tpu.memory_space<vmem>>, vector<16xi32>,
    %shift_right_logical3A_183 = arith.constant 16 : i32
    %shift_right_logical3A_184 = vector.broadcast %shift_right_logical3A_183 : i32 to vector<16xi32>
    %shift_right_logical3A_185 = arith.shrui %get3A_175, %shift_right_logical3A_184 : vector<16xi32>
    %swap3A_186 = arith.constant 0 : index
    %swap3A_187 = tpu.vector_load %arg10[%swap3A_186] {strides = array<i32>} : memref<128xi32, #tpu.memory_space<vmem>>, vector<16xi32>,
    %swap3A_188 = vector.shape_cast %swap3A_187 : vector<16xi32> to vector<16xi32>
    %swap3A_189 = vector.shape_cast %shift_right_logical3A_185 : vector<16xi32> to vector<16xi32>
    tpu.vector_store %arg10[%swap3A_186], %swap3A_189 {strides = array<i32>} : memref<128xi32, #tpu.memory_space<vmem>>, vector<16xi32>,
    %get3A_190 = arith.constant 1 : i32
    %get3A_191 = arith.index_cast %get3A_190 : i32 to index
    %get3A_192 = arith.constant 16 : index
    %get3A_193 = tpu.vector_load %arg6[%get3A_191, %get3A_192] {strides = array<i32>} : memref<80x128xi32, #tpu.memory_space<vmem>>, vector<1x16xi32>,
    %get3A_194 = vector.shape_cast %get3A_193 : vector<1x16xi32> to vector<16xi32>
    %and3A_195 = arith.constant 65535 : i32
    %and3A_196 = vector.broadcast %and3A_195 : i32 to vector<16xi32>
    %and3A_197 = arith.andi %get3A_194, %and3A_196 : vector<16xi32>
    %swap3A_198 = arith.constant 16 : index
    %swap3A_199 = tpu.vector_load %arg8[%swap3A_198] {strides = array<i32>} : memref<128xi32, #tpu.memory_space<vmem>>, vector<16xi32>,
    %swap3A_200 = vector.shape_cast %swap3A_199 : vector<16xi32> to vector<16xi32>
    %swap3A_201 = vector.shape_cast %and3A_197 : vector<16xi32> to vector<16xi32>
    tpu.vector_store %arg8[%swap3A_198], %swap3A_201 {strides = array<i32>} : memref<128xi32, #tpu.memory_space<vmem>>, vector<16xi32>,
    %shift_right_logical3A_202 = arith.constant 16 : i32
    %shift_right_logical3A_203 = vector.broadcast %shift_right_logical3A_202 : i32 to vector<16xi32>
    %shift_right_logical3A_204 = arith.shrui %get3A_194, %shift_right_logical3A_203 : vector<16xi32>
    %swap3A_205 = arith.constant 16 : index
    %swap3A_206 = tpu.vector_load %arg10[%swap3A_205] {strides = array<i32>} : memref<128xi32, #tpu.memory_space<vmem>>, vector<16xi32>,
    %swap3A_207 = vector.shape_cast %swap3A_206 : vector<16xi32> to vector<16xi32>
    %swap3A_208 = vector.shape_cast %shift_right_logical3A_204 : vector<16xi32> to vector<16xi32>
    tpu.vector_store %arg10[%swap3A_205], %swap3A_208 {strides = array<i32>} : memref<128xi32, #tpu.memory_space<vmem>>, vector<16xi32>,
    %get3A_209 = arith.constant 1 : i32
    %get3A_210 = arith.index_cast %get3A_209 : i32 to index
    %get3A_211 = arith.constant 32 : index
    %get3A_212 = tpu.vector_load %arg6[%get3A_210, %get3A_211] {strides = array<i32>} : memref<80x128xi32, #tpu.memory_space<vmem>>, vector<1x16xi32>,
    %get3A_213 = vector.shape_cast %get3A_212 : vector<1x16xi32> to vector<16xi32>
    %and3A_214 = arith.constant 65535 : i32
    %and3A_215 = vector.broadcast %and3A_214 : i32 to vector<16xi32>
    %and3A_216 = arith.andi %get3A_213, %and3A_215 : vector<16xi32>
    %swap3A_217 = arith.constant 32 : index
    %swap3A_218 = tpu.vector_load %arg8[%swap3A_217] {strides = array<i32>} : memref<128xi32, #tpu.memory_space<vmem>>, vector<16xi32>,
    %swap3A_219 = vector.shape_cast %swap3A_218 : vector<16xi32> to vector<16xi32>
    %swap3A_220 = vector.shape_cast %and3A_216 : vector<16xi32> to vector<16xi32>
    tpu.vector_store %arg8[%swap3A_217], %swap3A_220 {strides = array<i32>} : memref<128xi32, #tpu.memory_space<vmem>>, vector<16xi32>,
    %shift_right_logical3A_221 = arith.constant 16 : i32
    %shift_right_logical3A_222 = vector.broadcast %shift_right_logical3A_221 : i32 to vector<16xi32>
    %shift_right_logical3A_223 = arith.shrui %get3A_213, %shift_right_logical3A_222 : vector<16xi32>
    %swap3A_224 = arith.constant 32 : index
    %swap3A_225 = tpu.vector_load %arg10[%swap3A_224] {strides = array<i32>} : memref<128xi32, #tpu.memory_space<vmem>>, vector<16xi32>,
    %swap3A_226 = vector.shape_cast %swap3A_225 : vector<16xi32> to vector<16xi32>
    %swap3A_227 = vector.shape_cast %shift_right_logical3A_223 : vector<16xi32> to vector<16xi32>
    tpu.vector_store %arg10[%swap3A_224], %swap3A_227 {strides = array<i32>} : memref<128xi32, #tpu.memory_space<vmem>>, vector<16xi32>,
    %get3A_228 = arith.constant 1 : i32
    %get3A_229 = arith.index_cast %get3A_228 : i32 to index
    %get3A_230 = arith.constant 48 : index
    %get3A_231 = tpu.vector_load %arg6[%get3A_229, %get3A_230] {strides = array<i32>} : memref<80x128xi32, #tpu.memory_space<vmem>>, vector<1x16xi32>,
    %get3A_232 = vector.shape_cast %get3A_231 : vector<1x16xi32> to vector<16xi32>
    %and3A_233 = arith.constant 65535 : i32
    %and3A_234 = vector.broadcast %and3A_233 : i32 to vector<16xi32>
    %and3A_235 = arith.andi %get3A_232, %and3A_234 : vector<16xi32>
    %swap3A_236 = arith.constant 48 : index
    %swap3A_237 = tpu.vector_load %arg8[%swap3A_236] {strides = array<i32>} : memref<128xi32, #tpu.memory_space<vmem>>, vector<16xi32>,
    %swap3A_238 = vector.shape_cast %swap3A_237 : vector<16xi32> to vector<16xi32>
    %swap3A_239 = vector.shape_cast %and3A_235 : vector<16xi32> to vector<16xi32>
    tpu.vector_store %arg8[%swap3A_236], %swap3A_239 {strides = array<i32>} : memref<128xi32, #tpu.memory_space<vmem>>, vector<16xi32>,
    %shift_right_logical3A_240 = arith.constant 16 : i32
    %shift_right_logical3A_241 = vector.broadcast %shift_right_logical3A_240 : i32 to vector<16xi32>
    %shift_right_logical3A_242 = arith.shrui %get3A_232, %shift_right_logical3A_241 : vector<16xi32>
    %swap3A_243 = arith.constant 48 : index
    %swap3A_244 = tpu.vector_load %arg10[%swap3A_243] {strides = array<i32>} : memref<128xi32, #tpu.memory_space<vmem>>, vector<16xi32>,
    %swap3A_245 = vector.shape_cast %swap3A_244 : vector<16xi32> to vector<16xi32>
    %swap3A_246 = vector.shape_cast %shift_right_logical3A_242 : vector<16xi32> to vector<16xi32>
    tpu.vector_store %arg10[%swap3A_243], %swap3A_246 {strides = array<i32>} : memref<128xi32, #tpu.memory_space<vmem>>, vector<16xi32>,
    %get3A_247 = arith.constant 1 : i32
    %get3A_248 = arith.index_cast %get3A_247 : i32 to index
    %get3A_249 = arith.constant 64 : index
    %get3A_250 = tpu.vector_load %arg6[%get3A_248, %get3A_249] {strides = array<i32>} : memref<80x128xi32, #tpu.memory_space<vmem>>, vector<1x16xi32>,
    %get3A_251 = vector.shape_cast %get3A_250 : vector<1x16xi32> to vector<16xi32>
    %and3A_252 = arith.constant 65535 : i32
    %and3A_253 = vector.broadcast %and3A_252 : i32 to vector<16xi32>
    %and3A_254 = arith.andi %get3A_251, %and3A_253 : vector<16xi32>
    %swap3A_255 = arith.constant 64 : index
    %swap3A_256 = tpu.vector_load %arg8[%swap3A_255] {strides = array<i32>} : memref<128xi32, #tpu.memory_space<vmem>>, vector<16xi32>,
    %swap3A_257 = vector.shape_cast %swap3A_256 : vector<16xi32> to vector<16xi32>
    %swap3A_258 = vector.shape_cast %and3A_254 : vector<16xi32> to vector<16xi32>
    tpu.vector_store %arg8[%swap3A_255], %swap3A_258 {strides = array<i32>} : memref<128xi32, #tpu.memory_space<vmem>>, vector<16xi32>,
    %shift_right_logical3A_259 = arith.constant 16 : i32
    %shift_right_logical3A_260 = vector.broadcast %shift_right_logical3A_259 : i32 to vector<16xi32>
    %shift_right_logical3A_261 = arith.shrui %get3A_251, %shift_right_logical3A_260 : vector<16xi32>
    %swap3A_262 = arith.constant 64 : index
    %swap3A_263 = tpu.vector_load %arg10[%swap3A_262] {strides = array<i32>} : memref<128xi32, #tpu.memory_space<vmem>>, vector<16xi32>,
    %swap3A_264 = vector.shape_cast %swap3A_263 : vector<16xi32> to vector<16xi32>
    %swap3A_265 = vector.shape_cast %shift_right_logical3A_261 : vector<16xi32> to vector<16xi32>
    tpu.vector_store %arg10[%swap3A_262], %swap3A_265 {strides = array<i32>} : memref<128xi32, #tpu.memory_space<vmem>>, vector<16xi32>,
    %get3A_266 = arith.constant 1 : i32
    %get3A_267 = arith.index_cast %get3A_266 : i32 to index
    %get3A_268 = arith.constant 80 : index
    %get3A_269 = tpu.vector_load %arg6[%get3A_267, %get3A_268] {strides = array<i32>} : memref<80x128xi32, #tpu.memory_space<vmem>>, vector<1x16xi32>,
    %get3A_270 = vector.shape_cast %get3A_269 : vector<1x16xi32> to vector<16xi32>
    %and3A_271 = arith.constant 65535 : i32
    %and3A_272 = vector.broadcast %and3A_271 : i32 to vector<16xi32>
    %and3A_273 = arith.andi %get3A_270, %and3A_272 : vector<16xi32>
    %swap3A_274 = arith.constant 80 : index
    %swap3A_275 = tpu.vector_load %arg8[%swap3A_274] {strides = array<i32>} : memref<128xi32, #tpu.memory_space<vmem>>, vector<16xi32>,
    %swap3A_276 = vector.shape_cast %swap3A_275 : vector<16xi32> to vector<16xi32>
    %swap3A_277 = vector.shape_cast %and3A_273 : vector<16xi32> to vector<16xi32>
    tpu.vector_store %arg8[%swap3A_274], %swap3A_277 {strides = array<i32>} : memref<128xi32, #tpu.memory_space<vmem>>, vector<16xi32>,
    %shift_right_logical3A_278 = arith.constant 16 : i32
    %shift_right_logical3A_279 = vector.broadcast %shift_right_logical3A_278 : i32 to vector<16xi32>
    %shift_right_logical3A_280 = arith.shrui %get3A_270, %shift_right_logical3A_279 : vector<16xi32>
    %swap3A_281 = arith.constant 80 : index
    %swap3A_282 = tpu.vector_load %arg10[%swap3A_281] {strides = array<i32>} : memref<128xi32, #tpu.memory_space<vmem>>, vector<16xi32>,
    %swap3A_283 = vector.shape_cast %swap3A_282 : vector<16xi32> to vector<16xi32>
    %swap3A_284 = vector.shape_cast %shift_right_logical3A_280 : vector<16xi32> to vector<16xi32>
    tpu.vector_store %arg10[%swap3A_281], %swap3A_284 {strides = array<i32>} : memref<128xi32, #tpu.memory_space<vmem>>, vector<16xi32>,
    %get3A_285 = arith.constant 1 : i32
    %get3A_286 = arith.index_cast %get3A_285 : i32 to index
    %get3A_287 = arith.constant 96 : index
    %get3A_288 = tpu.vector_load %arg6[%get3A_286, %get3A_287] {strides = array<i32>} : memref<80x128xi32, #tpu.memory_space<vmem>>, vector<1x16xi32>,
    %get3A_289 = vector.shape_cast %get3A_288 : vector<1x16xi32> to vector<16xi32>
    %and3A_290 = arith.constant 65535 : i32
    %and3A_291 = vector.broadcast %and3A_290 : i32 to vector<16xi32>
    %and3A_292 = arith.andi %get3A_289, %and3A_291 : vector<16xi32>
    %swap3A_293 = arith.constant 96 : index
    %swap3A_294 = tpu.vector_load %arg8[%swap3A_293] {strides = array<i32>} : memref<128xi32, #tpu.memory_space<vmem>>, vector<16xi32>,
    %swap3A_295 = vector.shape_cast %swap3A_294 : vector<16xi32> to vector<16xi32>
    %swap3A_296 = vector.shape_cast %and3A_292 : vector<16xi32> to vector<16xi32>
    tpu.vector_store %arg8[%swap3A_293], %swap3A_296 {strides = array<i32>} : memref<128xi32, #tpu.memory_space<vmem>>, vector<16xi32>,
    %shift_right_logical3A_297 = arith.constant 16 : i32
    %shift_right_logical3A_298 = vector.broadcast %shift_right_logical3A_297 : i32 to vector<16xi32>
    %shift_right_logical3A_299 = arith.shrui %get3A_289, %shift_right_logical3A_298 : vector<16xi32>
    %swap3A_300 = arith.constant 96 : index
    %swap3A_301 = tpu.vector_load %arg10[%swap3A_300] {strides = array<i32>} : memref<128xi32, #tpu.memory_space<vmem>>, vector<16xi32>,
    %swap3A_302 = vector.shape_cast %swap3A_301 : vector<16xi32> to vector<16xi32>
    %swap3A_303 = vector.shape_cast %shift_right_logical3A_299 : vector<16xi32> to vector<16xi32>
    tpu.vector_store %arg10[%swap3A_300], %swap3A_303 {strides = array<i32>} : memref<128xi32, #tpu.memory_space<vmem>>, vector<16xi32>,
    %get3A_304 = arith.constant 1 : i32
    %get3A_305 = arith.index_cast %get3A_304 : i32 to index
    %get3A_306 = arith.constant 112 : index
    %get3A_307 = tpu.vector_load %arg6[%get3A_305, %get3A_306] {strides = array<i32>} : memref<80x128xi32, #tpu.memory_space<vmem>>, vector<1x16xi32>,
    %get3A_308 = vector.shape_cast %get3A_307 : vector<1x16xi32> to vector<16xi32>
    %and3A_309 = arith.constant 65535 : i32
    %and3A_310 = vector.broadcast %and3A_309 : i32 to vector<16xi32>
    %and3A_311 = arith.andi %get3A_308, %and3A_310 : vector<16xi32>
    %swap3A_312 = arith.constant 112 : index
    %swap3A_313 = tpu.vector_load %arg8[%swap3A_312] {strides = array<i32>} : memref<128xi32, #tpu.memory_space<vmem>>, vector<16xi32>,
    %swap3A_314 = vector.shape_cast %swap3A_313 : vector<16xi32> to vector<16xi32>
    %swap3A_315 = vector.shape_cast %and3A_311 : vector<16xi32> to vector<16xi32>
    tpu.vector_store %arg8[%swap3A_312], %swap3A_315 {strides = array<i32>} : memref<128xi32, #tpu.memory_space<vmem>>, vector<16xi32>,
    %shift_right_logical3A_316 = arith.constant 16 : i32
    %shift_right_logical3A_317 = vector.broadcast %shift_right_logical3A_316 : i32 to vector<16xi32>
    %shift_right_logical3A_318 = arith.shrui %get3A_308, %shift_right_logical3A_317 : vector<16xi32>
    %swap3A_319 = arith.constant 112 : index
    %swap3A_320 = tpu.vector_load %arg10[%swap3A_319] {strides = array<i32>} : memref<128xi32, #tpu.memory_space<vmem>>, vector<16xi32>,
    %swap3A_321 = vector.shape_cast %swap3A_320 : vector<16xi32> to vector<16xi32>
    %swap3A_322 = vector.shape_cast %shift_right_logical3A_318 : vector<16xi32> to vector<16xi32>
    tpu.vector_store %arg10[%swap3A_319], %swap3A_322 {strides = array<i32>} : memref<128xi32, #tpu.memory_space<vmem>>, vector<16xi32>,
    %dma_start3A_323 = arith.constant 0 : i32
    %dma_start3A_324 = arith.constant 0 : i32
    %dma_start3A_325 = tpu.memref_slice %arg2[%dma_start3A_323, %dma_start3A_324] : memref<10000x128xf32, #tpu.memory_space<hbm>> -> memref<10000x128xf32, #tpu.memory_space<hbm>>
    tpu.enqueue_indirect_dma source(%dma_start3A_325 : memref<10000x128xf32, #tpu.memory_space<hbm>>) target(%arg12 : memref<128x128xf32, #tpu.memory_space<vmem>>) offsets(%arg8 : memref<128xi32, #tpu.memory_space<vmem>>) semaphore(%arg15 : memref<!tpu.dma_semaphore, #tpu.memory_space<semaphore_mem>>)
    %scan3A = arith.constant 0 : i32
    %scan3A_326 = arith.constant 0 : i32
    %scan3A_327 = arith.constant 40 : i32
    %scan3A_328 = arith.addi %scan3A_326, %scan3A_327 : i32
    %scan3A_329 = arith.constant 1 : i32
    scf.for %scan3A_372 = %scan3A_326 to %scan3A_328 step %scan3A_329  : i32 {
      %mul3A_373 = arith.constant 2 : i32
      %mul3A_374 = arith.muli %mul3A_373, %scan3A_372 : i32
      %dma_wait3A = arith.constant 0 : i32
      %dma_wait3A_375 = arith.constant 0 : i32
      %dma_wait3A_376 = tpu.memref_slice %arg2[%dma_wait3A, %dma_wait3A_375] : memref<10000x128xf32, #tpu.memory_space<hbm>> -> memref<10000x128xf32, #tpu.memory_space<hbm>>
      tpu.wait_indirect_dma semaphore(%arg14 : memref<!tpu.dma_semaphore, #tpu.memory_space<semaphore_mem>>) src(%dma_wait3A_376 : memref<10000x128xf32, #tpu.memory_space<hbm>>) dst(%arg11 : memref<128x128xf32, #tpu.memory_space<vmem>>)
      %dma_start3A_377 = arith.constant 0 : i32
      %dma_start3A_378 = arith.constant 0 : i32
      %dma_start3A_379 = tpu.memref_slice %arg13[%dma_start3A_377, %dma_start3A_378] : memref<10240x128xf32, #tpu.memory_space<vmem_shared>> -> memref<10240x128xf32, #tpu.memory_space<vmem_shared>>
      tpu.enqueue_indirect_dma source(%arg11 : memref<128x128xf32, #tpu.memory_space<vmem>>) target(%dma_start3A_379 : memref<10240x128xf32, #tpu.memory_space<vmem_shared>>) offsets(%arg9 : memref<128xi32, #tpu.memory_space<vmem>>) semaphore(%arg16 : memref<!tpu.dma_semaphore, #tpu.memory_space<semaphore_mem>>) {add = true}
      %dma_wait3A_380 = arith.constant 0 : i32
      %dma_wait3A_381 = arith.constant 0 : i32
      %dma_wait3A_382 = tpu.memref_slice %arg2[%dma_wait3A_380, %dma_wait3A_381] : memref<10000x128xf32, #tpu.memory_space<hbm>> -> memref<10000x128xf32, #tpu.memory_space<hbm>>
      tpu.wait_indirect_dma semaphore(%arg15 : memref<!tpu.dma_semaphore, #tpu.memory_space<semaphore_mem>>) src(%dma_wait3A_382 : memref<10000x128xf32, #tpu.memory_space<hbm>>) dst(%arg12 : memref<128x128xf32, #tpu.memory_space<vmem>>)
      %dma_start3A_383 = arith.constant 0 : i32
      %dma_start3A_384 = arith.constant 0 : i32
      %dma_start3A_385 = tpu.memref_slice %arg13[%dma_start3A_383, %dma_start3A_384] : memref<10240x128xf32, #tpu.memory_space<vmem_shared>> -> memref<10240x128xf32, #tpu.memory_space<vmem_shared>>
      tpu.enqueue_indirect_dma source(%arg12 : memref<128x128xf32, #tpu.memory_space<vmem>>) target(%dma_start3A_385 : memref<10240x128xf32, #tpu.memory_space<vmem_shared>>) offsets(%arg10 : memref<128xi32, #tpu.memory_space<vmem>>) semaphore(%arg17 : memref<!tpu.dma_semaphore, #tpu.memory_space<semaphore_mem>>) {add = true}
      %dma_wait3A_386 = arith.constant 0 : i32
      %dma_wait3A_387 = arith.constant 0 : i32
      %dma_wait3A_388 = tpu.memref_slice %arg13[%dma_wait3A_386, %dma_wait3A_387] : memref<10240x128xf32, #tpu.memory_space<vmem_shared>> -> memref<10240x128xf32, #tpu.memory_space<vmem_shared>>
      tpu.wait_indirect_dma semaphore(%arg16 : memref<!tpu.dma_semaphore, #tpu.memory_space<semaphore_mem>>) src(%arg11 : memref<128x128xf32, #tpu.memory_space<vmem>>) dst(%dma_wait3A_388 : memref<10240x128xf32, #tpu.memory_space<vmem_shared>>)
      %add3A_389 = arith.constant 2 : i32
      %add3A_390 = arith.addi %mul3A_374, %add3A_389 : i32
      %lt3A = arith.constant 80 : i32
      %lt3A_391 = arith.cmpi slt, %add3A_390, %lt3A : i32
      %convert_element_type3A = arith.extui %lt3A_391 : i1 to i32
      %cond3A = arith.constant 0 : i32
      %cond3A_392 = arith.cmpi ne, %convert_element_type3A, %cond3A : i32
      scf.if %cond3A_392 {
        %add3A_403 = arith.constant 2 : i32
        %add3A_404 = arith.addi %mul3A_374, %add3A_403 : i32
        %get3A_405 = arith.index_cast %add3A_404 : i32 to index
        %get3A_406 = arith.constant 0 : index
        %get3A_407 = tpu.vector_load %arg6[%get3A_405, %get3A_406] {strides = array<i32>} : memref<80x128xi32, #tpu.memory_space<vmem>>, vector<1x16xi32>,
        %get3A_408 = vector.shape_cast %get3A_407 : vector<1x16xi32> to vector<16xi32>
        %and3A_409 = arith.constant 65535 : i32
        %and3A_410 = vector.broadcast %and3A_409 : i32 to vector<16xi32>
        %and3A_411 = arith.andi %get3A_408, %and3A_410 : vector<16xi32>
        %swap3A_412 = arith.constant 0 : index
        %swap3A_413 = tpu.vector_load %arg7[%swap3A_412] {strides = array<i32>} : memref<128xi32, #tpu.memory_space<vmem>>, vector<16xi32>,
        %swap3A_414 = vector.shape_cast %swap3A_413 : vector<16xi32> to vector<16xi32>
        %swap3A_415 = vector.shape_cast %and3A_411 : vector<16xi32> to vector<16xi32>
        tpu.vector_store %arg7[%swap3A_412], %swap3A_415 {strides = array<i32>} : memref<128xi32, #tpu.memory_space<vmem>>, vector<16xi32>,
        %shift_right_logical3A_416 = arith.constant 16 : i32
        %shift_right_logical3A_417 = vector.broadcast %shift_right_logical3A_416 : i32 to vector<16xi32>
        %shift_right_logical3A_418 = arith.shrui %get3A_408, %shift_right_logical3A_417 : vector<16xi32>
        %swap3A_419 = arith.constant 0 : index
        %swap3A_420 = tpu.vector_load %arg9[%swap3A_419] {strides = array<i32>} : memref<128xi32, #tpu.memory_space<vmem>>, vector<16xi32>,
        %swap3A_421 = vector.shape_cast %swap3A_420 : vector<16xi32> to vector<16xi32>
        %swap3A_422 = vector.shape_cast %shift_right_logical3A_418 : vector<16xi32> to vector<16xi32>
        tpu.vector_store %arg9[%swap3A_419], %swap3A_422 {strides = array<i32>} : memref<128xi32, #tpu.memory_space<vmem>>, vector<16xi32>,
        %get3A_423 = arith.index_cast %add3A_404 : i32 to index
        %get3A_424 = arith.constant 16 : index
        %get3A_425 = tpu.vector_load %arg6[%get3A_423, %get3A_424] {strides = array<i32>} : memref<80x128xi32, #tpu.memory_space<vmem>>, vector<1x16xi32>,
        %get3A_426 = vector.shape_cast %get3A_425 : vector<1x16xi32> to vector<16xi32>
        %and3A_427 = arith.constant 65535 : i32
        %and3A_428 = vector.broadcast %and3A_427 : i32 to vector<16xi32>
        %and3A_429 = arith.andi %get3A_426, %and3A_428 : vector<16xi32>
        %swap3A_430 = arith.constant 16 : index
        %swap3A_431 = tpu.vector_load %arg7[%swap3A_430] {strides = array<i32>} : memref<128xi32, #tpu.memory_space<vmem>>, vector<16xi32>,
        %swap3A_432 = vector.shape_cast %swap3A_431 : vector<16xi32> to vector<16xi32>
        %swap3A_433 = vector.shape_cast %and3A_429 : vector<16xi32> to vector<16xi32>
        tpu.vector_store %arg7[%swap3A_430], %swap3A_433 {strides = array<i32>} : memref<128xi32, #tpu.memory_space<vmem>>, vector<16xi32>,
        %shift_right_logical3A_434 = arith.constant 16 : i32
        %shift_right_logical3A_435 = vector.broadcast %shift_right_logical3A_434 : i32 to vector<16xi32>
        %shift_right_logical3A_436 = arith.shrui %get3A_426, %shift_right_logical3A_435 : vector<16xi32>
        %swap3A_437 = arith.constant 16 : index
        %swap3A_438 = tpu.vector_load %arg9[%swap3A_437] {strides = array<i32>} : memref<128xi32, #tpu.memory_space<vmem>>, vector<16xi32>,
        %swap3A_439 = vector.shape_cast %swap3A_438 : vector<16xi32> to vector<16xi32>
        %swap3A_440 = vector.shape_cast %shift_right_logical3A_436 : vector<16xi32> to vector<16xi32>
        tpu.vector_store %arg9[%swap3A_437], %swap3A_440 {strides = array<i32>} : memref<128xi32, #tpu.memory_space<vmem>>, vector<16xi32>,
        %get3A_441 = arith.index_cast %add3A_404 : i32 to index
        %get3A_442 = arith.constant 32 : index
        %get3A_443 = tpu.vector_load %arg6[%get3A_441, %get3A_442] {strides = array<i32>} : memref<80x128xi32, #tpu.memory_space<vmem>>, vector<1x16xi32>,
        %get3A_444 = vector.shape_cast %get3A_443 : vector<1x16xi32> to vector<16xi32>
        %and3A_445 = arith.constant 65535 : i32
        %and3A_446 = vector.broadcast %and3A_445 : i32 to vector<16xi32>
        %and3A_447 = arith.andi %get3A_444, %and3A_446 : vector<16xi32>
        %swap3A_448 = arith.constant 32 : index
        %swap3A_449 = tpu.vector_load %arg7[%swap3A_448] {strides = array<i32>} : memref<128xi32, #tpu.memory_space<vmem>>, vector<16xi32>,
        %swap3A_450 = vector.shape_cast %swap3A_449 : vector<16xi32> to vector<16xi32>
        %swap3A_451 = vector.shape_cast %and3A_447 : vector<16xi32> to vector<16xi32>
        tpu.vector_store %arg7[%swap3A_448], %swap3A_451 {strides = array<i32>} : memref<128xi32, #tpu.memory_space<vmem>>, vector<16xi32>,
        %shift_right_logical3A_452 = arith.constant 16 : i32
        %shift_right_logical3A_453 = vector.broadcast %shift_right_logical3A_452 : i32 to vector<16xi32>
        %shift_right_logical3A_454 = arith.shrui %get3A_444, %shift_right_logical3A_453 : vector<16xi32>
        %swap3A_455 = arith.constant 32 : index
        %swap3A_456 = tpu.vector_load %arg9[%swap3A_455] {strides = array<i32>} : memref<128xi32, #tpu.memory_space<vmem>>, vector<16xi32>,
        %swap3A_457 = vector.shape_cast %swap3A_456 : vector<16xi32> to vector<16xi32>
        %swap3A_458 = vector.shape_cast %shift_right_logical3A_454 : vector<16xi32> to vector<16xi32>
        tpu.vector_store %arg9[%swap3A_455], %swap3A_458 {strides = array<i32>} : memref<128xi32, #tpu.memory_space<vmem>>, vector<16xi32>,
        %get3A_459 = arith.index_cast %add3A_404 : i32 to index
        %get3A_460 = arith.constant 48 : index
        %get3A_461 = tpu.vector_load %arg6[%get3A_459, %get3A_460] {strides = array<i32>} : memref<80x128xi32, #tpu.memory_space<vmem>>, vector<1x16xi32>,
        %get3A_462 = vector.shape_cast %get3A_461 : vector<1x16xi32> to vector<16xi32>
        %and3A_463 = arith.constant 65535 : i32
        %and3A_464 = vector.broadcast %and3A_463 : i32 to vector<16xi32>
        %and3A_465 = arith.andi %get3A_462, %and3A_464 : vector<16xi32>
        %swap3A_466 = arith.constant 48 : index
        %swap3A_467 = tpu.vector_load %arg7[%swap3A_466] {strides = array<i32>} : memref<128xi32, #tpu.memory_space<vmem>>, vector<16xi32>,
        %swap3A_468 = vector.shape_cast %swap3A_467 : vector<16xi32> to vector<16xi32>
        %swap3A_469 = vector.shape_cast %and3A_465 : vector<16xi32> to vector<16xi32>
        tpu.vector_store %arg7[%swap3A_466], %swap3A_469 {strides = array<i32>} : memref<128xi32, #tpu.memory_space<vmem>>, vector<16xi32>,
        %shift_right_logical3A_470 = arith.constant 16 : i32
        %shift_right_logical3A_471 = vector.broadcast %shift_right_logical3A_470 : i32 to vector<16xi32>
        %shift_right_logical3A_472 = arith.shrui %get3A_462, %shift_right_logical3A_471 : vector<16xi32>
        %swap3A_473 = arith.constant 48 : index
        %swap3A_474 = tpu.vector_load %arg9[%swap3A_473] {strides = array<i32>} : memref<128xi32, #tpu.memory_space<vmem>>, vector<16xi32>,
        %swap3A_475 = vector.shape_cast %swap3A_474 : vector<16xi32> to vector<16xi32>
        %swap3A_476 = vector.shape_cast %shift_right_logical3A_472 : vector<16xi32> to vector<16xi32>
        tpu.vector_store %arg9[%swap3A_473], %swap3A_476 {strides = array<i32>} : memref<128xi32, #tpu.memory_space<vmem>>, vector<16xi32>,
        %get3A_477 = arith.index_cast %add3A_404 : i32 to index
        %get3A_478 = arith.constant 64 : index
        %get3A_479 = tpu.vector_load %arg6[%get3A_477, %get3A_478] {strides = array<i32>} : memref<80x128xi32, #tpu.memory_space<vmem>>, vector<1x16xi32>,
        %get3A_480 = vector.shape_cast %get3A_479 : vector<1x16xi32> to vector<16xi32>
        %and3A_481 = arith.constant 65535 : i32
        %and3A_482 = vector.broadcast %and3A_481 : i32 to vector<16xi32>
        %and3A_483 = arith.andi %get3A_480, %and3A_482 : vector<16xi32>
        %swap3A_484 = arith.constant 64 : index
        %swap3A_485 = tpu.vector_load %arg7[%swap3A_484] {strides = array<i32>} : memref<128xi32, #tpu.memory_space<vmem>>, vector<16xi32>,
        %swap3A_486 = vector.shape_cast %swap3A_485 : vector<16xi32> to vector<16xi32>
        %swap3A_487 = vector.shape_cast %and3A_483 : vector<16xi32> to vector<16xi32>
        tpu.vector_store %arg7[%swap3A_484], %swap3A_487 {strides = array<i32>} : memref<128xi32, #tpu.memory_space<vmem>>, vector<16xi32>,
        %shift_right_logical3A_488 = arith.constant 16 : i32
        %shift_right_logical3A_489 = vector.broadcast %shift_right_logical3A_488 : i32 to vector<16xi32>
        %shift_right_logical3A_490 = arith.shrui %get3A_480, %shift_right_logical3A_489 : vector<16xi32>
        %swap3A_491 = arith.constant 64 : index
        %swap3A_492 = tpu.vector_load %arg9[%swap3A_491] {strides = array<i32>} : memref<128xi32, #tpu.memory_space<vmem>>, vector<16xi32>,
        %swap3A_493 = vector.shape_cast %swap3A_492 : vector<16xi32> to vector<16xi32>
        %swap3A_494 = vector.shape_cast %shift_right_logical3A_490 : vector<16xi32> to vector<16xi32>
        tpu.vector_store %arg9[%swap3A_491], %swap3A_494 {strides = array<i32>} : memref<128xi32, #tpu.memory_space<vmem>>, vector<16xi32>,
        %get3A_495 = arith.index_cast %add3A_404 : i32 to index
        %get3A_496 = arith.constant 80 : index
        %get3A_497 = tpu.vector_load %arg6[%get3A_495, %get3A_496] {strides = array<i32>} : memref<80x128xi32, #tpu.memory_space<vmem>>, vector<1x16xi32>,
        %get3A_498 = vector.shape_cast %get3A_497 : vector<1x16xi32> to vector<16xi32>
        %and3A_499 = arith.constant 65535 : i32
        %and3A_500 = vector.broadcast %and3A_499 : i32 to vector<16xi32>
        %and3A_501 = arith.andi %get3A_498, %and3A_500 : vector<16xi32>
        %swap3A_502 = arith.constant 80 : index
        %swap3A_503 = tpu.vector_load %arg7[%swap3A_502] {strides = array<i32>} : memref<128xi32, #tpu.memory_space<vmem>>, vector<16xi32>,
        %swap3A_504 = vector.shape_cast %swap3A_503 : vector<16xi32> to vector<16xi32>
        %swap3A_505 = vector.shape_cast %and3A_501 : vector<16xi32> to vector<16xi32>
        tpu.vector_store %arg7[%swap3A_502], %swap3A_505 {strides = array<i32>} : memref<128xi32, #tpu.memory_space<vmem>>, vector<16xi32>,
        %shift_right_logical3A_506 = arith.constant 16 : i32
        %shift_right_logical3A_507 = vector.broadcast %shift_right_logical3A_506 : i32 to vector<16xi32>
        %shift_right_logical3A_508 = arith.shrui %get3A_498, %shift_right_logical3A_507 : vector<16xi32>
        %swap3A_509 = arith.constant 80 : index
        %swap3A_510 = tpu.vector_load %arg9[%swap3A_509] {strides = array<i32>} : memref<128xi32, #tpu.memory_space<vmem>>, vector<16xi32>,
        %swap3A_511 = vector.shape_cast %swap3A_510 : vector<16xi32> to vector<16xi32>
        %swap3A_512 = vector.shape_cast %shift_right_logical3A_508 : vector<16xi32> to vector<16xi32>
        tpu.vector_store %arg9[%swap3A_509], %swap3A_512 {strides = array<i32>} : memref<128xi32, #tpu.memory_space<vmem>>, vector<16xi32>,
        %get3A_513 = arith.index_cast %add3A_404 : i32 to index
        %get3A_514 = arith.constant 96 : index
        %get3A_515 = tpu.vector_load %arg6[%get3A_513, %get3A_514] {strides = array<i32>} : memref<80x128xi32, #tpu.memory_space<vmem>>, vector<1x16xi32>,
        %get3A_516 = vector.shape_cast %get3A_515 : vector<1x16xi32> to vector<16xi32>
        %and3A_517 = arith.constant 65535 : i32
        %and3A_518 = vector.broadcast %and3A_517 : i32 to vector<16xi32>
        %and3A_519 = arith.andi %get3A_516, %and3A_518 : vector<16xi32>
        %swap3A_520 = arith.constant 96 : index
        %swap3A_521 = tpu.vector_load %arg7[%swap3A_520] {strides = array<i32>} : memref<128xi32, #tpu.memory_space<vmem>>, vector<16xi32>,
        %swap3A_522 = vector.shape_cast %swap3A_521 : vector<16xi32> to vector<16xi32>
        %swap3A_523 = vector.shape_cast %and3A_519 : vector<16xi32> to vector<16xi32>
        tpu.vector_store %arg7[%swap3A_520], %swap3A_523 {strides = array<i32>} : memref<128xi32, #tpu.memory_space<vmem>>, vector<16xi32>,
        %shift_right_logical3A_524 = arith.constant 16 : i32
        %shift_right_logical3A_525 = vector.broadcast %shift_right_logical3A_524 : i32 to vector<16xi32>
        %shift_right_logical3A_526 = arith.shrui %get3A_516, %shift_right_logical3A_525 : vector<16xi32>
        %swap3A_527 = arith.constant 96 : index
        %swap3A_528 = tpu.vector_load %arg9[%swap3A_527] {strides = array<i32>} : memref<128xi32, #tpu.memory_space<vmem>>, vector<16xi32>,
        %swap3A_529 = vector.shape_cast %swap3A_528 : vector<16xi32> to vector<16xi32>
        %swap3A_530 = vector.shape_cast %shift_right_logical3A_526 : vector<16xi32> to vector<16xi32>
        tpu.vector_store %arg9[%swap3A_527], %swap3A_530 {strides = array<i32>} : memref<128xi32, #tpu.memory_space<vmem>>, vector<16xi32>,
        %get3A_531 = arith.index_cast %add3A_404 : i32 to index
        %get3A_532 = arith.constant 112 : index
        %get3A_533 = tpu.vector_load %arg6[%get3A_531, %get3A_532] {strides = array<i32>} : memref<80x128xi32, #tpu.memory_space<vmem>>, vector<1x16xi32>,
        %get3A_534 = vector.shape_cast %get3A_533 : vector<1x16xi32> to vector<16xi32>
        %and3A_535 = arith.constant 65535 : i32
        %and3A_536 = vector.broadcast %and3A_535 : i32 to vector<16xi32>
        %and3A_537 = arith.andi %get3A_534, %and3A_536 : vector<16xi32>
        %swap3A_538 = arith.constant 112 : index
        %swap3A_539 = tpu.vector_load %arg7[%swap3A_538] {strides = array<i32>} : memref<128xi32, #tpu.memory_space<vmem>>, vector<16xi32>,
        %swap3A_540 = vector.shape_cast %swap3A_539 : vector<16xi32> to vector<16xi32>
        %swap3A_541 = vector.shape_cast %and3A_537 : vector<16xi32> to vector<16xi32>
        tpu.vector_store %arg7[%swap3A_538], %swap3A_541 {strides = array<i32>} : memref<128xi32, #tpu.memory_space<vmem>>, vector<16xi32>,
        %shift_right_logical3A_542 = arith.constant 16 : i32
        %shift_right_logical3A_543 = vector.broadcast %shift_right_logical3A_542 : i32 to vector<16xi32>
        %shift_right_logical3A_544 = arith.shrui %get3A_534, %shift_right_logical3A_543 : vector<16xi32>
        %swap3A_545 = arith.constant 112 : index
        %swap3A_546 = tpu.vector_load %arg9[%swap3A_545] {strides = array<i32>} : memref<128xi32, #tpu.memory_space<vmem>>, vector<16xi32>,
        %swap3A_547 = vector.shape_cast %swap3A_546 : vector<16xi32> to vector<16xi32>
        %swap3A_548 = vector.shape_cast %shift_right_logical3A_544 : vector<16xi32> to vector<16xi32>
        tpu.vector_store %arg9[%swap3A_545], %swap3A_548 {strides = array<i32>} : memref<128xi32, #tpu.memory_space<vmem>>, vector<16xi32>,
        %dma_start3A_549 = arith.constant 0 : i32
        %dma_start3A_550 = arith.constant 0 : i32
        %dma_start3A_551 = tpu.memref_slice %arg2[%dma_start3A_549, %dma_start3A_550] : memref<10000x128xf32, #tpu.memory_space<hbm>> -> memref<10000x128xf32, #tpu.memory_space<hbm>>
        tpu.enqueue_indirect_dma source(%dma_start3A_551 : memref<10000x128xf32, #tpu.memory_space<hbm>>) target(%arg11 : memref<128x128xf32, #tpu.memory_space<vmem>>) offsets(%arg7 : memref<128xi32, #tpu.memory_space<vmem>>) semaphore(%arg14 : memref<!tpu.dma_semaphore, #tpu.memory_space<semaphore_mem>>)
      } else {
      }
      %dma_wait3A_393 = arith.constant 0 : i32
      %dma_wait3A_394 = arith.constant 0 : i32
      %dma_wait3A_395 = tpu.memref_slice %arg13[%dma_wait3A_393, %dma_wait3A_394] : memref<10240x128xf32, #tpu.memory_space<vmem_shared>> -> memref<10240x128xf32, #tpu.memory_space<vmem_shared>>
      tpu.wait_indirect_dma semaphore(%arg17 : memref<!tpu.dma_semaphore, #tpu.memory_space<semaphore_mem>>) src(%arg12 : memref<128x128xf32, #tpu.memory_space<vmem>>) dst(%dma_wait3A_395 : memref<10240x128xf32, #tpu.memory_space<vmem_shared>>)
      %add3A_396 = arith.constant 3 : i32
      %add3A_397 = arith.addi %mul3A_374, %add3A_396 : i32
      %lt3A_398 = arith.constant 80 : i32
      %lt3A_399 = arith.cmpi slt, %add3A_397, %lt3A_398 : i32
      %convert_element_type3A_400 = arith.extui %lt3A_399 : i1 to i32
      %cond3A_401 = arith.constant 0 : i32
      %cond3A_402 = arith.cmpi ne, %convert_element_type3A_400, %cond3A_401 : i32
      scf.if %cond3A_402 {
        %add3A_403 = arith.constant 3 : i32
        %add3A_404 = arith.addi %mul3A_374, %add3A_403 : i32
        %get3A_405 = arith.index_cast %add3A_404 : i32 to index
        %get3A_406 = arith.constant 0 : index
        %get3A_407 = tpu.vector_load %arg6[%get3A_405, %get3A_406] {strides = array<i32>} : memref<80x128xi32, #tpu.memory_space<vmem>>, vector<1x16xi32>,
        %get3A_408 = vector.shape_cast %get3A_407 : vector<1x16xi32> to vector<16xi32>
        %and3A_409 = arith.constant 65535 : i32
        %and3A_410 = vector.broadcast %and3A_409 : i32 to vector<16xi32>
        %and3A_411 = arith.andi %get3A_408, %and3A_410 : vector<16xi32>
        %swap3A_412 = arith.constant 0 : index
        %swap3A_413 = tpu.vector_load %arg8[%swap3A_412] {strides = array<i32>} : memref<128xi32, #tpu.memory_space<vmem>>, vector<16xi32>,
        %swap3A_414 = vector.shape_cast %swap3A_413 : vector<16xi32> to vector<16xi32>
        %swap3A_415 = vector.shape_cast %and3A_411 : vector<16xi32> to vector<16xi32>
        tpu.vector_store %arg8[%swap3A_412], %swap3A_415 {strides = array<i32>} : memref<128xi32, #tpu.memory_space<vmem>>, vector<16xi32>,
        %shift_right_logical3A_416 = arith.constant 16 : i32
        %shift_right_logical3A_417 = vector.broadcast %shift_right_logical3A_416 : i32 to vector<16xi32>
        %shift_right_logical3A_418 = arith.shrui %get3A_408, %shift_right_logical3A_417 : vector<16xi32>
        %swap3A_419 = arith.constant 0 : index
        %swap3A_420 = tpu.vector_load %arg10[%swap3A_419] {strides = array<i32>} : memref<128xi32, #tpu.memory_space<vmem>>, vector<16xi32>,
        %swap3A_421 = vector.shape_cast %swap3A_420 : vector<16xi32> to vector<16xi32>
        %swap3A_422 = vector.shape_cast %shift_right_logical3A_418 : vector<16xi32> to vector<16xi32>
        tpu.vector_store %arg10[%swap3A_419], %swap3A_422 {strides = array<i32>} : memref<128xi32, #tpu.memory_space<vmem>>, vector<16xi32>,
        %get3A_423 = arith.index_cast %add3A_404 : i32 to index
        %get3A_424 = arith.constant 16 : index
        %get3A_425 = tpu.vector_load %arg6[%get3A_423, %get3A_424] {strides = array<i32>} : memref<80x128xi32, #tpu.memory_space<vmem>>, vector<1x16xi32>,
        %get3A_426 = vector.shape_cast %get3A_425 : vector<1x16xi32> to vector<16xi32>
        %and3A_427 = arith.constant 65535 : i32
        %and3A_428 = vector.broadcast %and3A_427 : i32 to vector<16xi32>
        %and3A_429 = arith.andi %get3A_426, %and3A_428 : vector<16xi32>
        %swap3A_430 = arith.constant 16 : index
        %swap3A_431 = tpu.vector_load %arg8[%swap3A_430] {strides = array<i32>} : memref<128xi32, #tpu.memory_space<vmem>>, vector<16xi32>,
        %swap3A_432 = vector.shape_cast %swap3A_431 : vector<16xi32> to vector<16xi32>
        %swap3A_433 = vector.shape_cast %and3A_429 : vector<16xi32> to vector<16xi32>
        tpu.vector_store %arg8[%swap3A_430], %swap3A_433 {strides = array<i32>} : memref<128xi32, #tpu.memory_space<vmem>>, vector<16xi32>,
        %shift_right_logical3A_434 = arith.constant 16 : i32
        %shift_right_logical3A_435 = vector.broadcast %shift_right_logical3A_434 : i32 to vector<16xi32>
        %shift_right_logical3A_436 = arith.shrui %get3A_426, %shift_right_logical3A_435 : vector<16xi32>
        %swap3A_437 = arith.constant 16 : index
        %swap3A_438 = tpu.vector_load %arg10[%swap3A_437] {strides = array<i32>} : memref<128xi32, #tpu.memory_space<vmem>>, vector<16xi32>,
        %swap3A_439 = vector.shape_cast %swap3A_438 : vector<16xi32> to vector<16xi32>
        %swap3A_440 = vector.shape_cast %shift_right_logical3A_436 : vector<16xi32> to vector<16xi32>
        tpu.vector_store %arg10[%swap3A_437], %swap3A_440 {strides = array<i32>} : memref<128xi32, #tpu.memory_space<vmem>>, vector<16xi32>,
        %get3A_441 = arith.index_cast %add3A_404 : i32 to index
        %get3A_442 = arith.constant 32 : index
        %get3A_443 = tpu.vector_load %arg6[%get3A_441, %get3A_442] {strides = array<i32>} : memref<80x128xi32, #tpu.memory_space<vmem>>, vector<1x16xi32>,
        %get3A_444 = vector.shape_cast %get3A_443 : vector<1x16xi32> to vector<16xi32>
        %and3A_445 = arith.constant 65535 : i32
        %and3A_446 = vector.broadcast %and3A_445 : i32 to vector<16xi32>
        %and3A_447 = arith.andi %get3A_444, %and3A_446 : vector<16xi32>
        %swap3A_448 = arith.constant 32 : index
        %swap3A_449 = tpu.vector_load %arg8[%swap3A_448] {strides = array<i32>} : memref<128xi32, #tpu.memory_space<vmem>>, vector<16xi32>,
        %swap3A_450 = vector.shape_cast %swap3A_449 : vector<16xi32> to vector<16xi32>
        %swap3A_451 = vector.shape_cast %and3A_447 : vector<16xi32> to vector<16xi32>
        tpu.vector_store %arg8[%swap3A_448], %swap3A_451 {strides = array<i32>} : memref<128xi32, #tpu.memory_space<vmem>>, vector<16xi32>,
        %shift_right_logical3A_452 = arith.constant 16 : i32
        %shift_right_logical3A_453 = vector.broadcast %shift_right_logical3A_452 : i32 to vector<16xi32>
        %shift_right_logical3A_454 = arith.shrui %get3A_444, %shift_right_logical3A_453 : vector<16xi32>
        %swap3A_455 = arith.constant 32 : index
        %swap3A_456 = tpu.vector_load %arg10[%swap3A_455] {strides = array<i32>} : memref<128xi32, #tpu.memory_space<vmem>>, vector<16xi32>,
        %swap3A_457 = vector.shape_cast %swap3A_456 : vector<16xi32> to vector<16xi32>
        %swap3A_458 = vector.shape_cast %shift_right_logical3A_454 : vector<16xi32> to vector<16xi32>
        tpu.vector_store %arg10[%swap3A_455], %swap3A_458 {strides = array<i32>} : memref<128xi32, #tpu.memory_space<vmem>>, vector<16xi32>,
        %get3A_459 = arith.index_cast %add3A_404 : i32 to index
        %get3A_460 = arith.constant 48 : index
        %get3A_461 = tpu.vector_load %arg6[%get3A_459, %get3A_460] {strides = array<i32>} : memref<80x128xi32, #tpu.memory_space<vmem>>, vector<1x16xi32>,
        %get3A_462 = vector.shape_cast %get3A_461 : vector<1x16xi32> to vector<16xi32>
        %and3A_463 = arith.constant 65535 : i32
        %and3A_464 = vector.broadcast %and3A_463 : i32 to vector<16xi32>
        %and3A_465 = arith.andi %get3A_462, %and3A_464 : vector<16xi32>
        %swap3A_466 = arith.constant 48 : index
        %swap3A_467 = tpu.vector_load %arg8[%swap3A_466] {strides = array<i32>} : memref<128xi32, #tpu.memory_space<vmem>>, vector<16xi32>,
        %swap3A_468 = vector.shape_cast %swap3A_467 : vector<16xi32> to vector<16xi32>
        %swap3A_469 = vector.shape_cast %and3A_465 : vector<16xi32> to vector<16xi32>
        tpu.vector_store %arg8[%swap3A_466], %swap3A_469 {strides = array<i32>} : memref<128xi32, #tpu.memory_space<vmem>>, vector<16xi32>,
        %shift_right_logical3A_470 = arith.constant 16 : i32
        %shift_right_logical3A_471 = vector.broadcast %shift_right_logical3A_470 : i32 to vector<16xi32>
        %shift_right_logical3A_472 = arith.shrui %get3A_462, %shift_right_logical3A_471 : vector<16xi32>
        %swap3A_473 = arith.constant 48 : index
        %swap3A_474 = tpu.vector_load %arg10[%swap3A_473] {strides = array<i32>} : memref<128xi32, #tpu.memory_space<vmem>>, vector<16xi32>,
        %swap3A_475 = vector.shape_cast %swap3A_474 : vector<16xi32> to vector<16xi32>
        %swap3A_476 = vector.shape_cast %shift_right_logical3A_472 : vector<16xi32> to vector<16xi32>
        tpu.vector_store %arg10[%swap3A_473], %swap3A_476 {strides = array<i32>} : memref<128xi32, #tpu.memory_space<vmem>>, vector<16xi32>,
        %get3A_477 = arith.index_cast %add3A_404 : i32 to index
        %get3A_478 = arith.constant 64 : index
        %get3A_479 = tpu.vector_load %arg6[%get3A_477, %get3A_478] {strides = array<i32>} : memref<80x128xi32, #tpu.memory_space<vmem>>, vector<1x16xi32>,
        %get3A_480 = vector.shape_cast %get3A_479 : vector<1x16xi32> to vector<16xi32>
        %and3A_481 = arith.constant 65535 : i32
        %and3A_482 = vector.broadcast %and3A_481 : i32 to vector<16xi32>
        %and3A_483 = arith.andi %get3A_480, %and3A_482 : vector<16xi32>
        %swap3A_484 = arith.constant 64 : index
        %swap3A_485 = tpu.vector_load %arg8[%swap3A_484] {strides = array<i32>} : memref<128xi32, #tpu.memory_space<vmem>>, vector<16xi32>,
        %swap3A_486 = vector.shape_cast %swap3A_485 : vector<16xi32> to vector<16xi32>
        %swap3A_487 = vector.shape_cast %and3A_483 : vector<16xi32> to vector<16xi32>
        tpu.vector_store %arg8[%swap3A_484], %swap3A_487 {strides = array<i32>} : memref<128xi32, #tpu.memory_space<vmem>>, vector<16xi32>,
        %shift_right_logical3A_488 = arith.constant 16 : i32
        %shift_right_logical3A_489 = vector.broadcast %shift_right_logical3A_488 : i32 to vector<16xi32>
        %shift_right_logical3A_490 = arith.shrui %get3A_480, %shift_right_logical3A_489 : vector<16xi32>
        %swap3A_491 = arith.constant 64 : index
        %swap3A_492 = tpu.vector_load %arg10[%swap3A_491] {strides = array<i32>} : memref<128xi32, #tpu.memory_space<vmem>>, vector<16xi32>,
        %swap3A_493 = vector.shape_cast %swap3A_492 : vector<16xi32> to vector<16xi32>
        %swap3A_494 = vector.shape_cast %shift_right_logical3A_490 : vector<16xi32> to vector<16xi32>
        tpu.vector_store %arg10[%swap3A_491], %swap3A_494 {strides = array<i32>} : memref<128xi32, #tpu.memory_space<vmem>>, vector<16xi32>,
        %get3A_495 = arith.index_cast %add3A_404 : i32 to index
        %get3A_496 = arith.constant 80 : index
        %get3A_497 = tpu.vector_load %arg6[%get3A_495, %get3A_496] {strides = array<i32>} : memref<80x128xi32, #tpu.memory_space<vmem>>, vector<1x16xi32>,
        %get3A_498 = vector.shape_cast %get3A_497 : vector<1x16xi32> to vector<16xi32>
        %and3A_499 = arith.constant 65535 : i32
        %and3A_500 = vector.broadcast %and3A_499 : i32 to vector<16xi32>
        %and3A_501 = arith.andi %get3A_498, %and3A_500 : vector<16xi32>
        %swap3A_502 = arith.constant 80 : index
        %swap3A_503 = tpu.vector_load %arg8[%swap3A_502] {strides = array<i32>} : memref<128xi32, #tpu.memory_space<vmem>>, vector<16xi32>,
        %swap3A_504 = vector.shape_cast %swap3A_503 : vector<16xi32> to vector<16xi32>
        %swap3A_505 = vector.shape_cast %and3A_501 : vector<16xi32> to vector<16xi32>
        tpu.vector_store %arg8[%swap3A_502], %swap3A_505 {strides = array<i32>} : memref<128xi32, #tpu.memory_space<vmem>>, vector<16xi32>,
        %shift_right_logical3A_506 = arith.constant 16 : i32
        %shift_right_logical3A_507 = vector.broadcast %shift_right_logical3A_506 : i32 to vector<16xi32>
        %shift_right_logical3A_508 = arith.shrui %get3A_498, %shift_right_logical3A_507 : vector<16xi32>
        %swap3A_509 = arith.constant 80 : index
        %swap3A_510 = tpu.vector_load %arg10[%swap3A_509] {strides = array<i32>} : memref<128xi32, #tpu.memory_space<vmem>>, vector<16xi32>,
        %swap3A_511 = vector.shape_cast %swap3A_510 : vector<16xi32> to vector<16xi32>
        %swap3A_512 = vector.shape_cast %shift_right_logical3A_508 : vector<16xi32> to vector<16xi32>
        tpu.vector_store %arg10[%swap3A_509], %swap3A_512 {strides = array<i32>} : memref<128xi32, #tpu.memory_space<vmem>>, vector<16xi32>,
        %get3A_513 = arith.index_cast %add3A_404 : i32 to index
        %get3A_514 = arith.constant 96 : index
        %get3A_515 = tpu.vector_load %arg6[%get3A_513, %get3A_514] {strides = array<i32>} : memref<80x128xi32, #tpu.memory_space<vmem>>, vector<1x16xi32>,
        %get3A_516 = vector.shape_cast %get3A_515 : vector<1x16xi32> to vector<16xi32>
        %and3A_517 = arith.constant 65535 : i32
        %and3A_518 = vector.broadcast %and3A_517 : i32 to vector<16xi32>
        %and3A_519 = arith.andi %get3A_516, %and3A_518 : vector<16xi32>
        %swap3A_520 = arith.constant 96 : index
        %swap3A_521 = tpu.vector_load %arg8[%swap3A_520] {strides = array<i32>} : memref<128xi32, #tpu.memory_space<vmem>>, vector<16xi32>,
        %swap3A_522 = vector.shape_cast %swap3A_521 : vector<16xi32> to vector<16xi32>
        %swap3A_523 = vector.shape_cast %and3A_519 : vector<16xi32> to vector<16xi32>
        tpu.vector_store %arg8[%swap3A_520], %swap3A_523 {strides = array<i32>} : memref<128xi32, #tpu.memory_space<vmem>>, vector<16xi32>,
        %shift_right_logical3A_524 = arith.constant 16 : i32
        %shift_right_logical3A_525 = vector.broadcast %shift_right_logical3A_524 : i32 to vector<16xi32>
        %shift_right_logical3A_526 = arith.shrui %get3A_516, %shift_right_logical3A_525 : vector<16xi32>
        %swap3A_527 = arith.constant 96 : index
        %swap3A_528 = tpu.vector_load %arg10[%swap3A_527] {strides = array<i32>} : memref<128xi32, #tpu.memory_space<vmem>>, vector<16xi32>,
        %swap3A_529 = vector.shape_cast %swap3A_528 : vector<16xi32> to vector<16xi32>
        %swap3A_530 = vector.shape_cast %shift_right_logical3A_526 : vector<16xi32> to vector<16xi32>
        tpu.vector_store %arg10[%swap3A_527], %swap3A_530 {strides = array<i32>} : memref<128xi32, #tpu.memory_space<vmem>>, vector<16xi32>,
        %get3A_531 = arith.index_cast %add3A_404 : i32 to index
        %get3A_532 = arith.constant 112 : index
        %get3A_533 = tpu.vector_load %arg6[%get3A_531, %get3A_532] {strides = array<i32>} : memref<80x128xi32, #tpu.memory_space<vmem>>, vector<1x16xi32>,
        %get3A_534 = vector.shape_cast %get3A_533 : vector<1x16xi32> to vector<16xi32>
        %and3A_535 = arith.constant 65535 : i32
        %and3A_536 = vector.broadcast %and3A_535 : i32 to vector<16xi32>
        %and3A_537 = arith.andi %get3A_534, %and3A_536 : vector<16xi32>
        %swap3A_538 = arith.constant 112 : index
        %swap3A_539 = tpu.vector_load %arg8[%swap3A_538] {strides = array<i32>} : memref<128xi32, #tpu.memory_space<vmem>>, vector<16xi32>,
        %swap3A_540 = vector.shape_cast %swap3A_539 : vector<16xi32> to vector<16xi32>
        %swap3A_541 = vector.shape_cast %and3A_537 : vector<16xi32> to vector<16xi32>
        tpu.vector_store %arg8[%swap3A_538], %swap3A_541 {strides = array<i32>} : memref<128xi32, #tpu.memory_space<vmem>>, vector<16xi32>,
        %shift_right_logical3A_542 = arith.constant 16 : i32
        %shift_right_logical3A_543 = vector.broadcast %shift_right_logical3A_542 : i32 to vector<16xi32>
        %shift_right_logical3A_544 = arith.shrui %get3A_534, %shift_right_logical3A_543 : vector<16xi32>
        %swap3A_545 = arith.constant 112 : index
        %swap3A_546 = tpu.vector_load %arg10[%swap3A_545] {strides = array<i32>} : memref<128xi32, #tpu.memory_space<vmem>>, vector<16xi32>,
        %swap3A_547 = vector.shape_cast %swap3A_546 : vector<16xi32> to vector<16xi32>
        %swap3A_548 = vector.shape_cast %shift_right_logical3A_544 : vector<16xi32> to vector<16xi32>
        tpu.vector_store %arg10[%swap3A_545], %swap3A_548 {strides = array<i32>} : memref<128xi32, #tpu.memory_space<vmem>>, vector<16xi32>,
        %dma_start3A_549 = arith.constant 0 : i32
        %dma_start3A_550 = arith.constant 0 : i32
        %dma_start3A_551 = tpu.memref_slice %arg2[%dma_start3A_549, %dma_start3A_550] : memref<10000x128xf32, #tpu.memory_space<hbm>> -> memref<10000x128xf32, #tpu.memory_space<hbm>>
        tpu.enqueue_indirect_dma source(%dma_start3A_551 : memref<10000x128xf32, #tpu.memory_space<hbm>>) target(%arg12 : memref<128x128xf32, #tpu.memory_space<vmem>>) offsets(%arg8 : memref<128xi32, #tpu.memory_space<vmem>>) semaphore(%arg15 : memref<!tpu.dma_semaphore, #tpu.memory_space<semaphore_mem>>)
      } else {
      }
    }
    %scan3A_330 = arith.constant 40 : i32
    %barrier3A_331 = arith.constant 0 : index
    tpu.barrier barrier_id(%barrier3A_331)
    %mul3A_332 = arith.constant 640 : i32
    %mul3A_333 = arith.muli %arg1, %mul3A_332 : i32
    %add3A_334 = arith.constant 0 : i32
    %add3A_335 = arith.addi %mul3A_333, %add3A_334 : i32
    "tpu.region"() ({
      %run_scoped3A = tpu.sem_alloc : memref<!tpu.dma_semaphore, #tpu.memory_space<semaphore_mem>>
      %dma_start3A_372 = arith.constant 0 : i32
      %dma_start3A_373 = tpu.memref_slice %arg13[%add3A_335, %dma_start3A_372] : memref<10240x128xf32, #tpu.memory_space<vmem_shared>> -> memref<128x128xf32, #tpu.memory_space<vmem_shared>>
      %dma_start3A_374 = arith.constant 0 : i32
      %dma_start3A_375 = tpu.memref_slice %arg13[%add3A_335, %dma_start3A_374] : memref<10240x128xf32, #tpu.memory_space<vmem_shared>> -> memref<128x128xf32, #tpu.memory_space<vmem_shared>>
      tpu.enqueue_dma source(%dma_start3A_375 : memref<128x128xf32, #tpu.memory_space<vmem_shared>>) target(%arg11 : memref<128x128xf32, #tpu.memory_space<vmem>>) target_semaphore(%run_scoped3A : memref<!tpu.dma_semaphore, #tpu.memory_space<semaphore_mem>>)
      %dma_wait3A = arith.constant 0 : i32
      %dma_wait3A_376 = tpu.memref_slice %arg13[%add3A_335, %dma_wait3A] : memref<10240x128xf32, #tpu.memory_space<vmem_shared>> -> memref<128x128xf32, #tpu.memory_space<vmem_shared>>
      %dma_wait3A_377 = arith.constant 0 : i32
      %dma_wait3A_378 = tpu.memref_slice %arg13[%add3A_335, %dma_wait3A_377] : memref<10240x128xf32, #tpu.memory_space<vmem_shared>> -> memref<128x128xf32, #tpu.memory_space<vmem_shared>>
      tpu.wait_dma2 semaphore(%run_scoped3A : memref<!tpu.dma_semaphore, #tpu.memory_space<semaphore_mem>>) src(%dma_wait3A_378 : memref<128x128xf32, #tpu.memory_space<vmem_shared>>) dst(%arg11 : memref<128x128xf32, #tpu.memory_space<vmem>>)
      tpu.yield
    }) : () -> ()
    %mul3A_336 = arith.constant 640 : i32
    %mul3A_337 = arith.muli %arg1, %mul3A_336 : i32
    %add3A_338 = arith.constant 0 : i32
    %add3A_339 = arith.addi %mul3A_337, %add3A_338 : i32
    "tpu.region"() ({
      %run_scoped3A = tpu.sem_alloc : memref<!tpu.dma_semaphore, #tpu.memory_space<semaphore_mem>>
      %dma_start3A_372 = arith.constant 0 : i32
      %dma_start3A_373 = tpu.memref_slice %arg5[%arg0, %add3A_339, %dma_start3A_372] : memref<2x10240x128xf32, #tpu.memory_space<hbm>> -> memref<1x128x128xf32, #tpu.memory_space<hbm>>
      %dma_start3A_374 = tpu.memref_squeeze %dma_start3A_373 : memref<1x128x128xf32, #tpu.memory_space<hbm>> -> memref<128x128xf32, #tpu.memory_space<hbm>>
      %dma_start3A_375 = arith.constant 0 : i32
      %dma_start3A_376 = tpu.memref_slice %arg5[%arg0, %add3A_339, %dma_start3A_375] : memref<2x10240x128xf32, #tpu.memory_space<hbm>> -> memref<1x128x128xf32, #tpu.memory_space<hbm>>
      %dma_start3A_377 = tpu.memref_squeeze %dma_start3A_376 : memref<1x128x128xf32, #tpu.memory_space<hbm>> -> memref<128x128xf32, #tpu.memory_space<hbm>>
      tpu.enqueue_dma source(%arg11 : memref<128x128xf32, #tpu.memory_space<vmem>>) target(%dma_start3A_377 : memref<128x128xf32, #tpu.memory_space<hbm>>) target_semaphore(%run_scoped3A : memref<!tpu.dma_semaphore, #tpu.memory_space<semaphore_mem>>)
      %dma_wait3A = arith.constant 0 : i32
      %dma_wait3A_378 = tpu.memref_slice %arg5[%arg0, %add3A_339, %dma_wait3A] : memref<2x10240x128xf32, #tpu.memory_space<hbm>> -> memref<1x128x128xf32, #tpu.memory_space<hbm>>
      %dma_wait3A_379 = tpu.memref_squeeze %dma_wait3A_378 : memref<1x128x128xf32, #tpu.memory_space<hbm>> -> memref<128x128xf32, #tpu.memory_space<hbm>>
      %dma_wait3A_380 = arith.constant 0 : i32
      %dma_wait3A_381 = tpu.memref_slice %arg5[%arg0, %add3A_339, %dma_wait3A_380] : memref<2x10240x128xf32, #tpu.memory_space<hbm>> -> memref<1x128x128xf32, #tpu.memory_space<hbm>>
      %dma_wait3A_382 = tpu.memref_squeeze %dma_wait3A_381 : memref<1x128x128xf32, #tpu.memory_space<hbm>> -> memref<128x128xf32, #tpu.memory_space<hbm>>
      tpu.wait_dma2 semaphore(%run_scoped3A : memref<!tpu.dma_semaphore, #tpu.memory_space<semaphore_mem>>) src(%arg11 : memref<128x128xf32, #tpu.memory_space<vmem>>) dst(%dma_wait3A_382 : memref<128x128xf32, #tpu.memory_space<hbm>>)
      tpu.yield
    }) : () -> ()
    %mul3A_340 = arith.constant 640 : i32
    %mul3A_341 = arith.muli %arg1, %mul3A_340 : i32
    %add3A_342 = arith.constant 128 : i32
    %add3A_343 = arith.addi %mul3A_341, %add3A_342 : i32
    "tpu.region"() ({
      %run_scoped3A = tpu.sem_alloc : memref<!tpu.dma_semaphore, #tpu.memory_space<semaphore_mem>>
      %dma_start3A_372 = arith.constant 0 : i32
      %dma_start3A_373 = tpu.memref_slice %arg13[%add3A_343, %dma_start3A_372] : memref<10240x128xf32, #tpu.memory_space<vmem_shared>> -> memref<128x128xf32, #tpu.memory_space<vmem_shared>>
      %dma_start3A_374 = arith.constant 0 : i32
      %dma_start3A_375 = tpu.memref_slice %arg13[%add3A_343, %dma_start3A_374] : memref<10240x128xf32, #tpu.memory_space<vmem_shared>> -> memref<128x128xf32, #tpu.memory_space<vmem_shared>>
      tpu.enqueue_dma source(%dma_start3A_375 : memref<128x128xf32, #tpu.memory_space<vmem_shared>>) target(%arg11 : memref<128x128xf32, #tpu.memory_space<vmem>>) target_semaphore(%run_scoped3A : memref<!tpu.dma_semaphore, #tpu.memory_space<semaphore_mem>>)
      %dma_wait3A = arith.constant 0 : i32
      %dma_wait3A_376 = tpu.memref_slice %arg13[%add3A_343, %dma_wait3A] : memref<10240x128xf32, #tpu.memory_space<vmem_shared>> -> memref<128x128xf32, #tpu.memory_space<vmem_shared>>
      %dma_wait3A_377 = arith.constant 0 : i32
      %dma_wait3A_378 = tpu.memref_slice %arg13[%add3A_343, %dma_wait3A_377] : memref<10240x128xf32, #tpu.memory_space<vmem_shared>> -> memref<128x128xf32, #tpu.memory_space<vmem_shared>>
      tpu.wait_dma2 semaphore(%run_scoped3A : memref<!tpu.dma_semaphore, #tpu.memory_space<semaphore_mem>>) src(%dma_wait3A_378 : memref<128x128xf32, #tpu.memory_space<vmem_shared>>) dst(%arg11 : memref<128x128xf32, #tpu.memory_space<vmem>>)
      tpu.yield
    }) : () -> ()
    %mul3A_344 = arith.constant 640 : i32
    %mul3A_345 = arith.muli %arg1, %mul3A_344 : i32
    %add3A_346 = arith.constant 128 : i32
    %add3A_347 = arith.addi %mul3A_345, %add3A_346 : i32
    "tpu.region"() ({
      %run_scoped3A = tpu.sem_alloc : memref<!tpu.dma_semaphore, #tpu.memory_space<semaphore_mem>>
      %dma_start3A_372 = arith.constant 0 : i32
      %dma_start3A_373 = tpu.memref_slice %arg5[%arg0, %add3A_347, %dma_start3A_372] : memref<2x10240x128xf32, #tpu.memory_space<hbm>> -> memref<1x128x128xf32, #tpu.memory_space<hbm>>
      %dma_start3A_374 = tpu.memref_squeeze %dma_start3A_373 : memref<1x128x128xf32, #tpu.memory_space<hbm>> -> memref<128x128xf32, #tpu.memory_space<hbm>>
      %dma_start3A_375 = arith.constant 0 : i32
      %dma_start3A_376 = tpu.memref_slice %arg5[%arg0, %add3A_347, %dma_start3A_375] : memref<2x10240x128xf32, #tpu.memory_space<hbm>> -> memref<1x128x128xf32, #tpu.memory_space<hbm>>
      %dma_start3A_377 = tpu.memref_squeeze %dma_start3A_376 : memref<1x128x128xf32, #tpu.memory_space<hbm>> -> memref<128x128xf32, #tpu.memory_space<hbm>>
      tpu.enqueue_dma source(%arg11 : memref<128x128xf32, #tpu.memory_space<vmem>>) target(%dma_start3A_377 : memref<128x128xf32, #tpu.memory_space<hbm>>) target_semaphore(%run_scoped3A : memref<!tpu.dma_semaphore, #tpu.memory_space<semaphore_mem>>)
      %dma_wait3A = arith.constant 0 : i32
      %dma_wait3A_378 = tpu.memref_slice %arg5[%arg0, %add3A_347, %dma_wait3A] : memref<2x10240x128xf32, #tpu.memory_space<hbm>> -> memref<1x128x128xf32, #tpu.memory_space<hbm>>
      %dma_wait3A_379 = tpu.memref_squeeze %dma_wait3A_378 : memref<1x128x128xf32, #tpu.memory_space<hbm>> -> memref<128x128xf32, #tpu.memory_space<hbm>>
      %dma_wait3A_380 = arith.constant 0 : i32
      %dma_wait3A_381 = tpu.memref_slice %arg5[%arg0, %add3A_347, %dma_wait3A_380] : memref<2x10240x128xf32, #tpu.memory_space<hbm>> -> memref<1x128x128xf32, #tpu.memory_space<hbm>>
      %dma_wait3A_382 = tpu.memref_squeeze %dma_wait3A_381 : memref<1x128x128xf32, #tpu.memory_space<hbm>> -> memref<128x128xf32, #tpu.memory_space<hbm>>
      tpu.wait_dma2 semaphore(%run_scoped3A : memref<!tpu.dma_semaphore, #tpu.memory_space<semaphore_mem>>) src(%arg11 : memref<128x128xf32, #tpu.memory_space<vmem>>) dst(%dma_wait3A_382 : memref<128x128xf32, #tpu.memory_space<hbm>>)
      tpu.yield
    }) : () -> ()
    %mul3A_348 = arith.constant 640 : i32
    %mul3A_349 = arith.muli %arg1, %mul3A_348 : i32
    %add3A_350 = arith.constant 256 : i32
    %add3A_351 = arith.addi %mul3A_349, %add3A_350 : i32
    "tpu.region"() ({
      %run_scoped3A = tpu.sem_alloc : memref<!tpu.dma_semaphore, #tpu.memory_space<semaphore_mem>>
      %dma_start3A_372 = arith.constant 0 : i32
      %dma_start3A_373 = tpu.memref_slice %arg13[%add3A_351, %dma_start3A_372] : memref<10240x128xf32, #tpu.memory_space<vmem_shared>> -> memref<128x128xf32, #tpu.memory_space<vmem_shared>>
      %dma_start3A_374 = arith.constant 0 : i32
      %dma_start3A_375 = tpu.memref_slice %arg13[%add3A_351, %dma_start3A_374] : memref<10240x128xf32, #tpu.memory_space<vmem_shared>> -> memref<128x128xf32, #tpu.memory_space<vmem_shared>>
      tpu.enqueue_dma source(%dma_start3A_375 : memref<128x128xf32, #tpu.memory_space<vmem_shared>>) target(%arg11 : memref<128x128xf32, #tpu.memory_space<vmem>>) target_semaphore(%run_scoped3A : memref<!tpu.dma_semaphore, #tpu.memory_space<semaphore_mem>>)
      %dma_wait3A = arith.constant 0 : i32
      %dma_wait3A_376 = tpu.memref_slice %arg13[%add3A_351, %dma_wait3A] : memref<10240x128xf32, #tpu.memory_space<vmem_shared>> -> memref<128x128xf32, #tpu.memory_space<vmem_shared>>
      %dma_wait3A_377 = arith.constant 0 : i32
      %dma_wait3A_378 = tpu.memref_slice %arg13[%add3A_351, %dma_wait3A_377] : memref<10240x128xf32, #tpu.memory_space<vmem_shared>> -> memref<128x128xf32, #tpu.memory_space<vmem_shared>>
      tpu.wait_dma2 semaphore(%run_scoped3A : memref<!tpu.dma_semaphore, #tpu.memory_space<semaphore_mem>>) src(%dma_wait3A_378 : memref<128x128xf32, #tpu.memory_space<vmem_shared>>) dst(%arg11 : memref<128x128xf32, #tpu.memory_space<vmem>>)
      tpu.yield
    }) : () -> ()
    %mul3A_352 = arith.constant 640 : i32
    %mul3A_353 = arith.muli %arg1, %mul3A_352 : i32
    %add3A_354 = arith.constant 256 : i32
    %add3A_355 = arith.addi %mul3A_353, %add3A_354 : i32
    "tpu.region"() ({
      %run_scoped3A = tpu.sem_alloc : memref<!tpu.dma_semaphore, #tpu.memory_space<semaphore_mem>>
      %dma_start3A_372 = arith.constant 0 : i32
      %dma_start3A_373 = tpu.memref_slice %arg5[%arg0, %add3A_355, %dma_start3A_372] : memref<2x10240x128xf32, #tpu.memory_space<hbm>> -> memref<1x128x128xf32, #tpu.memory_space<hbm>>
      %dma_start3A_374 = tpu.memref_squeeze %dma_start3A_373 : memref<1x128x128xf32, #tpu.memory_space<hbm>> -> memref<128x128xf32, #tpu.memory_space<hbm>>
      %dma_start3A_375 = arith.constant 0 : i32
      %dma_start3A_376 = tpu.memref_slice %arg5[%arg0, %add3A_355, %dma_start3A_375] : memref<2x10240x128xf32, #tpu.memory_space<hbm>> -> memref<1x128x128xf32, #tpu.memory_space<hbm>>
      %dma_start3A_377 = tpu.memref_squeeze %dma_start3A_376 : memref<1x128x128xf32, #tpu.memory_space<hbm>> -> memref<128x128xf32, #tpu.memory_space<hbm>>
      tpu.enqueue_dma source(%arg11 : memref<128x128xf32, #tpu.memory_space<vmem>>) target(%dma_start3A_377 : memref<128x128xf32, #tpu.memory_space<hbm>>) target_semaphore(%run_scoped3A : memref<!tpu.dma_semaphore, #tpu.memory_space<semaphore_mem>>)
      %dma_wait3A = arith.constant 0 : i32
      %dma_wait3A_378 = tpu.memref_slice %arg5[%arg0, %add3A_355, %dma_wait3A] : memref<2x10240x128xf32, #tpu.memory_space<hbm>> -> memref<1x128x128xf32, #tpu.memory_space<hbm>>
      %dma_wait3A_379 = tpu.memref_squeeze %dma_wait3A_378 : memref<1x128x128xf32, #tpu.memory_space<hbm>> -> memref<128x128xf32, #tpu.memory_space<hbm>>
      %dma_wait3A_380 = arith.constant 0 : i32
      %dma_wait3A_381 = tpu.memref_slice %arg5[%arg0, %add3A_355, %dma_wait3A_380] : memref<2x10240x128xf32, #tpu.memory_space<hbm>> -> memref<1x128x128xf32, #tpu.memory_space<hbm>>
      %dma_wait3A_382 = tpu.memref_squeeze %dma_wait3A_381 : memref<1x128x128xf32, #tpu.memory_space<hbm>> -> memref<128x128xf32, #tpu.memory_space<hbm>>
      tpu.wait_dma2 semaphore(%run_scoped3A : memref<!tpu.dma_semaphore, #tpu.memory_space<semaphore_mem>>) src(%arg11 : memref<128x128xf32, #tpu.memory_space<vmem>>) dst(%dma_wait3A_382 : memref<128x128xf32, #tpu.memory_space<hbm>>)
      tpu.yield
    }) : () -> ()
    %mul3A_356 = arith.constant 640 : i32
    %mul3A_357 = arith.muli %arg1, %mul3A_356 : i32
    %add3A_358 = arith.constant 384 : i32
    %add3A_359 = arith.addi %mul3A_357, %add3A_358 : i32
    "tpu.region"() ({
      %run_scoped3A = tpu.sem_alloc : memref<!tpu.dma_semaphore, #tpu.memory_space<semaphore_mem>>
      %dma_start3A_372 = arith.constant 0 : i32
      %dma_start3A_373 = tpu.memref_slice %arg13[%add3A_359, %dma_start3A_372] : memref<10240x128xf32, #tpu.memory_space<vmem_shared>> -> memref<128x128xf32, #tpu.memory_space<vmem_shared>>
      %dma_start3A_374 = arith.constant 0 : i32
      %dma_start3A_375 = tpu.memref_slice %arg13[%add3A_359, %dma_start3A_374] : memref<10240x128xf32, #tpu.memory_space<vmem_shared>> -> memref<128x128xf32, #tpu.memory_space<vmem_shared>>
      tpu.enqueue_dma source(%dma_start3A_375 : memref<128x128xf32, #tpu.memory_space<vmem_shared>>) target(%arg11 : memref<128x128xf32, #tpu.memory_space<vmem>>) target_semaphore(%run_scoped3A : memref<!tpu.dma_semaphore, #tpu.memory_space<semaphore_mem>>)
      %dma_wait3A = arith.constant 0 : i32
      %dma_wait3A_376 = tpu.memref_slice %arg13[%add3A_359, %dma_wait3A] : memref<10240x128xf32, #tpu.memory_space<vmem_shared>> -> memref<128x128xf32, #tpu.memory_space<vmem_shared>>
      %dma_wait3A_377 = arith.constant 0 : i32
      %dma_wait3A_378 = tpu.memref_slice %arg13[%add3A_359, %dma_wait3A_377] : memref<10240x128xf32, #tpu.memory_space<vmem_shared>> -> memref<128x128xf32, #tpu.memory_space<vmem_shared>>
      tpu.wait_dma2 semaphore(%run_scoped3A : memref<!tpu.dma_semaphore, #tpu.memory_space<semaphore_mem>>) src(%dma_wait3A_378 : memref<128x128xf32, #tpu.memory_space<vmem_shared>>) dst(%arg11 : memref<128x128xf32, #tpu.memory_space<vmem>>)
      tpu.yield
    }) : () -> ()
    %mul3A_360 = arith.constant 640 : i32
    %mul3A_361 = arith.muli %arg1, %mul3A_360 : i32
    %add3A_362 = arith.constant 384 : i32
    %add3A_363 = arith.addi %mul3A_361, %add3A_362 : i32
    "tpu.region"() ({
      %run_scoped3A = tpu.sem_alloc : memref<!tpu.dma_semaphore, #tpu.memory_space<semaphore_mem>>
      %dma_start3A_372 = arith.constant 0 : i32
      %dma_start3A_373 = tpu.memref_slice %arg5[%arg0, %add3A_363, %dma_start3A_372] : memref<2x10240x128xf32, #tpu.memory_space<hbm>> -> memref<1x128x128xf32, #tpu.memory_space<hbm>>
      %dma_start3A_374 = tpu.memref_squeeze %dma_start3A_373 : memref<1x128x128xf32, #tpu.memory_space<hbm>> -> memref<128x128xf32, #tpu.memory_space<hbm>>
      %dma_start3A_375 = arith.constant 0 : i32
      %dma_start3A_376 = tpu.memref_slice %arg5[%arg0, %add3A_363, %dma_start3A_375] : memref<2x10240x128xf32, #tpu.memory_space<hbm>> -> memref<1x128x128xf32, #tpu.memory_space<hbm>>
      %dma_start3A_377 = tpu.memref_squeeze %dma_start3A_376 : memref<1x128x128xf32, #tpu.memory_space<hbm>> -> memref<128x128xf32, #tpu.memory_space<hbm>>
      tpu.enqueue_dma source(%arg11 : memref<128x128xf32, #tpu.memory_space<vmem>>) target(%dma_start3A_377 : memref<128x128xf32, #tpu.memory_space<hbm>>) target_semaphore(%run_scoped3A : memref<!tpu.dma_semaphore, #tpu.memory_space<semaphore_mem>>)
      %dma_wait3A = arith.constant 0 : i32
      %dma_wait3A_378 = tpu.memref_slice %arg5[%arg0, %add3A_363, %dma_wait3A] : memref<2x10240x128xf32, #tpu.memory_space<hbm>> -> memref<1x128x128xf32, #tpu.memory_space<hbm>>
      %dma_wait3A_379 = tpu.memref_squeeze %dma_wait3A_378 : memref<1x128x128xf32, #tpu.memory_space<hbm>> -> memref<128x128xf32, #tpu.memory_space<hbm>>
      %dma_wait3A_380 = arith.constant 0 : i32
      %dma_wait3A_381 = tpu.memref_slice %arg5[%arg0, %add3A_363, %dma_wait3A_380] : memref<2x10240x128xf32, #tpu.memory_space<hbm>> -> memref<1x128x128xf32, #tpu.memory_space<hbm>>
      %dma_wait3A_382 = tpu.memref_squeeze %dma_wait3A_381 : memref<1x128x128xf32, #tpu.memory_space<hbm>> -> memref<128x128xf32, #tpu.memory_space<hbm>>
      tpu.wait_dma2 semaphore(%run_scoped3A : memref<!tpu.dma_semaphore, #tpu.memory_space<semaphore_mem>>) src(%arg11 : memref<128x128xf32, #tpu.memory_space<vmem>>) dst(%dma_wait3A_382 : memref<128x128xf32, #tpu.memory_space<hbm>>)
      tpu.yield
    }) : () -> ()
    %mul3A_364 = arith.constant 640 : i32
    %mul3A_365 = arith.muli %arg1, %mul3A_364 : i32
    %add3A_366 = arith.constant 512 : i32
    %add3A_367 = arith.addi %mul3A_365, %add3A_366 : i32
    "tpu.region"() ({
      %run_scoped3A = tpu.sem_alloc : memref<!tpu.dma_semaphore, #tpu.memory_space<semaphore_mem>>
      %dma_start3A_372 = arith.constant 0 : i32
      %dma_start3A_373 = tpu.memref_slice %arg13[%add3A_367, %dma_start3A_372] : memref<10240x128xf32, #tpu.memory_space<vmem_shared>> -> memref<128x128xf32, #tpu.memory_space<vmem_shared>>
      %dma_start3A_374 = arith.constant 0 : i32
      %dma_start3A_375 = tpu.memref_slice %arg13[%add3A_367, %dma_start3A_374] : memref<10240x128xf32, #tpu.memory_space<vmem_shared>> -> memref<128x128xf32, #tpu.memory_space<vmem_shared>>
      tpu.enqueue_dma source(%dma_start3A_375 : memref<128x128xf32, #tpu.memory_space<vmem_shared>>) target(%arg11 : memref<128x128xf32, #tpu.memory_space<vmem>>) target_semaphore(%run_scoped3A : memref<!tpu.dma_semaphore, #tpu.memory_space<semaphore_mem>>)
      %dma_wait3A = arith.constant 0 : i32
      %dma_wait3A_376 = tpu.memref_slice %arg13[%add3A_367, %dma_wait3A] : memref<10240x128xf32, #tpu.memory_space<vmem_shared>> -> memref<128x128xf32, #tpu.memory_space<vmem_shared>>
      %dma_wait3A_377 = arith.constant 0 : i32
      %dma_wait3A_378 = tpu.memref_slice %arg13[%add3A_367, %dma_wait3A_377] : memref<10240x128xf32, #tpu.memory_space<vmem_shared>> -> memref<128x128xf32, #tpu.memory_space<vmem_shared>>
      tpu.wait_dma2 semaphore(%run_scoped3A : memref<!tpu.dma_semaphore, #tpu.memory_space<semaphore_mem>>) src(%dma_wait3A_378 : memref<128x128xf32, #tpu.memory_space<vmem_shared>>) dst(%arg11 : memref<128x128xf32, #tpu.memory_space<vmem>>)
      tpu.yield
    }) : () -> ()
    %mul3A_368 = arith.constant 640 : i32
    %mul3A_369 = arith.muli %arg1, %mul3A_368 : i32
    %add3A_370 = arith.constant 512 : i32
    %add3A_371 = arith.addi %mul3A_369, %add3A_370 : i32
    "tpu.region"() ({
      %run_scoped3A = tpu.sem_alloc : memref<!tpu.dma_semaphore, #tpu.memory_space<semaphore_mem>>
      %dma_start3A_372 = arith.constant 0 : i32
      %dma_start3A_373 = tpu.memref_slice %arg5[%arg0, %add3A_371, %dma_start3A_372] : memref<2x10240x128xf32, #tpu.memory_space<hbm>> -> memref<1x128x128xf32, #tpu.memory_space<hbm>>
      %dma_start3A_374 = tpu.memref_squeeze %dma_start3A_373 : memref<1x128x128xf32, #tpu.memory_space<hbm>> -> memref<128x128xf32, #tpu.memory_space<hbm>>
      %dma_start3A_375 = arith.constant 0 : i32
      %dma_start3A_376 = tpu.memref_slice %arg5[%arg0, %add3A_371, %dma_start3A_375] : memref<2x10240x128xf32, #tpu.memory_space<hbm>> -> memref<1x128x128xf32, #tpu.memory_space<hbm>>
      %dma_start3A_377 = tpu.memref_squeeze %dma_start3A_376 : memref<1x128x128xf32, #tpu.memory_space<hbm>> -> memref<128x128xf32, #tpu.memory_space<hbm>>
      tpu.enqueue_dma source(%arg11 : memref<128x128xf32, #tpu.memory_space<vmem>>) target(%dma_start3A_377 : memref<128x128xf32, #tpu.memory_space<hbm>>) target_semaphore(%run_scoped3A : memref<!tpu.dma_semaphore, #tpu.memory_space<semaphore_mem>>)
      %dma_wait3A = arith.constant 0 : i32
      %dma_wait3A_378 = tpu.memref_slice %arg5[%arg0, %add3A_371, %dma_wait3A] : memref<2x10240x128xf32, #tpu.memory_space<hbm>> -> memref<1x128x128xf32, #tpu.memory_space<hbm>>
      %dma_wait3A_379 = tpu.memref_squeeze %dma_wait3A_378 : memref<1x128x128xf32, #tpu.memory_space<hbm>> -> memref<128x128xf32, #tpu.memory_space<hbm>>
      %dma_wait3A_380 = arith.constant 0 : i32
      %dma_wait3A_381 = tpu.memref_slice %arg5[%arg0, %add3A_371, %dma_wait3A_380] : memref<2x10240x128xf32, #tpu.memory_space<hbm>> -> memref<1x128x128xf32, #tpu.memory_space<hbm>>
      %dma_wait3A_382 = tpu.memref_squeeze %dma_wait3A_381 : memref<1x128x128xf32, #tpu.memory_space<hbm>> -> memref<128x128xf32, #tpu.memory_space<hbm>>
      tpu.wait_dma2 semaphore(%run_scoped3A : memref<!tpu.dma_semaphore, #tpu.memory_space<semaphore_mem>>) src(%arg11 : memref<128x128xf32, #tpu.memory_space<vmem>>) dst(%dma_wait3A_382 : memref<128x128xf32, #tpu.memory_space<hbm>>)
      tpu.yield
    }) : () -> ()
    return
  }
}

#map = affine_map<(d0, d1) -> (0, 0, 0)>
module attributes {stable_mosaic.version = 14 : i64} {
  func.func @_sc_deg(%arg0: i32, %arg1: i32, %arg2: memref<32x80x128xi32, #tpu.memory_space<hbm>>, %arg3: memref<2x10240x128xf32, #tpu.memory_space<hbm>>, %arg4: memref<80x128xi32, #tpu.memory_space<vmem>>, %arg5: memref<128x16xf32, #tpu.memory_space<vmem>>, %arg6: memref<128x16xf32, #tpu.memory_space<vmem>>, %arg7: memref<640x16xf32, #tpu.memory_space<vmem>>, %arg8: memref<128x128xf32, #tpu.memory_space<vmem>>, %arg9: memref<10240x16xf32, #tpu.memory_space<vmem_shared>>, %arg10: memref<!tpu.dma_semaphore, #tpu.memory_space<semaphore_mem>>) attributes {dimension_semantics = [#tpu.dimension_semantics<core_parallel>, #tpu.dimension_semantics<subcore_parallel>], iteration_bounds = array<i64: 2, 16>, scalar_prefetch = 0 : i64, scratch_operands = 7 : i64, tpu.core_type = #tpu.core_type<sc_vector_subcore>, window_params = [{transform_indices = #map}, {transform_indices = #map}]} {
    %mul3A = arith.constant 16 : i32
    %mul3A_0 = arith.muli %arg0, %mul3A : i32
    %add3A = arith.addi %mul3A_0, %arg1 : i32
    "tpu.region"() ({
      %run_scoped3A = tpu.sem_alloc : memref<!tpu.dma_semaphore, #tpu.memory_space<semaphore_mem>>
      %dma_start3A = arith.constant 0 : i32
      %dma_start3A_94 = arith.constant 0 : i32
      %dma_start3A_95 = tpu.memref_slice %arg2[%add3A, %dma_start3A, %dma_start3A_94] : memref<32x80x128xi32, #tpu.memory_space<hbm>> -> memref<1x80x128xi32, #tpu.memory_space<hbm>>
      %dma_start3A_96 = tpu.memref_squeeze %dma_start3A_95 : memref<1x80x128xi32, #tpu.memory_space<hbm>> -> memref<80x128xi32, #tpu.memory_space<hbm>>
      %dma_start3A_97 = arith.constant 0 : i32
      %dma_start3A_98 = arith.constant 0 : i32
      %dma_start3A_99 = tpu.memref_slice %arg2[%add3A, %dma_start3A_97, %dma_start3A_98] : memref<32x80x128xi32, #tpu.memory_space<hbm>> -> memref<1x80x128xi32, #tpu.memory_space<hbm>>
      %dma_start3A_100 = tpu.memref_squeeze %dma_start3A_99 : memref<1x80x128xi32, #tpu.memory_space<hbm>> -> memref<80x128xi32, #tpu.memory_space<hbm>>
      tpu.enqueue_dma source(%dma_start3A_100 : memref<80x128xi32, #tpu.memory_space<hbm>>) target(%arg4 : memref<80x128xi32, #tpu.memory_space<vmem>>) target_semaphore(%run_scoped3A : memref<!tpu.dma_semaphore, #tpu.memory_space<semaphore_mem>>)
      %dma_wait3A = arith.constant 0 : i32
      %dma_wait3A_101 = arith.constant 0 : i32
      %dma_wait3A_102 = tpu.memref_slice %arg2[%add3A, %dma_wait3A, %dma_wait3A_101] : memref<32x80x128xi32, #tpu.memory_space<hbm>> -> memref<1x80x128xi32, #tpu.memory_space<hbm>>
      %dma_wait3A_103 = tpu.memref_squeeze %dma_wait3A_102 : memref<1x80x128xi32, #tpu.memory_space<hbm>> -> memref<80x128xi32, #tpu.memory_space<hbm>>
      %dma_wait3A_104 = arith.constant 0 : i32
      %dma_wait3A_105 = arith.constant 0 : i32
      %dma_wait3A_106 = tpu.memref_slice %arg2[%add3A, %dma_wait3A_104, %dma_wait3A_105] : memref<32x80x128xi32, #tpu.memory_space<hbm>> -> memref<1x80x128xi32, #tpu.memory_space<hbm>>
      %dma_wait3A_107 = tpu.memref_squeeze %dma_wait3A_106 : memref<1x80x128xi32, #tpu.memory_space<hbm>> -> memref<80x128xi32, #tpu.memory_space<hbm>>
      tpu.wait_dma2 semaphore(%run_scoped3A : memref<!tpu.dma_semaphore, #tpu.memory_space<semaphore_mem>>) src(%dma_wait3A_107 : memref<80x128xi32, #tpu.memory_space<hbm>>) dst(%arg4 : memref<80x128xi32, #tpu.memory_space<vmem>>)
      tpu.yield
    }) : () -> ()
    %broadcast_in_dim3A = arith.constant 1.000000e+00 : f32
    %broadcast_in_dim3A_1 = vector.broadcast %broadcast_in_dim3A : f32 to vector<16xf32>
    %broadcast_in_dim3A_2 = arith.constant 0.000000e+00 : f32
    %broadcast_in_dim3A_3 = vector.broadcast %broadcast_in_dim3A_2 : f32 to vector<16xf32>
    %scan3A = arith.constant 0 : i32
    %scan3A_4 = arith.constant 0 : i32
    %scan3A_5 = arith.constant 128 : i32
    %scan3A_6 = arith.addi %scan3A_4, %scan3A_5 : i32
    %scan3A_7 = arith.constant 1 : i32
    scf.for %scan3A_94 = %scan3A_4 to %scan3A_6 step %scan3A_7  : i32 {
      %swap3A = arith.index_cast %scan3A_94 : i32 to index
      %swap3A_95 = arith.constant 0 : index
      %swap3A_96 = tpu.vector_load %arg5[%swap3A, %swap3A_95] {strides = array<i32>} : memref<128x16xf32, #tpu.memory_space<vmem>>, vector<1x16xf32>,
      %swap3A_97 = vector.shape_cast %swap3A_96 : vector<1x16xf32> to vector<16xf32>
      %swap3A_98 = vector.shape_cast %broadcast_in_dim3A_1 : vector<16xf32> to vector<1x16xf32>
      tpu.vector_store %arg5[%swap3A, %swap3A_95], %swap3A_98 {strides = array<i32>} : memref<128x16xf32, #tpu.memory_space<vmem>>, vector<1x16xf32>,
      %swap3A_99 = arith.index_cast %scan3A_94 : i32 to index
      %swap3A_100 = arith.constant 0 : index
      %swap3A_101 = tpu.vector_load %arg6[%swap3A_99, %swap3A_100] {strides = array<i32>} : memref<128x16xf32, #tpu.memory_space<vmem>>, vector<1x16xf32>,
      %swap3A_102 = vector.shape_cast %swap3A_101 : vector<1x16xf32> to vector<16xf32>
      %swap3A_103 = vector.shape_cast %broadcast_in_dim3A_3 : vector<16xf32> to vector<1x16xf32>
      tpu.vector_store %arg6[%swap3A_99, %swap3A_100], %swap3A_103 {strides = array<i32>} : memref<128x16xf32, #tpu.memory_space<vmem>>, vector<1x16xf32>,
    }
    %scan3A_8 = arith.constant 128 : i32
    %mul3A_9 = arith.constant 640 : i32
    %mul3A_10 = arith.muli %arg1, %mul3A_9 : i32
    %add3A_11 = arith.constant 0 : i32
    %add3A_12 = arith.addi %mul3A_10, %add3A_11 : i32
    "tpu.region"() ({
      %run_scoped3A = tpu.sem_alloc : memref<!tpu.dma_semaphore, #tpu.memory_space<semaphore_mem>>
      %dma_start3A = arith.constant 0 : i32
      %dma_start3A_94 = tpu.memref_slice %arg9[%add3A_12, %dma_start3A] : memref<10240x16xf32, #tpu.memory_space<vmem_shared>> -> memref<128x16xf32, #tpu.memory_space<vmem_shared>>
      %dma_start3A_95 = arith.constant 0 : i32
      %dma_start3A_96 = tpu.memref_slice %arg9[%add3A_12, %dma_start3A_95] : memref<10240x16xf32, #tpu.memory_space<vmem_shared>> -> memref<128x16xf32, #tpu.memory_space<vmem_shared>>
      tpu.enqueue_dma source(%arg6 : memref<128x16xf32, #tpu.memory_space<vmem>>) target(%dma_start3A_96 : memref<128x16xf32, #tpu.memory_space<vmem_shared>>) target_semaphore(%run_scoped3A : memref<!tpu.dma_semaphore, #tpu.memory_space<semaphore_mem>>)
      %dma_wait3A = arith.constant 0 : i32
      %dma_wait3A_97 = tpu.memref_slice %arg9[%add3A_12, %dma_wait3A] : memref<10240x16xf32, #tpu.memory_space<vmem_shared>> -> memref<128x16xf32, #tpu.memory_space<vmem_shared>>
      %dma_wait3A_98 = arith.constant 0 : i32
      %dma_wait3A_99 = tpu.memref_slice %arg9[%add3A_12, %dma_wait3A_98] : memref<10240x16xf32, #tpu.memory_space<vmem_shared>> -> memref<128x16xf32, #tpu.memory_space<vmem_shared>>
      tpu.wait_dma2 semaphore(%run_scoped3A : memref<!tpu.dma_semaphore, #tpu.memory_space<semaphore_mem>>) src(%arg6 : memref<128x16xf32, #tpu.memory_space<vmem>>) dst(%dma_wait3A_99 : memref<128x16xf32, #tpu.memory_space<vmem_shared>>)
      tpu.yield
    }) : () -> ()
    %mul3A_13 = arith.constant 640 : i32
    %mul3A_14 = arith.muli %arg1, %mul3A_13 : i32
    %add3A_15 = arith.constant 128 : i32
    %add3A_16 = arith.addi %mul3A_14, %add3A_15 : i32
    "tpu.region"() ({
      %run_scoped3A = tpu.sem_alloc : memref<!tpu.dma_semaphore, #tpu.memory_space<semaphore_mem>>
      %dma_start3A = arith.constant 0 : i32
      %dma_start3A_94 = tpu.memref_slice %arg9[%add3A_16, %dma_start3A] : memref<10240x16xf32, #tpu.memory_space<vmem_shared>> -> memref<128x16xf32, #tpu.memory_space<vmem_shared>>
      %dma_start3A_95 = arith.constant 0 : i32
      %dma_start3A_96 = tpu.memref_slice %arg9[%add3A_16, %dma_start3A_95] : memref<10240x16xf32, #tpu.memory_space<vmem_shared>> -> memref<128x16xf32, #tpu.memory_space<vmem_shared>>
      tpu.enqueue_dma source(%arg6 : memref<128x16xf32, #tpu.memory_space<vmem>>) target(%dma_start3A_96 : memref<128x16xf32, #tpu.memory_space<vmem_shared>>) target_semaphore(%run_scoped3A : memref<!tpu.dma_semaphore, #tpu.memory_space<semaphore_mem>>)
      %dma_wait3A = arith.constant 0 : i32
      %dma_wait3A_97 = tpu.memref_slice %arg9[%add3A_16, %dma_wait3A] : memref<10240x16xf32, #tpu.memory_space<vmem_shared>> -> memref<128x16xf32, #tpu.memory_space<vmem_shared>>
      %dma_wait3A_98 = arith.constant 0 : i32
      %dma_wait3A_99 = tpu.memref_slice %arg9[%add3A_16, %dma_wait3A_98] : memref<10240x16xf32, #tpu.memory_space<vmem_shared>> -> memref<128x16xf32, #tpu.memory_space<vmem_shared>>
      tpu.wait_dma2 semaphore(%run_scoped3A : memref<!tpu.dma_semaphore, #tpu.memory_space<semaphore_mem>>) src(%arg6 : memref<128x16xf32, #tpu.memory_space<vmem>>) dst(%dma_wait3A_99 : memref<128x16xf32, #tpu.memory_space<vmem_shared>>)
      tpu.yield
    }) : () -> ()
    %mul3A_17 = arith.constant 640 : i32
    %mul3A_18 = arith.muli %arg1, %mul3A_17 : i32
    %add3A_19 = arith.constant 256 : i32
    %add3A_20 = arith.addi %mul3A_18, %add3A_19 : i32
    "tpu.region"() ({
      %run_scoped3A = tpu.sem_alloc : memref<!tpu.dma_semaphore, #tpu.memory_space<semaphore_mem>>
      %dma_start3A = arith.constant 0 : i32
      %dma_start3A_94 = tpu.memref_slice %arg9[%add3A_20, %dma_start3A] : memref<10240x16xf32, #tpu.memory_space<vmem_shared>> -> memref<128x16xf32, #tpu.memory_space<vmem_shared>>
      %dma_start3A_95 = arith.constant 0 : i32
      %dma_start3A_96 = tpu.memref_slice %arg9[%add3A_20, %dma_start3A_95] : memref<10240x16xf32, #tpu.memory_space<vmem_shared>> -> memref<128x16xf32, #tpu.memory_space<vmem_shared>>
      tpu.enqueue_dma source(%arg6 : memref<128x16xf32, #tpu.memory_space<vmem>>) target(%dma_start3A_96 : memref<128x16xf32, #tpu.memory_space<vmem_shared>>) target_semaphore(%run_scoped3A : memref<!tpu.dma_semaphore, #tpu.memory_space<semaphore_mem>>)
      %dma_wait3A = arith.constant 0 : i32
      %dma_wait3A_97 = tpu.memref_slice %arg9[%add3A_20, %dma_wait3A] : memref<10240x16xf32, #tpu.memory_space<vmem_shared>> -> memref<128x16xf32, #tpu.memory_space<vmem_shared>>
      %dma_wait3A_98 = arith.constant 0 : i32
      %dma_wait3A_99 = tpu.memref_slice %arg9[%add3A_20, %dma_wait3A_98] : memref<10240x16xf32, #tpu.memory_space<vmem_shared>> -> memref<128x16xf32, #tpu.memory_space<vmem_shared>>
      tpu.wait_dma2 semaphore(%run_scoped3A : memref<!tpu.dma_semaphore, #tpu.memory_space<semaphore_mem>>) src(%arg6 : memref<128x16xf32, #tpu.memory_space<vmem>>) dst(%dma_wait3A_99 : memref<128x16xf32, #tpu.memory_space<vmem_shared>>)
      tpu.yield
    }) : () -> ()
    %mul3A_21 = arith.constant 640 : i32
    %mul3A_22 = arith.muli %arg1, %mul3A_21 : i32
    %add3A_23 = arith.constant 384 : i32
    %add3A_24 = arith.addi %mul3A_22, %add3A_23 : i32
    "tpu.region"() ({
      %run_scoped3A = tpu.sem_alloc : memref<!tpu.dma_semaphore, #tpu.memory_space<semaphore_mem>>
      %dma_start3A = arith.constant 0 : i32
      %dma_start3A_94 = tpu.memref_slice %arg9[%add3A_24, %dma_start3A] : memref<10240x16xf32, #tpu.memory_space<vmem_shared>> -> memref<128x16xf32, #tpu.memory_space<vmem_shared>>
      %dma_start3A_95 = arith.constant 0 : i32
      %dma_start3A_96 = tpu.memref_slice %arg9[%add3A_24, %dma_start3A_95] : memref<10240x16xf32, #tpu.memory_space<vmem_shared>> -> memref<128x16xf32, #tpu.memory_space<vmem_shared>>
      tpu.enqueue_dma source(%arg6 : memref<128x16xf32, #tpu.memory_space<vmem>>) target(%dma_start3A_96 : memref<128x16xf32, #tpu.memory_space<vmem_shared>>) target_semaphore(%run_scoped3A : memref<!tpu.dma_semaphore, #tpu.memory_space<semaphore_mem>>)
      %dma_wait3A = arith.constant 0 : i32
      %dma_wait3A_97 = tpu.memref_slice %arg9[%add3A_24, %dma_wait3A] : memref<10240x16xf32, #tpu.memory_space<vmem_shared>> -> memref<128x16xf32, #tpu.memory_space<vmem_shared>>
      %dma_wait3A_98 = arith.constant 0 : i32
      %dma_wait3A_99 = tpu.memref_slice %arg9[%add3A_24, %dma_wait3A_98] : memref<10240x16xf32, #tpu.memory_space<vmem_shared>> -> memref<128x16xf32, #tpu.memory_space<vmem_shared>>
      tpu.wait_dma2 semaphore(%run_scoped3A : memref<!tpu.dma_semaphore, #tpu.memory_space<semaphore_mem>>) src(%arg6 : memref<128x16xf32, #tpu.memory_space<vmem>>) dst(%dma_wait3A_99 : memref<128x16xf32, #tpu.memory_space<vmem_shared>>)
      tpu.yield
    }) : () -> ()
    %mul3A_25 = arith.constant 640 : i32
    %mul3A_26 = arith.muli %arg1, %mul3A_25 : i32
    %add3A_27 = arith.constant 512 : i32
    %add3A_28 = arith.addi %mul3A_26, %add3A_27 : i32
    "tpu.region"() ({
      %run_scoped3A = tpu.sem_alloc : memref<!tpu.dma_semaphore, #tpu.memory_space<semaphore_mem>>
      %dma_start3A = arith.constant 0 : i32
      %dma_start3A_94 = tpu.memref_slice %arg9[%add3A_28, %dma_start3A] : memref<10240x16xf32, #tpu.memory_space<vmem_shared>> -> memref<128x16xf32, #tpu.memory_space<vmem_shared>>
      %dma_start3A_95 = arith.constant 0 : i32
      %dma_start3A_96 = tpu.memref_slice %arg9[%add3A_28, %dma_start3A_95] : memref<10240x16xf32, #tpu.memory_space<vmem_shared>> -> memref<128x16xf32, #tpu.memory_space<vmem_shared>>
      tpu.enqueue_dma source(%arg6 : memref<128x16xf32, #tpu.memory_space<vmem>>) target(%dma_start3A_96 : memref<128x16xf32, #tpu.memory_space<vmem_shared>>) target_semaphore(%run_scoped3A : memref<!tpu.dma_semaphore, #tpu.memory_space<semaphore_mem>>)
      %dma_wait3A = arith.constant 0 : i32
      %dma_wait3A_97 = tpu.memref_slice %arg9[%add3A_28, %dma_wait3A] : memref<10240x16xf32, #tpu.memory_space<vmem_shared>> -> memref<128x16xf32, #tpu.memory_space<vmem_shared>>
      %dma_wait3A_98 = arith.constant 0 : i32
      %dma_wait3A_99 = tpu.memref_slice %arg9[%add3A_28, %dma_wait3A_98] : memref<10240x16xf32, #tpu.memory_space<vmem_shared>> -> memref<128x16xf32, #tpu.memory_space<vmem_shared>>
      tpu.wait_dma2 semaphore(%run_scoped3A : memref<!tpu.dma_semaphore, #tpu.memory_space<semaphore_mem>>) src(%arg6 : memref<128x16xf32, #tpu.memory_space<vmem>>) dst(%dma_wait3A_99 : memref<128x16xf32, #tpu.memory_space<vmem_shared>>)
      tpu.yield
    }) : () -> ()
    %barrier3A = arith.constant 0 : index
    tpu.barrier barrier_id(%barrier3A)
    %scan3A_29 = arith.constant 0 : i32
    %scan3A_30 = arith.constant 0 : i32
    %scan3A_31 = arith.constant 80 : i32
    %scan3A_32 = arith.addi %scan3A_30, %scan3A_31 : i32
    %scan3A_33 = arith.constant 1 : i32
    scf.for %scan3A_94 = %scan3A_30 to %scan3A_32 step %scan3A_33  : i32 {
      %dma_start3A = arith.constant 0 : i32
      %dma_start3A_95 = tpu.memref_slice %arg4[%scan3A_94, %dma_start3A] : memref<80x128xi32, #tpu.memory_space<vmem>> -> memref<1x128xi32, #tpu.memory_space<vmem>>
      %dma_start3A_96 = tpu.memref_squeeze %dma_start3A_95 : memref<1x128xi32, #tpu.memory_space<vmem>> -> memref<128xi32, #tpu.memory_space<vmem>>
      %dma_start3A_97 = arith.constant 0 : i32
      %dma_start3A_98 = arith.constant 0 : i32
      %dma_start3A_99 = tpu.memref_slice %arg9[%dma_start3A_97, %dma_start3A_98] : memref<10240x16xf32, #tpu.memory_space<vmem_shared>> -> memref<10240x16xf32, #tpu.memory_space<vmem_shared>>
      tpu.enqueue_indirect_dma source(%arg5 : memref<128x16xf32, #tpu.memory_space<vmem>>) target(%dma_start3A_99 : memref<10240x16xf32, #tpu.memory_space<vmem_shared>>) offsets(%dma_start3A_96 : memref<128xi32, #tpu.memory_space<vmem>>) semaphore(%arg10 : memref<!tpu.dma_semaphore, #tpu.memory_space<semaphore_mem>>) {add = true}
    }
    %scan3A_34 = arith.constant 80 : i32
    %scan3A_35 = arith.constant 0 : i32
    %scan3A_36 = arith.constant 0 : i32
    %scan3A_37 = arith.constant 80 : i32
    %scan3A_38 = arith.addi %scan3A_36, %scan3A_37 : i32
    %scan3A_39 = arith.constant 1 : i32
    scf.for %scan3A_94 = %scan3A_36 to %scan3A_38 step %scan3A_39  : i32 {
      %dma_wait3A = arith.constant 0 : i32
      %dma_wait3A_95 = tpu.memref_slice %arg4[%scan3A_94, %dma_wait3A] : memref<80x128xi32, #tpu.memory_space<vmem>> -> memref<1x128xi32, #tpu.memory_space<vmem>>
      %dma_wait3A_96 = tpu.memref_squeeze %dma_wait3A_95 : memref<1x128xi32, #tpu.memory_space<vmem>> -> memref<128xi32, #tpu.memory_space<vmem>>
      %dma_wait3A_97 = arith.constant 0 : i32
      %dma_wait3A_98 = arith.constant 0 : i32
      %dma_wait3A_99 = tpu.memref_slice %arg9[%dma_wait3A_97, %dma_wait3A_98] : memref<10240x16xf32, #tpu.memory_space<vmem_shared>> -> memref<10240x16xf32, #tpu.memory_space<vmem_shared>>
      tpu.wait_indirect_dma semaphore(%arg10 : memref<!tpu.dma_semaphore, #tpu.memory_space<semaphore_mem>>) src(%arg5 : memref<128x16xf32, #tpu.memory_space<vmem>>) dst(%dma_wait3A_99 : memref<10240x16xf32, #tpu.memory_space<vmem_shared>>)
    }
    %scan3A_40 = arith.constant 80 : i32
    %barrier3A_41 = arith.constant 0 : index
    tpu.barrier barrier_id(%barrier3A_41)
    %mul3A_42 = arith.constant 640 : i32
    %mul3A_43 = arith.muli %arg1, %mul3A_42 : i32
    "tpu.region"() ({
      %run_scoped3A = tpu.sem_alloc : memref<!tpu.dma_semaphore, #tpu.memory_space<semaphore_mem>>
      %dma_start3A = arith.constant 0 : i32
      %dma_start3A_94 = tpu.memref_slice %arg9[%mul3A_43, %dma_start3A] : memref<10240x16xf32, #tpu.memory_space<vmem_shared>> -> memref<640x16xf32, #tpu.memory_space<vmem_shared>>
      %dma_start3A_95 = arith.constant 0 : i32
      %dma_start3A_96 = tpu.memref_slice %arg9[%mul3A_43, %dma_start3A_95] : memref<10240x16xf32, #tpu.memory_space<vmem_shared>> -> memref<640x16xf32, #tpu.memory_space<vmem_shared>>
      tpu.enqueue_dma source(%dma_start3A_96 : memref<640x16xf32, #tpu.memory_space<vmem_shared>>) target(%arg7 : memref<640x16xf32, #tpu.memory_space<vmem>>) target_semaphore(%run_scoped3A : memref<!tpu.dma_semaphore, #tpu.memory_space<semaphore_mem>>)
      %dma_wait3A = arith.constant 0 : i32
      %dma_wait3A_97 = tpu.memref_slice %arg9[%mul3A_43, %dma_wait3A] : memref<10240x16xf32, #tpu.memory_space<vmem_shared>> -> memref<640x16xf32, #tpu.memory_space<vmem_shared>>
      %dma_wait3A_98 = arith.constant 0 : i32
      %dma_wait3A_99 = tpu.memref_slice %arg9[%mul3A_43, %dma_wait3A_98] : memref<10240x16xf32, #tpu.memory_space<vmem_shared>> -> memref<640x16xf32, #tpu.memory_space<vmem_shared>>
      tpu.wait_dma2 semaphore(%run_scoped3A : memref<!tpu.dma_semaphore, #tpu.memory_space<semaphore_mem>>) src(%dma_wait3A_99 : memref<640x16xf32, #tpu.memory_space<vmem_shared>>) dst(%arg7 : memref<640x16xf32, #tpu.memory_space<vmem>>)
      tpu.yield
    }) : () -> ()
    %scan3A_44 = arith.constant 0 : i32
    %scan3A_45 = arith.constant 0 : i32
    %scan3A_46 = arith.constant 128 : i32
    %scan3A_47 = arith.addi %scan3A_45, %scan3A_46 : i32
    %scan3A_48 = arith.constant 1 : i32
    scf.for %scan3A_94 = %scan3A_45 to %scan3A_47 step %scan3A_48  : i32 {
      %add3A_95 = arith.constant 0 : i32
      %add3A_96 = arith.addi %add3A_95, %scan3A_94 : i32
      %get3A = arith.index_cast %add3A_96 : i32 to index
      %get3A_97 = arith.constant 0 : index
      %get3A_98 = tpu.vector_load %arg7[%get3A, %get3A_97] {strides = array<i32>} : memref<640x16xf32, #tpu.memory_space<vmem>>, vector<1x16xf32>,
      %get3A_99 = vector.shape_cast %get3A_98 : vector<1x16xf32> to vector<16xf32>
      %swap3A = arith.index_cast %scan3A_94 : i32 to index
      %swap3A_100 = arith.constant 0 : index
      %swap3A_101 = tpu.vector_load %arg8[%swap3A, %swap3A_100] {strides = array<i32>} : memref<128x128xf32, #tpu.memory_space<vmem>>, vector<1x16xf32>,
      %swap3A_102 = vector.shape_cast %swap3A_101 : vector<1x16xf32> to vector<16xf32>
      %swap3A_103 = vector.shape_cast %get3A_99 : vector<16xf32> to vector<1x16xf32>
      tpu.vector_store %arg8[%swap3A, %swap3A_100], %swap3A_103 {strides = array<i32>} : memref<128x128xf32, #tpu.memory_space<vmem>>, vector<1x16xf32>,
      %swap3A_104 = arith.index_cast %scan3A_94 : i32 to index
      %swap3A_105 = arith.constant 16 : index
      %swap3A_106 = tpu.vector_load %arg8[%swap3A_104, %swap3A_105] {strides = array<i32>} : memref<128x128xf32, #tpu.memory_space<vmem>>, vector<1x16xf32>,
      %swap3A_107 = vector.shape_cast %swap3A_106 : vector<1x16xf32> to vector<16xf32>
      %swap3A_108 = vector.shape_cast %get3A_99 : vector<16xf32> to vector<1x16xf32>
      tpu.vector_store %arg8[%swap3A_104, %swap3A_105], %swap3A_108 {strides = array<i32>} : memref<128x128xf32, #tpu.memory_space<vmem>>, vector<1x16xf32>,
      %swap3A_109 = arith.index_cast %scan3A_94 : i32 to index
      %swap3A_110 = arith.constant 32 : index
      %swap3A_111 = tpu.vector_load %arg8[%swap3A_109, %swap3A_110] {strides = array<i32>} : memref<128x128xf32, #tpu.memory_space<vmem>>, vector<1x16xf32>,
      %swap3A_112 = vector.shape_cast %swap3A_111 : vector<1x16xf32> to vector<16xf32>
      %swap3A_113 = vector.shape_cast %get3A_99 : vector<16xf32> to vector<1x16xf32>
      tpu.vector_store %arg8[%swap3A_109, %swap3A_110], %swap3A_113 {strides = array<i32>} : memref<128x128xf32, #tpu.memory_space<vmem>>, vector<1x16xf32>,
      %swap3A_114 = arith.index_cast %scan3A_94 : i32 to index
      %swap3A_115 = arith.constant 48 : index
      %swap3A_116 = tpu.vector_load %arg8[%swap3A_114, %swap3A_115] {strides = array<i32>} : memref<128x128xf32, #tpu.memory_space<vmem>>, vector<1x16xf32>,
      %swap3A_117 = vector.shape_cast %swap3A_116 : vector<1x16xf32> to vector<16xf32>
      %swap3A_118 = vector.shape_cast %get3A_99 : vector<16xf32> to vector<1x16xf32>
      tpu.vector_store %arg8[%swap3A_114, %swap3A_115], %swap3A_118 {strides = array<i32>} : memref<128x128xf32, #tpu.memory_space<vmem>>, vector<1x16xf32>,
      %swap3A_119 = arith.index_cast %scan3A_94 : i32 to index
      %swap3A_120 = arith.constant 64 : index
      %swap3A_121 = tpu.vector_load %arg8[%swap3A_119, %swap3A_120] {strides = array<i32>} : memref<128x128xf32, #tpu.memory_space<vmem>>, vector<1x16xf32>,
      %swap3A_122 = vector.shape_cast %swap3A_121 : vector<1x16xf32> to vector<16xf32>
      %swap3A_123 = vector.shape_cast %get3A_99 : vector<16xf32> to vector<1x16xf32>
      tpu.vector_store %arg8[%swap3A_119, %swap3A_120], %swap3A_123 {strides = array<i32>} : memref<128x128xf32, #tpu.memory_space<vmem>>, vector<1x16xf32>,
      %swap3A_124 = arith.index_cast %scan3A_94 : i32 to index
      %swap3A_125 = arith.constant 80 : index
      %swap3A_126 = tpu.vector_load %arg8[%swap3A_124, %swap3A_125] {strides = array<i32>} : memref<128x128xf32, #tpu.memory_space<vmem>>, vector<1x16xf32>,
      %swap3A_127 = vector.shape_cast %swap3A_126 : vector<1x16xf32> to vector<16xf32>
      %swap3A_128 = vector.shape_cast %get3A_99 : vector<16xf32> to vector<1x16xf32>
      tpu.vector_store %arg8[%swap3A_124, %swap3A_125], %swap3A_128 {strides = array<i32>} : memref<128x128xf32, #tpu.memory_space<vmem>>, vector<1x16xf32>,
      %swap3A_129 = arith.index_cast %scan3A_94 : i32 to index
      %swap3A_130 = arith.constant 96 : index
      %swap3A_131 = tpu.vector_load %arg8[%swap3A_129, %swap3A_130] {strides = array<i32>} : memref<128x128xf32, #tpu.memory_space<vmem>>, vector<1x16xf32>,
      %swap3A_132 = vector.shape_cast %swap3A_131 : vector<1x16xf32> to vector<16xf32>
      %swap3A_133 = vector.shape_cast %get3A_99 : vector<16xf32> to vector<1x16xf32>
      tpu.vector_store %arg8[%swap3A_129, %swap3A_130], %swap3A_133 {strides = array<i32>} : memref<128x128xf32, #tpu.memory_space<vmem>>, vector<1x16xf32>,
      %swap3A_134 = arith.index_cast %scan3A_94 : i32 to index
      %swap3A_135 = arith.constant 112 : index
      %swap3A_136 = tpu.vector_load %arg8[%swap3A_134, %swap3A_135] {strides = array<i32>} : memref<128x128xf32, #tpu.memory_space<vmem>>, vector<1x16xf32>,
      %swap3A_137 = vector.shape_cast %swap3A_136 : vector<1x16xf32> to vector<16xf32>
      %swap3A_138 = vector.shape_cast %get3A_99 : vector<16xf32> to vector<1x16xf32>
      tpu.vector_store %arg8[%swap3A_134, %swap3A_135], %swap3A_138 {strides = array<i32>} : memref<128x128xf32, #tpu.memory_space<vmem>>, vector<1x16xf32>,
    }
    %scan3A_49 = arith.constant 128 : i32
    %mul3A_50 = arith.constant 640 : i32
    %mul3A_51 = arith.muli %arg1, %mul3A_50 : i32
    %add3A_52 = arith.constant 0 : i32
    %add3A_53 = arith.addi %mul3A_51, %add3A_52 : i32
    "tpu.region"() ({
      %run_scoped3A = tpu.sem_alloc : memref<!tpu.dma_semaphore, #tpu.memory_space<semaphore_mem>>
      %dma_start3A = arith.constant 0 : i32
      %dma_start3A_94 = tpu.memref_slice %arg3[%arg0, %add3A_53, %dma_start3A] : memref<2x10240x128xf32, #tpu.memory_space<hbm>> -> memref<1x128x128xf32, #tpu.memory_space<hbm>>
      %dma_start3A_95 = tpu.memref_squeeze %dma_start3A_94 : memref<1x128x128xf32, #tpu.memory_space<hbm>> -> memref<128x128xf32, #tpu.memory_space<hbm>>
      %dma_start3A_96 = arith.constant 0 : i32
      %dma_start3A_97 = tpu.memref_slice %arg3[%arg0, %add3A_53, %dma_start3A_96] : memref<2x10240x128xf32, #tpu.memory_space<hbm>> -> memref<1x128x128xf32, #tpu.memory_space<hbm>>
      %dma_start3A_98 = tpu.memref_squeeze %dma_start3A_97 : memref<1x128x128xf32, #tpu.memory_space<hbm>> -> memref<128x128xf32, #tpu.memory_space<hbm>>
      tpu.enqueue_dma source(%arg8 : memref<128x128xf32, #tpu.memory_space<vmem>>) target(%dma_start3A_98 : memref<128x128xf32, #tpu.memory_space<hbm>>) target_semaphore(%run_scoped3A : memref<!tpu.dma_semaphore, #tpu.memory_space<semaphore_mem>>)
      %dma_wait3A = arith.constant 0 : i32
      %dma_wait3A_99 = tpu.memref_slice %arg3[%arg0, %add3A_53, %dma_wait3A] : memref<2x10240x128xf32, #tpu.memory_space<hbm>> -> memref<1x128x128xf32, #tpu.memory_space<hbm>>
      %dma_wait3A_100 = tpu.memref_squeeze %dma_wait3A_99 : memref<1x128x128xf32, #tpu.memory_space<hbm>> -> memref<128x128xf32, #tpu.memory_space<hbm>>
      %dma_wait3A_101 = arith.constant 0 : i32
      %dma_wait3A_102 = tpu.memref_slice %arg3[%arg0, %add3A_53, %dma_wait3A_101] : memref<2x10240x128xf32, #tpu.memory_space<hbm>> -> memref<1x128x128xf32, #tpu.memory_space<hbm>>
      %dma_wait3A_103 = tpu.memref_squeeze %dma_wait3A_102 : memref<1x128x128xf32, #tpu.memory_space<hbm>> -> memref<128x128xf32, #tpu.memory_space<hbm>>
      tpu.wait_dma2 semaphore(%run_scoped3A : memref<!tpu.dma_semaphore, #tpu.memory_space<semaphore_mem>>) src(%arg8 : memref<128x128xf32, #tpu.memory_space<vmem>>) dst(%dma_wait3A_103 : memref<128x128xf32, #tpu.memory_space<hbm>>)
      tpu.yield
    }) : () -> ()
    %scan3A_54 = arith.constant 0 : i32
    %scan3A_55 = arith.constant 0 : i32
    %scan3A_56 = arith.constant 128 : i32
    %scan3A_57 = arith.addi %scan3A_55, %scan3A_56 : i32
    %scan3A_58 = arith.constant 1 : i32
    scf.for %scan3A_94 = %scan3A_55 to %scan3A_57 step %scan3A_58  : i32 {
      %add3A_95 = arith.constant 128 : i32
      %add3A_96 = arith.addi %add3A_95, %scan3A_94 : i32
      %get3A = arith.index_cast %add3A_96 : i32 to index
      %get3A_97 = arith.constant 0 : index
      %get3A_98 = tpu.vector_load %arg7[%get3A, %get3A_97] {strides = array<i32>} : memref<640x16xf32, #tpu.memory_space<vmem>>, vector<1x16xf32>,
      %get3A_99 = vector.shape_cast %get3A_98 : vector<1x16xf32> to vector<16xf32>
      %swap3A = arith.index_cast %scan3A_94 : i32 to index
      %swap3A_100 = arith.constant 0 : index
      %swap3A_101 = tpu.vector_load %arg8[%swap3A, %swap3A_100] {strides = array<i32>} : memref<128x128xf32, #tpu.memory_space<vmem>>, vector<1x16xf32>,
      %swap3A_102 = vector.shape_cast %swap3A_101 : vector<1x16xf32> to vector<16xf32>
      %swap3A_103 = vector.shape_cast %get3A_99 : vector<16xf32> to vector<1x16xf32>
      tpu.vector_store %arg8[%swap3A, %swap3A_100], %swap3A_103 {strides = array<i32>} : memref<128x128xf32, #tpu.memory_space<vmem>>, vector<1x16xf32>,
      %swap3A_104 = arith.index_cast %scan3A_94 : i32 to index
      %swap3A_105 = arith.constant 16 : index
      %swap3A_106 = tpu.vector_load %arg8[%swap3A_104, %swap3A_105] {strides = array<i32>} : memref<128x128xf32, #tpu.memory_space<vmem>>, vector<1x16xf32>,
      %swap3A_107 = vector.shape_cast %swap3A_106 : vector<1x16xf32> to vector<16xf32>
      %swap3A_108 = vector.shape_cast %get3A_99 : vector<16xf32> to vector<1x16xf32>
      tpu.vector_store %arg8[%swap3A_104, %swap3A_105], %swap3A_108 {strides = array<i32>} : memref<128x128xf32, #tpu.memory_space<vmem>>, vector<1x16xf32>,
      %swap3A_109 = arith.index_cast %scan3A_94 : i32 to index
      %swap3A_110 = arith.constant 32 : index
      %swap3A_111 = tpu.vector_load %arg8[%swap3A_109, %swap3A_110] {strides = array<i32>} : memref<128x128xf32, #tpu.memory_space<vmem>>, vector<1x16xf32>,
      %swap3A_112 = vector.shape_cast %swap3A_111 : vector<1x16xf32> to vector<16xf32>
      %swap3A_113 = vector.shape_cast %get3A_99 : vector<16xf32> to vector<1x16xf32>
      tpu.vector_store %arg8[%swap3A_109, %swap3A_110], %swap3A_113 {strides = array<i32>} : memref<128x128xf32, #tpu.memory_space<vmem>>, vector<1x16xf32>,
      %swap3A_114 = arith.index_cast %scan3A_94 : i32 to index
      %swap3A_115 = arith.constant 48 : index
      %swap3A_116 = tpu.vector_load %arg8[%swap3A_114, %swap3A_115] {strides = array<i32>} : memref<128x128xf32, #tpu.memory_space<vmem>>, vector<1x16xf32>,
      %swap3A_117 = vector.shape_cast %swap3A_116 : vector<1x16xf32> to vector<16xf32>
      %swap3A_118 = vector.shape_cast %get3A_99 : vector<16xf32> to vector<1x16xf32>
      tpu.vector_store %arg8[%swap3A_114, %swap3A_115], %swap3A_118 {strides = array<i32>} : memref<128x128xf32, #tpu.memory_space<vmem>>, vector<1x16xf32>,
      %swap3A_119 = arith.index_cast %scan3A_94 : i32 to index
      %swap3A_120 = arith.constant 64 : index
      %swap3A_121 = tpu.vector_load %arg8[%swap3A_119, %swap3A_120] {strides = array<i32>} : memref<128x128xf32, #tpu.memory_space<vmem>>, vector<1x16xf32>,
      %swap3A_122 = vector.shape_cast %swap3A_121 : vector<1x16xf32> to vector<16xf32>
      %swap3A_123 = vector.shape_cast %get3A_99 : vector<16xf32> to vector<1x16xf32>
      tpu.vector_store %arg8[%swap3A_119, %swap3A_120], %swap3A_123 {strides = array<i32>} : memref<128x128xf32, #tpu.memory_space<vmem>>, vector<1x16xf32>,
      %swap3A_124 = arith.index_cast %scan3A_94 : i32 to index
      %swap3A_125 = arith.constant 80 : index
      %swap3A_126 = tpu.vector_load %arg8[%swap3A_124, %swap3A_125] {strides = array<i32>} : memref<128x128xf32, #tpu.memory_space<vmem>>, vector<1x16xf32>,
      %swap3A_127 = vector.shape_cast %swap3A_126 : vector<1x16xf32> to vector<16xf32>
      %swap3A_128 = vector.shape_cast %get3A_99 : vector<16xf32> to vector<1x16xf32>
      tpu.vector_store %arg8[%swap3A_124, %swap3A_125], %swap3A_128 {strides = array<i32>} : memref<128x128xf32, #tpu.memory_space<vmem>>, vector<1x16xf32>,
      %swap3A_129 = arith.index_cast %scan3A_94 : i32 to index
      %swap3A_130 = arith.constant 96 : index
      %swap3A_131 = tpu.vector_load %arg8[%swap3A_129, %swap3A_130] {strides = array<i32>} : memref<128x128xf32, #tpu.memory_space<vmem>>, vector<1x16xf32>,
      %swap3A_132 = vector.shape_cast %swap3A_131 : vector<1x16xf32> to vector<16xf32>
      %swap3A_133 = vector.shape_cast %get3A_99 : vector<16xf32> to vector<1x16xf32>
      tpu.vector_store %arg8[%swap3A_129, %swap3A_130], %swap3A_133 {strides = array<i32>} : memref<128x128xf32, #tpu.memory_space<vmem>>, vector<1x16xf32>,
      %swap3A_134 = arith.index_cast %scan3A_94 : i32 to index
      %swap3A_135 = arith.constant 112 : index
      %swap3A_136 = tpu.vector_load %arg8[%swap3A_134, %swap3A_135] {strides = array<i32>} : memref<128x128xf32, #tpu.memory_space<vmem>>, vector<1x16xf32>,
      %swap3A_137 = vector.shape_cast %swap3A_136 : vector<1x16xf32> to vector<16xf32>
      %swap3A_138 = vector.shape_cast %get3A_99 : vector<16xf32> to vector<1x16xf32>
      tpu.vector_store %arg8[%swap3A_134, %swap3A_135], %swap3A_138 {strides = array<i32>} : memref<128x128xf32, #tpu.memory_space<vmem>>, vector<1x16xf32>,
    }
    %scan3A_59 = arith.constant 128 : i32
    %mul3A_60 = arith.constant 640 : i32
    %mul3A_61 = arith.muli %arg1, %mul3A_60 : i32
    %add3A_62 = arith.constant 128 : i32
    %add3A_63 = arith.addi %mul3A_61, %add3A_62 : i32
    "tpu.region"() ({
      %run_scoped3A = tpu.sem_alloc : memref<!tpu.dma_semaphore, #tpu.memory_space<semaphore_mem>>
      %dma_start3A = arith.constant 0 : i32
      %dma_start3A_94 = tpu.memref_slice %arg3[%arg0, %add3A_63, %dma_start3A] : memref<2x10240x128xf32, #tpu.memory_space<hbm>> -> memref<1x128x128xf32, #tpu.memory_space<hbm>>
      %dma_start3A_95 = tpu.memref_squeeze %dma_start3A_94 : memref<1x128x128xf32, #tpu.memory_space<hbm>> -> memref<128x128xf32, #tpu.memory_space<hbm>>
      %dma_start3A_96 = arith.constant 0 : i32
      %dma_start3A_97 = tpu.memref_slice %arg3[%arg0, %add3A_63, %dma_start3A_96] : memref<2x10240x128xf32, #tpu.memory_space<hbm>> -> memref<1x128x128xf32, #tpu.memory_space<hbm>>
      %dma_start3A_98 = tpu.memref_squeeze %dma_start3A_97 : memref<1x128x128xf32, #tpu.memory_space<hbm>> -> memref<128x128xf32, #tpu.memory_space<hbm>>
      tpu.enqueue_dma source(%arg8 : memref<128x128xf32, #tpu.memory_space<vmem>>) target(%dma_start3A_98 : memref<128x128xf32, #tpu.memory_space<hbm>>) target_semaphore(%run_scoped3A : memref<!tpu.dma_semaphore, #tpu.memory_space<semaphore_mem>>)
      %dma_wait3A = arith.constant 0 : i32
      %dma_wait3A_99 = tpu.memref_slice %arg3[%arg0, %add3A_63, %dma_wait3A] : memref<2x10240x128xf32, #tpu.memory_space<hbm>> -> memref<1x128x128xf32, #tpu.memory_space<hbm>>
      %dma_wait3A_100 = tpu.memref_squeeze %dma_wait3A_99 : memref<1x128x128xf32, #tpu.memory_space<hbm>> -> memref<128x128xf32, #tpu.memory_space<hbm>>
      %dma_wait3A_101 = arith.constant 0 : i32
      %dma_wait3A_102 = tpu.memref_slice %arg3[%arg0, %add3A_63, %dma_wait3A_101] : memref<2x10240x128xf32, #tpu.memory_space<hbm>> -> memref<1x128x128xf32, #tpu.memory_space<hbm>>
      %dma_wait3A_103 = tpu.memref_squeeze %dma_wait3A_102 : memref<1x128x128xf32, #tpu.memory_space<hbm>> -> memref<128x128xf32, #tpu.memory_space<hbm>>
      tpu.wait_dma2 semaphore(%run_scoped3A : memref<!tpu.dma_semaphore, #tpu.memory_space<semaphore_mem>>) src(%arg8 : memref<128x128xf32, #tpu.memory_space<vmem>>) dst(%dma_wait3A_103 : memref<128x128xf32, #tpu.memory_space<hbm>>)
      tpu.yield
    }) : () -> ()
    %scan3A_64 = arith.constant 0 : i32
    %scan3A_65 = arith.constant 0 : i32
    %scan3A_66 = arith.constant 128 : i32
    %scan3A_67 = arith.addi %scan3A_65, %scan3A_66 : i32
    %scan3A_68 = arith.constant 1 : i32
    scf.for %scan3A_94 = %scan3A_65 to %scan3A_67 step %scan3A_68  : i32 {
      %add3A_95 = arith.constant 256 : i32
      %add3A_96 = arith.addi %add3A_95, %scan3A_94 : i32
      %get3A = arith.index_cast %add3A_96 : i32 to index
      %get3A_97 = arith.constant 0 : index
      %get3A_98 = tpu.vector_load %arg7[%get3A, %get3A_97] {strides = array<i32>} : memref<640x16xf32, #tpu.memory_space<vmem>>, vector<1x16xf32>,
      %get3A_99 = vector.shape_cast %get3A_98 : vector<1x16xf32> to vector<16xf32>
      %swap3A = arith.index_cast %scan3A_94 : i32 to index
      %swap3A_100 = arith.constant 0 : index
      %swap3A_101 = tpu.vector_load %arg8[%swap3A, %swap3A_100] {strides = array<i32>} : memref<128x128xf32, #tpu.memory_space<vmem>>, vector<1x16xf32>,
      %swap3A_102 = vector.shape_cast %swap3A_101 : vector<1x16xf32> to vector<16xf32>
      %swap3A_103 = vector.shape_cast %get3A_99 : vector<16xf32> to vector<1x16xf32>
      tpu.vector_store %arg8[%swap3A, %swap3A_100], %swap3A_103 {strides = array<i32>} : memref<128x128xf32, #tpu.memory_space<vmem>>, vector<1x16xf32>,
      %swap3A_104 = arith.index_cast %scan3A_94 : i32 to index
      %swap3A_105 = arith.constant 16 : index
      %swap3A_106 = tpu.vector_load %arg8[%swap3A_104, %swap3A_105] {strides = array<i32>} : memref<128x128xf32, #tpu.memory_space<vmem>>, vector<1x16xf32>,
      %swap3A_107 = vector.shape_cast %swap3A_106 : vector<1x16xf32> to vector<16xf32>
      %swap3A_108 = vector.shape_cast %get3A_99 : vector<16xf32> to vector<1x16xf32>
      tpu.vector_store %arg8[%swap3A_104, %swap3A_105], %swap3A_108 {strides = array<i32>} : memref<128x128xf32, #tpu.memory_space<vmem>>, vector<1x16xf32>,
      %swap3A_109 = arith.index_cast %scan3A_94 : i32 to index
      %swap3A_110 = arith.constant 32 : index
      %swap3A_111 = tpu.vector_load %arg8[%swap3A_109, %swap3A_110] {strides = array<i32>} : memref<128x128xf32, #tpu.memory_space<vmem>>, vector<1x16xf32>,
      %swap3A_112 = vector.shape_cast %swap3A_111 : vector<1x16xf32> to vector<16xf32>
      %swap3A_113 = vector.shape_cast %get3A_99 : vector<16xf32> to vector<1x16xf32>
      tpu.vector_store %arg8[%swap3A_109, %swap3A_110], %swap3A_113 {strides = array<i32>} : memref<128x128xf32, #tpu.memory_space<vmem>>, vector<1x16xf32>,
      %swap3A_114 = arith.index_cast %scan3A_94 : i32 to index
      %swap3A_115 = arith.constant 48 : index
      %swap3A_116 = tpu.vector_load %arg8[%swap3A_114, %swap3A_115] {strides = array<i32>} : memref<128x128xf32, #tpu.memory_space<vmem>>, vector<1x16xf32>,
      %swap3A_117 = vector.shape_cast %swap3A_116 : vector<1x16xf32> to vector<16xf32>
      %swap3A_118 = vector.shape_cast %get3A_99 : vector<16xf32> to vector<1x16xf32>
      tpu.vector_store %arg8[%swap3A_114, %swap3A_115], %swap3A_118 {strides = array<i32>} : memref<128x128xf32, #tpu.memory_space<vmem>>, vector<1x16xf32>,
      %swap3A_119 = arith.index_cast %scan3A_94 : i32 to index
      %swap3A_120 = arith.constant 64 : index
      %swap3A_121 = tpu.vector_load %arg8[%swap3A_119, %swap3A_120] {strides = array<i32>} : memref<128x128xf32, #tpu.memory_space<vmem>>, vector<1x16xf32>,
      %swap3A_122 = vector.shape_cast %swap3A_121 : vector<1x16xf32> to vector<16xf32>
      %swap3A_123 = vector.shape_cast %get3A_99 : vector<16xf32> to vector<1x16xf32>
      tpu.vector_store %arg8[%swap3A_119, %swap3A_120], %swap3A_123 {strides = array<i32>} : memref<128x128xf32, #tpu.memory_space<vmem>>, vector<1x16xf32>,
      %swap3A_124 = arith.index_cast %scan3A_94 : i32 to index
      %swap3A_125 = arith.constant 80 : index
      %swap3A_126 = tpu.vector_load %arg8[%swap3A_124, %swap3A_125] {strides = array<i32>} : memref<128x128xf32, #tpu.memory_space<vmem>>, vector<1x16xf32>,
      %swap3A_127 = vector.shape_cast %swap3A_126 : vector<1x16xf32> to vector<16xf32>
      %swap3A_128 = vector.shape_cast %get3A_99 : vector<16xf32> to vector<1x16xf32>
      tpu.vector_store %arg8[%swap3A_124, %swap3A_125], %swap3A_128 {strides = array<i32>} : memref<128x128xf32, #tpu.memory_space<vmem>>, vector<1x16xf32>,
      %swap3A_129 = arith.index_cast %scan3A_94 : i32 to index
      %swap3A_130 = arith.constant 96 : index
      %swap3A_131 = tpu.vector_load %arg8[%swap3A_129, %swap3A_130] {strides = array<i32>} : memref<128x128xf32, #tpu.memory_space<vmem>>, vector<1x16xf32>,
      %swap3A_132 = vector.shape_cast %swap3A_131 : vector<1x16xf32> to vector<16xf32>
      %swap3A_133 = vector.shape_cast %get3A_99 : vector<16xf32> to vector<1x16xf32>
      tpu.vector_store %arg8[%swap3A_129, %swap3A_130], %swap3A_133 {strides = array<i32>} : memref<128x128xf32, #tpu.memory_space<vmem>>, vector<1x16xf32>,
      %swap3A_134 = arith.index_cast %scan3A_94 : i32 to index
      %swap3A_135 = arith.constant 112 : index
      %swap3A_136 = tpu.vector_load %arg8[%swap3A_134, %swap3A_135] {strides = array<i32>} : memref<128x128xf32, #tpu.memory_space<vmem>>, vector<1x16xf32>,
      %swap3A_137 = vector.shape_cast %swap3A_136 : vector<1x16xf32> to vector<16xf32>
      %swap3A_138 = vector.shape_cast %get3A_99 : vector<16xf32> to vector<1x16xf32>
      tpu.vector_store %arg8[%swap3A_134, %swap3A_135], %swap3A_138 {strides = array<i32>} : memref<128x128xf32, #tpu.memory_space<vmem>>, vector<1x16xf32>,
    }
    %scan3A_69 = arith.constant 128 : i32
    %mul3A_70 = arith.constant 640 : i32
    %mul3A_71 = arith.muli %arg1, %mul3A_70 : i32
    %add3A_72 = arith.constant 256 : i32
    %add3A_73 = arith.addi %mul3A_71, %add3A_72 : i32
    "tpu.region"() ({
      %run_scoped3A = tpu.sem_alloc : memref<!tpu.dma_semaphore, #tpu.memory_space<semaphore_mem>>
      %dma_start3A = arith.constant 0 : i32
      %dma_start3A_94 = tpu.memref_slice %arg3[%arg0, %add3A_73, %dma_start3A] : memref<2x10240x128xf32, #tpu.memory_space<hbm>> -> memref<1x128x128xf32, #tpu.memory_space<hbm>>
      %dma_start3A_95 = tpu.memref_squeeze %dma_start3A_94 : memref<1x128x128xf32, #tpu.memory_space<hbm>> -> memref<128x128xf32, #tpu.memory_space<hbm>>
      %dma_start3A_96 = arith.constant 0 : i32
      %dma_start3A_97 = tpu.memref_slice %arg3[%arg0, %add3A_73, %dma_start3A_96] : memref<2x10240x128xf32, #tpu.memory_space<hbm>> -> memref<1x128x128xf32, #tpu.memory_space<hbm>>
      %dma_start3A_98 = tpu.memref_squeeze %dma_start3A_97 : memref<1x128x128xf32, #tpu.memory_space<hbm>> -> memref<128x128xf32, #tpu.memory_space<hbm>>
      tpu.enqueue_dma source(%arg8 : memref<128x128xf32, #tpu.memory_space<vmem>>) target(%dma_start3A_98 : memref<128x128xf32, #tpu.memory_space<hbm>>) target_semaphore(%run_scoped3A : memref<!tpu.dma_semaphore, #tpu.memory_space<semaphore_mem>>)
      %dma_wait3A = arith.constant 0 : i32
      %dma_wait3A_99 = tpu.memref_slice %arg3[%arg0, %add3A_73, %dma_wait3A] : memref<2x10240x128xf32, #tpu.memory_space<hbm>> -> memref<1x128x128xf32, #tpu.memory_space<hbm>>
      %dma_wait3A_100 = tpu.memref_squeeze %dma_wait3A_99 : memref<1x128x128xf32, #tpu.memory_space<hbm>> -> memref<128x128xf32, #tpu.memory_space<hbm>>
      %dma_wait3A_101 = arith.constant 0 : i32
      %dma_wait3A_102 = tpu.memref_slice %arg3[%arg0, %add3A_73, %dma_wait3A_101] : memref<2x10240x128xf32, #tpu.memory_space<hbm>> -> memref<1x128x128xf32, #tpu.memory_space<hbm>>
      %dma_wait3A_103 = tpu.memref_squeeze %dma_wait3A_102 : memref<1x128x128xf32, #tpu.memory_space<hbm>> -> memref<128x128xf32, #tpu.memory_space<hbm>>
      tpu.wait_dma2 semaphore(%run_scoped3A : memref<!tpu.dma_semaphore, #tpu.memory_space<semaphore_mem>>) src(%arg8 : memref<128x128xf32, #tpu.memory_space<vmem>>) dst(%dma_wait3A_103 : memref<128x128xf32, #tpu.memory_space<hbm>>)
      tpu.yield
    }) : () -> ()
    %scan3A_74 = arith.constant 0 : i32
    %scan3A_75 = arith.constant 0 : i32
    %scan3A_76 = arith.constant 128 : i32
    %scan3A_77 = arith.addi %scan3A_75, %scan3A_76 : i32
    %scan3A_78 = arith.constant 1 : i32
    scf.for %scan3A_94 = %scan3A_75 to %scan3A_77 step %scan3A_78  : i32 {
      %add3A_95 = arith.constant 384 : i32
      %add3A_96 = arith.addi %add3A_95, %scan3A_94 : i32
      %get3A = arith.index_cast %add3A_96 : i32 to index
      %get3A_97 = arith.constant 0 : index
      %get3A_98 = tpu.vector_load %arg7[%get3A, %get3A_97] {strides = array<i32>} : memref<640x16xf32, #tpu.memory_space<vmem>>, vector<1x16xf32>,
      %get3A_99 = vector.shape_cast %get3A_98 : vector<1x16xf32> to vector<16xf32>
      %swap3A = arith.index_cast %scan3A_94 : i32 to index
      %swap3A_100 = arith.constant 0 : index
      %swap3A_101 = tpu.vector_load %arg8[%swap3A, %swap3A_100] {strides = array<i32>} : memref<128x128xf32, #tpu.memory_space<vmem>>, vector<1x16xf32>,
      %swap3A_102 = vector.shape_cast %swap3A_101 : vector<1x16xf32> to vector<16xf32>
      %swap3A_103 = vector.shape_cast %get3A_99 : vector<16xf32> to vector<1x16xf32>
      tpu.vector_store %arg8[%swap3A, %swap3A_100], %swap3A_103 {strides = array<i32>} : memref<128x128xf32, #tpu.memory_space<vmem>>, vector<1x16xf32>,
      %swap3A_104 = arith.index_cast %scan3A_94 : i32 to index
      %swap3A_105 = arith.constant 16 : index
      %swap3A_106 = tpu.vector_load %arg8[%swap3A_104, %swap3A_105] {strides = array<i32>} : memref<128x128xf32, #tpu.memory_space<vmem>>, vector<1x16xf32>,
      %swap3A_107 = vector.shape_cast %swap3A_106 : vector<1x16xf32> to vector<16xf32>
      %swap3A_108 = vector.shape_cast %get3A_99 : vector<16xf32> to vector<1x16xf32>
      tpu.vector_store %arg8[%swap3A_104, %swap3A_105], %swap3A_108 {strides = array<i32>} : memref<128x128xf32, #tpu.memory_space<vmem>>, vector<1x16xf32>,
      %swap3A_109 = arith.index_cast %scan3A_94 : i32 to index
      %swap3A_110 = arith.constant 32 : index
      %swap3A_111 = tpu.vector_load %arg8[%swap3A_109, %swap3A_110] {strides = array<i32>} : memref<128x128xf32, #tpu.memory_space<vmem>>, vector<1x16xf32>,
      %swap3A_112 = vector.shape_cast %swap3A_111 : vector<1x16xf32> to vector<16xf32>
      %swap3A_113 = vector.shape_cast %get3A_99 : vector<16xf32> to vector<1x16xf32>
      tpu.vector_store %arg8[%swap3A_109, %swap3A_110], %swap3A_113 {strides = array<i32>} : memref<128x128xf32, #tpu.memory_space<vmem>>, vector<1x16xf32>,
      %swap3A_114 = arith.index_cast %scan3A_94 : i32 to index
      %swap3A_115 = arith.constant 48 : index
      %swap3A_116 = tpu.vector_load %arg8[%swap3A_114, %swap3A_115] {strides = array<i32>} : memref<128x128xf32, #tpu.memory_space<vmem>>, vector<1x16xf32>,
      %swap3A_117 = vector.shape_cast %swap3A_116 : vector<1x16xf32> to vector<16xf32>
      %swap3A_118 = vector.shape_cast %get3A_99 : vector<16xf32> to vector<1x16xf32>
      tpu.vector_store %arg8[%swap3A_114, %swap3A_115], %swap3A_118 {strides = array<i32>} : memref<128x128xf32, #tpu.memory_space<vmem>>, vector<1x16xf32>,
      %swap3A_119 = arith.index_cast %scan3A_94 : i32 to index
      %swap3A_120 = arith.constant 64 : index
      %swap3A_121 = tpu.vector_load %arg8[%swap3A_119, %swap3A_120] {strides = array<i32>} : memref<128x128xf32, #tpu.memory_space<vmem>>, vector<1x16xf32>,
      %swap3A_122 = vector.shape_cast %swap3A_121 : vector<1x16xf32> to vector<16xf32>
      %swap3A_123 = vector.shape_cast %get3A_99 : vector<16xf32> to vector<1x16xf32>
      tpu.vector_store %arg8[%swap3A_119, %swap3A_120], %swap3A_123 {strides = array<i32>} : memref<128x128xf32, #tpu.memory_space<vmem>>, vector<1x16xf32>,
      %swap3A_124 = arith.index_cast %scan3A_94 : i32 to index
      %swap3A_125 = arith.constant 80 : index
      %swap3A_126 = tpu.vector_load %arg8[%swap3A_124, %swap3A_125] {strides = array<i32>} : memref<128x128xf32, #tpu.memory_space<vmem>>, vector<1x16xf32>,
      %swap3A_127 = vector.shape_cast %swap3A_126 : vector<1x16xf32> to vector<16xf32>
      %swap3A_128 = vector.shape_cast %get3A_99 : vector<16xf32> to vector<1x16xf32>
      tpu.vector_store %arg8[%swap3A_124, %swap3A_125], %swap3A_128 {strides = array<i32>} : memref<128x128xf32, #tpu.memory_space<vmem>>, vector<1x16xf32>,
      %swap3A_129 = arith.index_cast %scan3A_94 : i32 to index
      %swap3A_130 = arith.constant 96 : index
      %swap3A_131 = tpu.vector_load %arg8[%swap3A_129, %swap3A_130] {strides = array<i32>} : memref<128x128xf32, #tpu.memory_space<vmem>>, vector<1x16xf32>,
      %swap3A_132 = vector.shape_cast %swap3A_131 : vector<1x16xf32> to vector<16xf32>
      %swap3A_133 = vector.shape_cast %get3A_99 : vector<16xf32> to vector<1x16xf32>
      tpu.vector_store %arg8[%swap3A_129, %swap3A_130], %swap3A_133 {strides = array<i32>} : memref<128x128xf32, #tpu.memory_space<vmem>>, vector<1x16xf32>,
      %swap3A_134 = arith.index_cast %scan3A_94 : i32 to index
      %swap3A_135 = arith.constant 112 : index
      %swap3A_136 = tpu.vector_load %arg8[%swap3A_134, %swap3A_135] {strides = array<i32>} : memref<128x128xf32, #tpu.memory_space<vmem>>, vector<1x16xf32>,
      %swap3A_137 = vector.shape_cast %swap3A_136 : vector<1x16xf32> to vector<16xf32>
      %swap3A_138 = vector.shape_cast %get3A_99 : vector<16xf32> to vector<1x16xf32>
      tpu.vector_store %arg8[%swap3A_134, %swap3A_135], %swap3A_138 {strides = array<i32>} : memref<128x128xf32, #tpu.memory_space<vmem>>, vector<1x16xf32>,
    }
    %scan3A_79 = arith.constant 128 : i32
    %mul3A_80 = arith.constant 640 : i32
    %mul3A_81 = arith.muli %arg1, %mul3A_80 : i32
    %add3A_82 = arith.constant 384 : i32
    %add3A_83 = arith.addi %mul3A_81, %add3A_82 : i32
    "tpu.region"() ({
      %run_scoped3A = tpu.sem_alloc : memref<!tpu.dma_semaphore, #tpu.memory_space<semaphore_mem>>
      %dma_start3A = arith.constant 0 : i32
      %dma_start3A_94 = tpu.memref_slice %arg3[%arg0, %add3A_83, %dma_start3A] : memref<2x10240x128xf32, #tpu.memory_space<hbm>> -> memref<1x128x128xf32, #tpu.memory_space<hbm>>
      %dma_start3A_95 = tpu.memref_squeeze %dma_start3A_94 : memref<1x128x128xf32, #tpu.memory_space<hbm>> -> memref<128x128xf32, #tpu.memory_space<hbm>>
      %dma_start3A_96 = arith.constant 0 : i32
      %dma_start3A_97 = tpu.memref_slice %arg3[%arg0, %add3A_83, %dma_start3A_96] : memref<2x10240x128xf32, #tpu.memory_space<hbm>> -> memref<1x128x128xf32, #tpu.memory_space<hbm>>
      %dma_start3A_98 = tpu.memref_squeeze %dma_start3A_97 : memref<1x128x128xf32, #tpu.memory_space<hbm>> -> memref<128x128xf32, #tpu.memory_space<hbm>>
      tpu.enqueue_dma source(%arg8 : memref<128x128xf32, #tpu.memory_space<vmem>>) target(%dma_start3A_98 : memref<128x128xf32, #tpu.memory_space<hbm>>) target_semaphore(%run_scoped3A : memref<!tpu.dma_semaphore, #tpu.memory_space<semaphore_mem>>)
      %dma_wait3A = arith.constant 0 : i32
      %dma_wait3A_99 = tpu.memref_slice %arg3[%arg0, %add3A_83, %dma_wait3A] : memref<2x10240x128xf32, #tpu.memory_space<hbm>> -> memref<1x128x128xf32, #tpu.memory_space<hbm>>
      %dma_wait3A_100 = tpu.memref_squeeze %dma_wait3A_99 : memref<1x128x128xf32, #tpu.memory_space<hbm>> -> memref<128x128xf32, #tpu.memory_space<hbm>>
      %dma_wait3A_101 = arith.constant 0 : i32
      %dma_wait3A_102 = tpu.memref_slice %arg3[%arg0, %add3A_83, %dma_wait3A_101] : memref<2x10240x128xf32, #tpu.memory_space<hbm>> -> memref<1x128x128xf32, #tpu.memory_space<hbm>>
      %dma_wait3A_103 = tpu.memref_squeeze %dma_wait3A_102 : memref<1x128x128xf32, #tpu.memory_space<hbm>> -> memref<128x128xf32, #tpu.memory_space<hbm>>
      tpu.wait_dma2 semaphore(%run_scoped3A : memref<!tpu.dma_semaphore, #tpu.memory_space<semaphore_mem>>) src(%arg8 : memref<128x128xf32, #tpu.memory_space<vmem>>) dst(%dma_wait3A_103 : memref<128x128xf32, #tpu.memory_space<hbm>>)
      tpu.yield
    }) : () -> ()
    %scan3A_84 = arith.constant 0 : i32
    %scan3A_85 = arith.constant 0 : i32
    %scan3A_86 = arith.constant 128 : i32
    %scan3A_87 = arith.addi %scan3A_85, %scan3A_86 : i32
    %scan3A_88 = arith.constant 1 : i32
    scf.for %scan3A_94 = %scan3A_85 to %scan3A_87 step %scan3A_88  : i32 {
      %add3A_95 = arith.constant 512 : i32
      %add3A_96 = arith.addi %add3A_95, %scan3A_94 : i32
      %get3A = arith.index_cast %add3A_96 : i32 to index
      %get3A_97 = arith.constant 0 : index
      %get3A_98 = tpu.vector_load %arg7[%get3A, %get3A_97] {strides = array<i32>} : memref<640x16xf32, #tpu.memory_space<vmem>>, vector<1x16xf32>,
      %get3A_99 = vector.shape_cast %get3A_98 : vector<1x16xf32> to vector<16xf32>
      %swap3A = arith.index_cast %scan3A_94 : i32 to index
      %swap3A_100 = arith.constant 0 : index
      %swap3A_101 = tpu.vector_load %arg8[%swap3A, %swap3A_100] {strides = array<i32>} : memref<128x128xf32, #tpu.memory_space<vmem>>, vector<1x16xf32>,
      %swap3A_102 = vector.shape_cast %swap3A_101 : vector<1x16xf32> to vector<16xf32>
      %swap3A_103 = vector.shape_cast %get3A_99 : vector<16xf32> to vector<1x16xf32>
      tpu.vector_store %arg8[%swap3A, %swap3A_100], %swap3A_103 {strides = array<i32>} : memref<128x128xf32, #tpu.memory_space<vmem>>, vector<1x16xf32>,
      %swap3A_104 = arith.index_cast %scan3A_94 : i32 to index
      %swap3A_105 = arith.constant 16 : index
      %swap3A_106 = tpu.vector_load %arg8[%swap3A_104, %swap3A_105] {strides = array<i32>} : memref<128x128xf32, #tpu.memory_space<vmem>>, vector<1x16xf32>,
      %swap3A_107 = vector.shape_cast %swap3A_106 : vector<1x16xf32> to vector<16xf32>
      %swap3A_108 = vector.shape_cast %get3A_99 : vector<16xf32> to vector<1x16xf32>
      tpu.vector_store %arg8[%swap3A_104, %swap3A_105], %swap3A_108 {strides = array<i32>} : memref<128x128xf32, #tpu.memory_space<vmem>>, vector<1x16xf32>,
      %swap3A_109 = arith.index_cast %scan3A_94 : i32 to index
      %swap3A_110 = arith.constant 32 : index
      %swap3A_111 = tpu.vector_load %arg8[%swap3A_109, %swap3A_110] {strides = array<i32>} : memref<128x128xf32, #tpu.memory_space<vmem>>, vector<1x16xf32>,
      %swap3A_112 = vector.shape_cast %swap3A_111 : vector<1x16xf32> to vector<16xf32>
      %swap3A_113 = vector.shape_cast %get3A_99 : vector<16xf32> to vector<1x16xf32>
      tpu.vector_store %arg8[%swap3A_109, %swap3A_110], %swap3A_113 {strides = array<i32>} : memref<128x128xf32, #tpu.memory_space<vmem>>, vector<1x16xf32>,
      %swap3A_114 = arith.index_cast %scan3A_94 : i32 to index
      %swap3A_115 = arith.constant 48 : index
      %swap3A_116 = tpu.vector_load %arg8[%swap3A_114, %swap3A_115] {strides = array<i32>} : memref<128x128xf32, #tpu.memory_space<vmem>>, vector<1x16xf32>,
      %swap3A_117 = vector.shape_cast %swap3A_116 : vector<1x16xf32> to vector<16xf32>
      %swap3A_118 = vector.shape_cast %get3A_99 : vector<16xf32> to vector<1x16xf32>
      tpu.vector_store %arg8[%swap3A_114, %swap3A_115], %swap3A_118 {strides = array<i32>} : memref<128x128xf32, #tpu.memory_space<vmem>>, vector<1x16xf32>,
      %swap3A_119 = arith.index_cast %scan3A_94 : i32 to index
      %swap3A_120 = arith.constant 64 : index
      %swap3A_121 = tpu.vector_load %arg8[%swap3A_119, %swap3A_120] {strides = array<i32>} : memref<128x128xf32, #tpu.memory_space<vmem>>, vector<1x16xf32>,
      %swap3A_122 = vector.shape_cast %swap3A_121 : vector<1x16xf32> to vector<16xf32>
      %swap3A_123 = vector.shape_cast %get3A_99 : vector<16xf32> to vector<1x16xf32>
      tpu.vector_store %arg8[%swap3A_119, %swap3A_120], %swap3A_123 {strides = array<i32>} : memref<128x128xf32, #tpu.memory_space<vmem>>, vector<1x16xf32>,
      %swap3A_124 = arith.index_cast %scan3A_94 : i32 to index
      %swap3A_125 = arith.constant 80 : index
      %swap3A_126 = tpu.vector_load %arg8[%swap3A_124, %swap3A_125] {strides = array<i32>} : memref<128x128xf32, #tpu.memory_space<vmem>>, vector<1x16xf32>,
      %swap3A_127 = vector.shape_cast %swap3A_126 : vector<1x16xf32> to vector<16xf32>
      %swap3A_128 = vector.shape_cast %get3A_99 : vector<16xf32> to vector<1x16xf32>
      tpu.vector_store %arg8[%swap3A_124, %swap3A_125], %swap3A_128 {strides = array<i32>} : memref<128x128xf32, #tpu.memory_space<vmem>>, vector<1x16xf32>,
      %swap3A_129 = arith.index_cast %scan3A_94 : i32 to index
      %swap3A_130 = arith.constant 96 : index
      %swap3A_131 = tpu.vector_load %arg8[%swap3A_129, %swap3A_130] {strides = array<i32>} : memref<128x128xf32, #tpu.memory_space<vmem>>, vector<1x16xf32>,
      %swap3A_132 = vector.shape_cast %swap3A_131 : vector<1x16xf32> to vector<16xf32>
      %swap3A_133 = vector.shape_cast %get3A_99 : vector<16xf32> to vector<1x16xf32>
      tpu.vector_store %arg8[%swap3A_129, %swap3A_130], %swap3A_133 {strides = array<i32>} : memref<128x128xf32, #tpu.memory_space<vmem>>, vector<1x16xf32>,
      %swap3A_134 = arith.index_cast %scan3A_94 : i32 to index
      %swap3A_135 = arith.constant 112 : index
      %swap3A_136 = tpu.vector_load %arg8[%swap3A_134, %swap3A_135] {strides = array<i32>} : memref<128x128xf32, #tpu.memory_space<vmem>>, vector<1x16xf32>,
      %swap3A_137 = vector.shape_cast %swap3A_136 : vector<1x16xf32> to vector<16xf32>
      %swap3A_138 = vector.shape_cast %get3A_99 : vector<16xf32> to vector<1x16xf32>
      tpu.vector_store %arg8[%swap3A_134, %swap3A_135], %swap3A_138 {strides = array<i32>} : memref<128x128xf32, #tpu.memory_space<vmem>>, vector<1x16xf32>,
    }
    %scan3A_89 = arith.constant 128 : i32
    %mul3A_90 = arith.constant 640 : i32
    %mul3A_91 = arith.muli %arg1, %mul3A_90 : i32
    %add3A_92 = arith.constant 512 : i32
    %add3A_93 = arith.addi %mul3A_91, %add3A_92 : i32
    "tpu.region"() ({
      %run_scoped3A = tpu.sem_alloc : memref<!tpu.dma_semaphore, #tpu.memory_space<semaphore_mem>>
      %dma_start3A = arith.constant 0 : i32
      %dma_start3A_94 = tpu.memref_slice %arg3[%arg0, %add3A_93, %dma_start3A] : memref<2x10240x128xf32, #tpu.memory_space<hbm>> -> memref<1x128x128xf32, #tpu.memory_space<hbm>>
      %dma_start3A_95 = tpu.memref_squeeze %dma_start3A_94 : memref<1x128x128xf32, #tpu.memory_space<hbm>> -> memref<128x128xf32, #tpu.memory_space<hbm>>
      %dma_start3A_96 = arith.constant 0 : i32
      %dma_start3A_97 = tpu.memref_slice %arg3[%arg0, %add3A_93, %dma_start3A_96] : memref<2x10240x128xf32, #tpu.memory_space<hbm>> -> memref<1x128x128xf32, #tpu.memory_space<hbm>>
      %dma_start3A_98 = tpu.memref_squeeze %dma_start3A_97 : memref<1x128x128xf32, #tpu.memory_space<hbm>> -> memref<128x128xf32, #tpu.memory_space<hbm>>
      tpu.enqueue_dma source(%arg8 : memref<128x128xf32, #tpu.memory_space<vmem>>) target(%dma_start3A_98 : memref<128x128xf32, #tpu.memory_space<hbm>>) target_semaphore(%run_scoped3A : memref<!tpu.dma_semaphore, #tpu.memory_space<semaphore_mem>>)
      %dma_wait3A = arith.constant 0 : i32
      %dma_wait3A_99 = tpu.memref_slice %arg3[%arg0, %add3A_93, %dma_wait3A] : memref<2x10240x128xf32, #tpu.memory_space<hbm>> -> memref<1x128x128xf32, #tpu.memory_space<hbm>>
      %dma_wait3A_100 = tpu.memref_squeeze %dma_wait3A_99 : memref<1x128x128xf32, #tpu.memory_space<hbm>> -> memref<128x128xf32, #tpu.memory_space<hbm>>
      %dma_wait3A_101 = arith.constant 0 : i32
      %dma_wait3A_102 = tpu.memref_slice %arg3[%arg0, %add3A_93, %dma_wait3A_101] : memref<2x10240x128xf32, #tpu.memory_space<hbm>> -> memref<1x128x128xf32, #tpu.memory_space<hbm>>
      %dma_wait3A_103 = tpu.memref_squeeze %dma_wait3A_102 : memref<1x128x128xf32, #tpu.memory_space<hbm>> -> memref<128x128xf32, #tpu.memory_space<hbm>>
      tpu.wait_dma2 semaphore(%run_scoped3A : memref<!tpu.dma_semaphore, #tpu.memory_space<semaphore_mem>>) src(%arg8 : memref<128x128xf32, #tpu.memory_space<vmem>>) dst(%dma_wait3A_103 : memref<128x128xf32, #tpu.memory_space<hbm>>)
      tpu.yield
    }) : () -> ()
    return
  }
}

module attributes {stable_mosaic.version = 14 : i64} {
  func.func @_prep_body(%arg0: memref<10000x128xf32, #tpu.memory_space<vmem>>, %arg1: memref<128x128xf32, #tpu.memory_space<vmem>>, %arg2: memref<2x10240x128xf32, #tpu.memory_space<vmem>>, %arg3: memref<10000x128xf32, #tpu.memory_space<vmem>>, %arg4: memref<10000x1xf32, #tpu.memory_space<vmem>>) attributes {dimension_semantics = [], scalar_prefetch = 0 : i64, scratch_operands = 0 : i64, tpu.core_type = #tpu.core_type<tc>} {
    %get3A = arith.constant 0 : index
    %get3A_0 = arith.constant 0 : index
    %get3A_1 = arith.constant 0 : index
    %get3A_2 = vector.load %arg2[%get3A, %get3A_0, %get3A_1] : memref<2x10240x128xf32, #tpu.memory_space<vmem>>, vector<1x10000x1xf32>
    %get3A_3 = vector.shape_cast %get3A_2 : vector<1x10000x1xf32> to vector<10000x1xf32>
    %get3A_4 = arith.constant 1 : index
    %get3A_5 = arith.constant 0 : index
    %get3A_6 = arith.constant 0 : index
    %get3A_7 = vector.load %arg2[%get3A_4, %get3A_5, %get3A_6] : memref<2x10240x128xf32, #tpu.memory_space<vmem>>, vector<1x10000x1xf32>
    %get3A_8 = vector.shape_cast %get3A_7 : vector<1x10000x1xf32> to vector<10000x1xf32>
    %add3A = arith.addf %get3A_3, %get3A_8 : vector<10000x1xf32>
    %add3A_9 = arith.constant 1.000000e+00 : f32
    %add3A_10 = vector.broadcast %add3A_9 : f32 to vector<10000x1xf32>
    %add3A_11 = arith.addf %add3A, %add3A_10 : vector<10000x1xf32>
    %rsqrt3A = math.rsqrt %add3A_11 : vector<10000x1xf32>
    %get3A_12 = arith.constant 0 : index
    %get3A_13 = arith.constant 0 : index
    %get3A_14 = vector.load %arg0[%get3A_12, %get3A_13] : memref<10000x128xf32, #tpu.memory_space<vmem>>, vector<10000x128xf32>
    %get3A_15 = arith.constant 0 : index
    %get3A_16 = arith.constant 0 : index
    %get3A_17 = vector.load %arg1[%get3A_15, %get3A_16] : memref<128x128xf32, #tpu.memory_space<vmem>>, vector<128x128xf32>
    %dot_general3A = arith.constant dense<0.000000e+00> : vector<10000x128xf32>
    %dot_general3A_18 = tpu.matmul %get3A_14, %get3A_17, %dot_general3A {dimension_numbers = #tpu.dot_dimension_numbers<[1], [0], [0], [1], [0, 0, 1, 1], [], []>, transpose_lhs_hint = false} : vector<10000x128xf32>, vector<128x128xf32>, vector<10000x128xf32> -> vector<10000x128xf32>
    %mul3A = vector.broadcast %rsqrt3A : vector<10000x1xf32> to vector<10000x128xf32>
    %mul3A_19 = arith.mulf %dot_general3A_18, %mul3A : vector<10000x128xf32>
    %swap3A = arith.constant 0 : index
    %swap3A_20 = arith.constant 0 : index
    %swap3A_21 = vector.load %arg3[%swap3A, %swap3A_20] : memref<10000x128xf32, #tpu.memory_space<vmem>>, vector<10000x128xf32>
    tpu.vector_store %arg3[%swap3A, %swap3A_20], %mul3A_19 {strides = array<i32>} : memref<10000x128xf32, #tpu.memory_space<vmem>>, vector<10000x128xf32>,
    %swap3A_22 = arith.constant 0 : index
    %swap3A_23 = arith.constant 0 : index
    %swap3A_24 = vector.load %arg4[%swap3A_22, %swap3A_23] : memref<10000x1xf32, #tpu.memory_space<vmem>>, vector<10000x1xf32>
    tpu.vector_store %arg4[%swap3A_22, %swap3A_23], %rsqrt3A {strides = array<i32>} : memref<10000x1xf32, #tpu.memory_space<vmem>>, vector<10000x1xf32>,
    return
  }
}

module attributes {stable_mosaic.version = 14 : i64} {
  func.func @_final_body(%arg0: memref<2x10240x128xf32, #tpu.memory_space<vmem>>, %arg1: memref<10000x128xf32, #tpu.memory_space<vmem>>, %arg2: memref<10000x1xf32, #tpu.memory_space<vmem>>, %arg3: memref<1x128xf32, #tpu.memory_space<vmem>>, %arg4: memref<1x128xf32, #tpu.memory_space<vmem>>, %arg5: memref<1x128xf32, #tpu.memory_space<vmem>>, %arg6: memref<10000x128xf32, #tpu.memory_space<vmem>>) attributes {dimension_semantics = [], scalar_prefetch = 0 : i64, scratch_operands = 0 : i64, tpu.core_type = #tpu.core_type<tc>} {
    %get3A = arith.constant 0 : index
    %get3A_0 = arith.constant 0 : index
    %get3A_1 = arith.constant 0 : index
    %get3A_2 = vector.load %arg0[%get3A, %get3A_0, %get3A_1] : memref<2x10240x128xf32, #tpu.memory_space<vmem>>, vector<1x10000x128xf32>
    %get3A_3 = vector.shape_cast %get3A_2 : vector<1x10000x128xf32> to vector<10000x128xf32>
    %get3A_4 = arith.constant 1 : index
    %get3A_5 = arith.constant 0 : index
    %get3A_6 = arith.constant 0 : index
    %get3A_7 = vector.load %arg0[%get3A_4, %get3A_5, %get3A_6] : memref<2x10240x128xf32, #tpu.memory_space<vmem>>, vector<1x10000x128xf32>
    %get3A_8 = vector.shape_cast %get3A_7 : vector<1x10000x128xf32> to vector<10000x128xf32>
    %add3A = arith.addf %get3A_3, %get3A_8 : vector<10000x128xf32>
    %get3A_9 = arith.constant 0 : index
    %get3A_10 = arith.constant 0 : index
    %get3A_11 = vector.load %arg1[%get3A_9, %get3A_10] : memref<10000x128xf32, #tpu.memory_space<vmem>>, vector<10000x128xf32>
    %add3A_12 = arith.addf %add3A, %get3A_11 : vector<10000x128xf32>
    %get3A_13 = arith.constant 0 : index
    %get3A_14 = arith.constant 0 : index
    %get3A_15 = vector.load %arg2[%get3A_13, %get3A_14] : memref<10000x1xf32, #tpu.memory_space<vmem>>, vector<10000x1xf32>
    %mul3A = vector.broadcast %get3A_15 : vector<10000x1xf32> to vector<10000x128xf32>
    %mul3A_16 = arith.mulf %add3A_12, %mul3A : vector<10000x128xf32>
    %get3A_17 = arith.constant 0 : index
    %get3A_18 = arith.constant 0 : index
    %get3A_19 = vector.load %arg3[%get3A_17, %get3A_18] : memref<1x128xf32, #tpu.memory_space<vmem>>, vector<1x128xf32>
    %add3A_20 = vector.broadcast %get3A_19 : vector<1x128xf32> to vector<10000x128xf32>
    %add3A_21 = arith.addf %mul3A_16, %add3A_20 : vector<10000x128xf32>
    %reduce_sum3A = arith.constant dense<0.000000e+00> : vector<128xf32>
    %reduce_sum3A_22 = vector.multi_reduction <add>, %add3A_21, %reduce_sum3A [0] : vector<10000x128xf32> to vector<128xf32>
    %broadcast_in_dim3A = vector.shape_cast %reduce_sum3A_22 : vector<128xf32> to vector<1x128xf32>
    %div3A = arith.constant 1.000000e+04 : f32
    %div3A_23 = vector.broadcast %div3A : f32 to vector<1x128xf32>
    %div3A_24 = arith.divf %broadcast_in_dim3A, %div3A_23 : vector<1x128xf32>
    %sub3A = vector.broadcast %div3A_24 : vector<1x128xf32> to vector<10000x128xf32>
    %sub3A_25 = arith.subf %add3A_21, %sub3A : vector<10000x128xf32>
    %mul3A_26 = arith.mulf %sub3A_25, %sub3A_25 : vector<10000x128xf32>
    %reduce_sum3A_27 = arith.constant dense<0.000000e+00> : vector<128xf32>
    %reduce_sum3A_28 = vector.multi_reduction <add>, %mul3A_26, %reduce_sum3A_27 [0] : vector<10000x128xf32> to vector<128xf32>
    %broadcast_in_dim3A_29 = vector.shape_cast %reduce_sum3A_28 : vector<128xf32> to vector<1x128xf32>
    %div3A_30 = arith.constant 1.000000e+04 : f32
    %div3A_31 = vector.broadcast %div3A_30 : f32 to vector<1x128xf32>
    %div3A_32 = arith.divf %broadcast_in_dim3A_29, %div3A_31 : vector<1x128xf32>
    %add3A_33 = arith.constant 9.99999974E-6 : f32
    %add3A_34 = vector.broadcast %add3A_33 : f32 to vector<1x128xf32>
    %add3A_35 = arith.addf %div3A_32, %add3A_34 : vector<1x128xf32>
    %rsqrt3A = math.rsqrt %add3A_35 : vector<1x128xf32>
    %mul3A_36 = vector.broadcast %rsqrt3A : vector<1x128xf32> to vector<10000x128xf32>
    %mul3A_37 = arith.mulf %sub3A_25, %mul3A_36 : vector<10000x128xf32>
    %get3A_38 = arith.constant 0 : index
    %get3A_39 = arith.constant 0 : index
    %get3A_40 = vector.load %arg4[%get3A_38, %get3A_39] : memref<1x128xf32, #tpu.memory_space<vmem>>, vector<1x128xf32>
    %mul3A_41 = vector.broadcast %get3A_40 : vector<1x128xf32> to vector<10000x128xf32>
    %mul3A_42 = arith.mulf %mul3A_37, %mul3A_41 : vector<10000x128xf32>
    %get3A_43 = arith.constant 0 : index
    %get3A_44 = arith.constant 0 : index
    %get3A_45 = vector.load %arg5[%get3A_43, %get3A_44] : memref<1x128xf32, #tpu.memory_space<vmem>>, vector<1x128xf32>
    %add3A_46 = vector.broadcast %get3A_45 : vector<1x128xf32> to vector<10000x128xf32>
    %add3A_47 = arith.addf %mul3A_42, %add3A_46 : vector<10000x128xf32>
    %max3A = arith.constant 0.000000e+00 : f32
    %max3A_48 = vector.broadcast %max3A : f32 to vector<10000x128xf32>
    %max3A_49 = arith.maximumf %add3A_47, %max3A_48 : vector<10000x128xf32>
    %swap3A = arith.constant 0 : index
    %swap3A_50 = arith.constant 0 : index
    %swap3A_51 = vector.load %arg6[%swap3A, %swap3A_50] : memref<10000x128xf32, #tpu.memory_space<vmem>>, vector<10000x128xf32>
    tpu.vector_store %arg6[%swap3A, %swap3A_50], %max3A_49 {strides = array<i32>} : memref<10000x128xf32, #tpu.memory_space<vmem>>, vector<10000x128xf32>,
    return
  }
}

</mosaic_0001>

<sc_bundles>
// kernel: kernel.6.cloned.1.call-start
scs
__scs_entry_jumppad:
0x0: {  	(pc) =	sbr.rel $0x88, $3  }
0x1: {  	(tag) =	ssettag $0x0;
	lr =	simm.s32 $0x1  }
0x2: {  	[smem:$0x3F9B] =	sst lr;
	_ =	strace $0xD0000000  }
0x3: {  	_ = 	snop  }
0x4: {  	_ = 	snop  }
0x5: {  	_ = 	snop  }
0x6: {  	_ = 	snop  }
0x7: {  	_ = 	snop  }
__scs_overlays_trampoline_lowered:
0x8: {  	[smem:$0x3FAA] =	sst s0  }
0x9: {  	[smem:$0x3FAB] =	sst s1  }
0xa: {  	[smem:$0x3FAC] =	sst s2  }
0xb: {  	[smem:$0x3FAD] =	sst s3  }
0xc: {  	[smem:$0x3FAE] =	sst s4  }
0xd: {  	[smem:$0x3FAF] =	sst s5  }
0xe: {  	[smem:$0x3FB0] =	sst s6  }
0xf: {  	[smem:$0x3FB1] =	sst s7  }
0x10: {  	[smem:$0x3FB2] =	sst s8  }
0x11: {  	[smem:$0x3FB3] =	sst s9;
	s0 =	simm.s32 @!p0 $0x0  }
0x12: {  	s1 =	sld [smem:$0x3F99];
	s0 =	simm.s32 @p0 $0x1  }
0x13: {  	[smem:$0x3FB4] =	sst s0;
	s0 =	simm.s32 @!p1 $0x0  }
0x14: {  	s2 =	sld [smem:$0x3F98];
	s0 =	simm.s32 @p1 $0x1  }
0x15: {  	[smem:$0x3FB5] =	sst s0;
	s0 =	simm.s32 @!p2 $0x0  }
0x16: {  	s3 =	sld [smem:$0x3FDB];
	s0 =	simm.s32 @p2 $0x1  }
0x17: {  	s4 =	simm.s32 $0x1BF5;
	[smem:$0x3FB7] =	sst s0  }
0x18: {  	s0 =	sld [smem:$0x3F9A];
	_ =	swait.ge [sflag:s4], $0x0  }
0x19: {  	s7 =	sld [smem:$0x3F9B]  }
0x1a: {  	s8 =	sadd.s32 $0xFFFFE003, lr  }
0x1b: {  	s9 =	sadd.s32 $0xFFFFFEF7, lr;
	s5 =	simm.s32 $0xFFFFFFFF;
	p2 =	slt.u32 s8, $0xFFFFF086  }
0x1c: {  	p1 =	slt.u32 s9, $0xF7A;
	s5 =	simm.s32 @!p2 $0x0  }
0x1d: {  	s5 =	simm.s32 @p1 $0x1;
	p0 =	seq.s32 s7, s2  }
0x1e: {  	s7 =	smul.u32 @!p0 $0xF7A, s2;
	p2 =	seq.s32 @!p0 s5, $0x0  }
0x1f: {  	s9 =	smul.u32 $0xF7A, s1;
	s8 =	simm.s32 @!p0 $0x1BF5;
	p2 =	por !p2, p0  }
0x20: {  	[sflag:s8] =	ssyncset.s32 @!p0 $0xFFFFF086;
	s6 =	sadd.s32 @!p0 s3, s7;
	s7 =	simm.s32 @!p0 $0x108  }
0x21: {  	s3 =	sadd.s32 s3, s9;
	s6 =	sadd.s32 @!p0 $0x88, s6;
	s7 =	simm.s32 @p2 $0x1082  }
0x22: {  	[simem:s7], [sflag:s8] =	dma.local @!p0 [hbm:s6], $0xF7A  }
0x23: {  	s9 =	sor.u32 $0xD0000000, s2;
	s6 =	simm.s32 $0x108;
	_ =	swait.ge @!p0 [sflag:s8], $0x0  }
0x24: {  	s3 =	sadd.s32 $0x88, s3;
	s6 =	simm.s32 @!p1 $0x1082;
	[sflag:s4] =	ssyncset.s32 $0xFFFFF086  }
0x25: {  	[simem:s6], [sflag:s4] =	dma.local [hbm:s3], $0xF7A  }
0x26: {  	[smem:$0x3F9B] =	sst s1;
	(tag) =	ssettag s2;
	_ =	strace s9  }
0x27: {  	s1 =	sld [smem:$0x3FAB]  }
0x28: {  	s2 =	sld [smem:$0x3FAC]  }
0x29: {  	s4 =	sld [smem:$0x3FAE]  }
0x2a: {  	p0 =	seq.s32 s5, $0x0;
	s5 =	sld [smem:$0x3FAF]  }
0x2b: {  	s6 =	sld [smem:$0x3FB0]  }
0x2c: {  	s7 =	sld [smem:$0x3FB1]  }
0x2d: {  	s3 =	simm.s32 $0x108;
	s8 =	sld [smem:$0x3FB2]  }
0x2e: {  	s3 =	simm.s32 @!p0 $0x1082;
	s9 =	sld [smem:$0x3FB3]  }
0x2f: {  	lr =	sadd.s32 s0, s3;
	s0 =	sld [smem:$0x3FAA]  }
0x30: {  	s3 =	sld [smem:$0x3FAD]  }
0x31: {  	[smem:$0x3FB6] =	sst s10  }
0x32: {  	s10 =	sld [smem:$0x3FB4];
	_ =	sdelay $0x3  }
0x33: {  	p0 =	seq.s32 s10, $0x1;
	s10 =	sld [smem:$0x3FB6];
	_ =	sdelay $0x3  }
0x34: {  	[smem:$0x3FB6] =	sst s10  }
0x35: {  	s10 =	sld [smem:$0x3FB5];
	_ =	sdelay $0x3  }
0x36: {  	p1 =	seq.s32 s10, $0x1;
	s10 =	sld [smem:$0x3FB6];
	_ =	sdelay $0x3  }
0x37: {  	[smem:$0x3FB6] =	sst s10  }
0x38: {  	s10 =	sld [smem:$0x3FB7]  }
0x39: {  	_ = 	snop;
	(pc) =	sbr.ind lr, $3  }
0x3a: {  	_ = 	snop  }
0x3b: {  	_ = 	snop  }
0x3c: {  	p2 =	seq.s32 s10, $0x1;
	s10 =	sld [smem:$0x3FB6]  }
0x3d: {  	_ =	shalt  }
0x3e: {  	_ =	shalt  }
0x3f: {  	_ =	shalt  }
0x40: {  	_ =	shalt  }
0x41: {  	_ =	shalt  }
0x42: {  	_ =	shalt  }
0x43: {  	_ =	shalt  }
0x44: {  	_ =	shalt  }
0x45: {  	_ =	shalt  }
0x46: {  	_ =	shalt  }
0x47: {  	_ =	shalt  }
0x48: {  	_ =	shalt  }
0x49: {  	_ =	shalt  }
0x4a: {  	_ =	shalt  }
0x4b: {  	_ =	shalt  }
0x4c: {  	_ =	shalt  }
0x4d: {  	_ =	shalt  }
0x4e: {  	_ =	shalt  }
0x4f: {  	_ =	shalt  }
0x50: {  	_ =	shalt  }
0x51: {  	_ =	shalt  }
0x52: {  	_ =	shalt  }
0x53: {  	_ =	shalt  }
0x54: {  	_ =	shalt  }
0x55: {  	_ =	shalt  }
0x56: {  	_ =	shalt  }
0x57: {  	_ =	shalt  }
0x58: {  	_ =	shalt  }
0x59: {  	_ =	shalt  }
0x5a: {  	_ =	shalt  }
0x5b: {  	_ =	shalt  }
0x5c: {  	_ =	shalt  }
0x5d: {  	_ =	shalt  }
0x5e: {  	_ =	shalt  }
0x5f: {  	_ =	shalt  }
0x60: {  	_ =	shalt  }
0x61: {  	_ =	shalt  }
0x62: {  	_ =	shalt  }
0x63: {  	_ =	shalt  }
0x64: {  	_ =	shalt  }
0x65: {  	_ =	shalt  }
0x66: {  	_ =	shalt  }
0x67: {  	_ =	shalt  }
0x68: {  	_ =	shalt  }
0x69: {  	_ =	shalt  }
0x6a: {  	_ =	shalt  }
0x6b: {  	_ =	shalt  }
0x6c: {  	_ =	shalt  }
0x6d: {  	_ =	shalt  }
0x6e: {  	_ =	shalt  }
0x6f: {  	_ =	shalt  }
0x70: {  	_ =	shalt  }
0x71: {  	_ =	shalt  }
0x72: {  	_ =	shalt  }
0x73: {  	_ =	shalt  }
0x74: {  	_ =	shalt  }
0x75: {  	_ =	shalt  }
0x76: {  	_ =	shalt  }
0x77: {  	_ =	shalt  }
0x78: {  	_ =	shalt  }
0x79: {  	_ =	shalt  }
0x7a: {  	_ =	shalt  }
0x7b: {  	_ =	shalt  }
0x7c: {  	_ =	shalt  }
0x7d: {  	_ =	shalt  }
0x7e: {  	_ =	shalt  }
0x7f: {  	_ =	shalt  }
0x80: {  	_ =	shalt  }
0x81: {  	_ =	shalt  }
0x82: {  	_ =	shalt  }
0x83: {  	_ =	shalt  }
0x84: {  	_ =	shalt  }
0x85: {  	_ =	shalt  }
0x86: {  	_ =	shalt  }
0x87: {  	_ =	shalt  }
.Lfunc_end0:
.L_simem_size_0:
called_computation_lowered:
.L_overlay_start_0:
0x88: {  	s2 =	sld [smem:$0x3FD9]  }
0x89: {  	s3 =	sld [smem:$0x3FFE];
	_ =	sdelay $0x1  }
0x8a: {  	s1 =	srdreg.scid  }
0x8b: {  	s0 =	sand.u32 $0x1, s1  }
0x8c: {  	s17 =	sshll.u32 s0, $0xA;
	s2 =	sadd.s32 s3, s2  }
0x8d: {  	s2 =	sadd.s32 s2, s17  }
0x8e: {  	[smem:$0x3FC2] =	sst s2  }
0x8f: {  	_ = 	snop  }
0x90: {  	s2 =	sld [smem:$0x3FD0];
	(tm) =	ssettm $0x1  }
0x91: {  	s18 =	sld [smem:$0x3FFB];
	_ =	sdelay $0x3  }
0x92: {  	_ =	strace s18  }
0x93: {  	s3 =	sld [smem:$0x3FFC];
	_ =	sdelay $0x3  }
0x94: {  	_ =	strace s3  }
0x95: {  	s3 =	sld [smem:$0x3FFD];
	_ =	sdelay $0x3  }
0x96: {  	_ =	strace s3  }
0x97: {  	_ =	strace $0x8FFFFFFF  }
0x98: {  	s19 =	sld [smem:$0x3FDB];
	_ =	sdelay $0x1  }
0x99: {  	s4 =	simm.s32 $_scs_section_size  }
0x9a: {  	s5 =	simm.s32 $_size__tile_overlayer_lowered;
	s6 =	simm.s32 $_tile_overlayer_lowered  }
0x9b: {  	s22 =	simm.s32 $0x1BFF;
	s21 =	sshll.u32 s6, $0x1;
	s3 =	sadd.s32 s4, s19  }
0x9c: {  	s7 =	simm.s32 $0x0;
	s20 =	sshll.u32 s5, $0x1;
	s5 =	sadd.s32 s21, s3  }
0x9d: {  	[timem:s7], [sflag:s22] =	dma.local [hbm:s5], s20  }
0x9e: {  	_ =	swait.ge [sflag:s22], s20  }
0x9f: {  	s4 =	ssub.s32 $0x0, s20;
	[sflag:s22] =	ssyncset.done $0x0  }
0xa0: {  	[sflag:s22] =	ssyncadd.s32 s4;
	_ =	sdelay $0x1  }
0xa1: {  	s23 =	simm.s32 $0x1B8B  }
0xa2: {  	_ =	swait.ge [sflag:s23], $0x1  }
0xa3: {  	[sflag:s23] =	ssyncset.done $0x0  }
0xa4: {  	s25 =	simm.s32 $0x1B8E;
	s24 =	sld [smem:$0x3FFE];
	[sflag:s23] =	ssyncadd.s32 $0xFFFFFFFF  }
0xa5: {  	s26 =	simm.s32 $execute0_lowered;
	[smem:$0x3FD2] =	sst s25  }
0xa6: {  	s5 =	sshll.u32 s26, $0x1;
	_ =	strace $0x80000046;
	[dreg:$0x1] =	wrdreg $0xFFFFFFFF  }
0xa7: {  	s28 =	simm.s32 $_size_execute0_lowered;
	s3 =	sadd.s32 s3, s5;
	[dreg:$0x0] =	wrdreg $0x0  }
0xa8: {  	s5 =	sshll.u32 s28, $0x1;
	[dreg:$0x2] =	wrdreg s3  }
0xa9: {  	[dreg:$0x3] =	wrdreg s5  }
0xaa: {  	[dreg:$0x4] =	wrdreg $0xC0  }
0xab: {  	_ =	task [dreg:s7], $0x5FFFF  }
0xac: {  	[dreg:$0x1] =	wrdreg $0xFFFFFFFF  }
0xad: {  	[dreg:$0x0] =	wrdreg $0x60  }
0xae: {  	[dreg:$0x2] =	wrdreg s2  }
0xaf: {  	[dreg:$0x3] =	wrdreg s24  }
0xb0: {  	[dreg:$0x4] =	wrdreg $0xA0000  }
0xb1: {  	[dreg:$0x5] =	wrdreg $0x9  }
0xb2: {  	_ =	task.clear_ibuf [dreg:s7], $0x6FFFF;
	_ =	strace $0x90000046  }
0xb3: {  	s29 =	simm.s32 $0x9;
	_ =	strace $0x80000048  }
0xb4: {  	_ =	swait.ge [sflag:s29], $0x1  }
0xb5: {  	[sflag:s29] =	ssyncadd.s32 $0xFFFFFFFF  }
0xb6: {  	_ =	strace $0x90000048  }
0xb7: {  	_ =	sfence  }
0xb8: {  	s30 =	sld [smem:$0x0];
	_ =	sdelay $0x2  }
0xb9: {  	s31 =	sshll.u32 s1, $0xD;
	s1 =	sshrl.u32 s1, $0x2  }
0xba: {  	s3 =	sand.u32 $0x4000, s31;
	s1 =	sadd.s32 s1, s30  }
0xbb: {  	s0 =	sor.u32 s3, s0;
	s1 =	sshll.u32 s1, $0x11  }
0xbc: {  	s0 =	sor.u32 s1, s0  }
0xbd: {  	s0 =	sadd.s32 $0x8F2B, s0  }
0xbe: {  	[sflag:s0] =	ssyncadd.remote.s32 $0x1  }
0xbf: {  	_ =	sfence.sel $0xFFFF  }
0xc0: {  	[dreg:$0x0] =	wrdreg $0xFFFFFFFF;
	(pc) =	sbr.abs _section_cstart, $3  }
0xc1: {  	[dreg:$0x1] =	wrdreg $0xFFFFFFFF  }
0xc2: {  	_ =	task.clear_ibuf [dreg:s7], $0x2FFFF;
	_ =	strace $0x9FFFFFFF  }
0xc3: {  	(tm) =	ssettm $0x7FFFFFFF  }
tec
execute0_lowered:
.L_overlay_start_1:
0x0: {  	(tag) =	ssettag $0x1  }
0x1: {  	s4 =	rddreg [dreg:$0x0]  }
0x2: {  	s5 =	rddreg [dreg:$0x1]  }
0x3: {  	s1 =	rddreg [dreg:$0x2]  }
0x4: {  	s0 =	rddreg [dreg:$0x3]  }
0x5: {  	s3 =	simm.s32 $0x0;
	s6 =	srdreg.scid;
	s2 =	stileid.u32  }
0x6: {  	s20 =	simm.s32 $0x1;
	s21 =	simm.s32 $0x3800;
	s9 =	smul.u32 $0x280, s2  }
0x7: {  	[smem:$0x7FF] =	sst s3;
	s7 =	sand.u32 $0x1, s6;
	s8 =	smul.u32 $0xA000, s2  }
0x8: {  	s14 =	sadd.s32 $0x2200, s5;
	s28 =	smul.u32 $0x14000, s2;
	_ =	strace $0x80000047  }
0x9: {  	s22 =	sshll.u32 s7, $0x4;
	s6 =	ssub.s32 $0x2, s7;
	s16 =	smul.u32 $0x140000, s7  }
0xa: {  	s5 =	sor.u32 s2, s22;
	s10 =	sshrl.u32 s6, $0x1;
	s11 =	sadd.s32 $0x80, s9  }
0xb: {  	s23 =	sshrl.u32 s8, $0x2;
	s12 =	sadd.s32 $0x100, s9;
	s13 =	sadd.s32 $0x180, s9  }
0xc: {  	s17 =	sadd.s32 $0x200, s9;
	s22 =	simm.s32 $0x6000;
	s5 =	smul.u32 $0x500, s5  }
0xd: {  	s15 =	ssub.s32 s6, s10;
	s24 =	sshll.u32 s11, $0x4;
	s25 =	sshll.u32 s12, $0x4  }
0xe: {  	s26 =	sshll.u32 s13, $0x4;
	s11 =	sshll.u32 s11, $0x7;
	s29 =	sadd.s32 s28, s16  }
0xf: {  	s31 =	sshll.u32 s17, $0x4;
	s12 =	sshll.u32 s12, $0x7;
	s13 =	sshll.u32 s13, $0x7  }
0x10: {  	s17 =	sshll.u32 s17, $0x7;
	s6 =	sadd.s32 s24, s1;
	s7 =	sadd.s32 s25, s1  }
0x11: {  	s8 =	sadd.s32 s26, s1;
	s30 =	sadd.s32 s16, s11;
	s18 =	sshrl.u32 s29, $0x3  }
0x12: {  	s9 =	sadd.s32 s31, s1;
	s12 =	sadd.s32 s16, s12;
	s13 =	sadd.s32 s16, s13  }
0x13: {  	s16 =	sadd.s32 s16, s17;
	s15 =	smax.u32 s15, $0x1;
	s17 =	simm.s32 $0x3000  }
0x14: {  	s4 =	sadd.s32 s4, s5;
	s5 =	sadd.s32 s23, s1;
	s19 =	sshrl.u32 s30, $0x3  }
0x15: {  	s10 =	sadd.s32 s14, s18;
	s12 =	sshrl.u32 s12, $0x3;
	s13 =	sshrl.u32 s13, $0x3  }
0x16: {  	s16 =	sshrl.u32 s16, $0x3;
	s18 =	simm.s32 $0x80;
	s23 =	simm.s32 $0x0  }
0x17: {  	s11 =	sadd.s32 s14, s19;
	s12 =	sadd.s32 s14, s12;
	s13 =	sadd.s32 s14, s13  }
0x18: {  	v0 =	vimm.f32 $1.000000000e+00;
	v1 =	vimm.f32 $0.0e+00;
	s14 =	sadd.s32 s14, s16;
	s16 =	simm.s32 $0x2;
	s19 =	simm.s32 $0x2800  }
.LBB2_1:
0x19: {  	[tilespmem:s3], [sflag:$0x2] =	stream.linear.gather [hbm4b:s4+s3], $0x2800, $0x38;
	[tilespmem:$0xC800] =	vst v63  }
0x1a: {  	_ =	swait.ge [sflag:s16], $0x2800  }
0x1b: {  	[sflag:s16] =	ssyncset.done $0x0  }
0x1c: {  	s24 =	simm.s32 $0x40;
	s25 =	simm.s32 $0x0;
	[sflag:s16] =	ssyncadd.s32 $0xFFFFD800  }
.LBB2_2:
0x1d: {  	p0 =	sne.s32 s24, $0x1FC0;
	[tilespmem:s25+$0x2800] =	vst v0;
	s26 =	smov.u32 s24;
	s24 =	sadd.s32 $0x40, s24  }
.Ltmp0:
0x1e: {  	[tilespmem:s25+$0x3000] =	vst v1;
	(pc) =	sbr.rel @p0 .LBB2_2-.Ltmp0, $2  }
0x1f: {  	_ =	sdelay $0x2  }
0x20: {  	s25 =	sshra.s32 s26, $0x2  }
0x21: {  	[tilespmem:s25+$0x2800] =	vst v0  }
0x22: {  	[tilespmem:s25+$0x3000] =	vst v1  }
0x23: {  	[spmem:s5] =	stream.linear.scatter [tilespmem:s17], [sflag:$0x2], $0x800, $0x38;
	[tilespmem:$0xC800] =	vst v63  }
0x24: {  	_ =	swait.ge [sflag:s16], $0x800  }
0x25: {  	[sflag:s16] =	ssyncset.done $0x0  }
0x26: {  	[sflag:s16] =	ssyncadd.s32 $0xFFFFF800  }
0x27: {  	[spmem:s6] =	stream.linear.scatter [tilespmem:s17], [sflag:$0x2], $0x800, $0x38;
	[tilespmem:$0xC800] =	vst v63  }
0x28: {  	_ =	swait.ge [sflag:s16], $0x800  }
0x29: {  	[sflag:s16] =	ssyncset.done $0x0  }
0x2a: {  	[sflag:s16] =	ssyncadd.s32 $0xFFFFF800  }
0x2b: {  	[spmem:s7] =	stream.linear.scatter [tilespmem:s17], [sflag:$0x2], $0x800, $0x38;
	[tilespmem:$0xC800] =	vst v63  }
0x2c: {  	_ =	swait.ge [sflag:s16], $0x800  }
0x2d: {  	[sflag:s16] =	ssyncset.done $0x0  }
0x2e: {  	[sflag:s16] =	ssyncadd.s32 $0xFFFFF800  }
0x2f: {  	[spmem:s8] =	stream.linear.scatter [tilespmem:s17], [sflag:$0x2], $0x800, $0x38;
	[tilespmem:$0xC800] =	vst v63  }
0x30: {  	_ =	swait.ge [sflag:s16], $0x800  }
0x31: {  	[sflag:s16] =	ssyncset.done $0x0  }
0x32: {  	[sflag:s16] =	ssyncadd.s32 $0xFFFFF800  }
0x33: {  	[spmem:s9] =	stream.linear.scatter [tilespmem:s17], [sflag:$0x2], $0x800, $0x38;
	[tilespmem:$0xC800] =	vst v63  }
0x34: {  	_ =	swait.ge [sflag:s16], $0x800  }
0x35: {  	[sflag:s16] =	ssyncset.done $0x0  }
0x36: {  	[sflag:s16] =	ssyncadd.s32 $0xFFFFF800  }
0x37: {  	s24 =	simm.s32 $0x0;
	[bflag:$0x0] =	sbarrier.arrive $0xFFFF  }
.LBB2_4:
0x38: {  	p0 =	sne.s32 s24, $0x9E00  }
.Ltmp1:
0x39: {  	_ = 	snop;
	(pc) =	sbr.rel @p0 .LBB2_4-.Ltmp1, $3  }
0x3a: {  	_ =	sdelay $0x1  }
0x3b: {  	s25 =	sshra.s32 s24, $0x2;
	s24 =	sadd.s32 $0x200, s24  }
0x3c: {  	[spmem:s1] =	stream.indirect.scatter.add.f32 [tilespmem:s19], [sflag:$0x1], $0x10, s25, s18, $0xb8;
	[tilespmem:$0xC800] =	vst v63  }
0x3d: {  	_ =	swait.ge [sflag:s20], $0x800  }
0x3e: {  	s24 =	simm.s32 $0x4F;
	[sflag:s20] =	ssyncset.done $0x0  }
.LBB2_6:
0x3f: {  	p0 =	sne.s32 s24, $0x1;
	s24 =	sadd.s32 $0xFFFFFFFF, s24;
	[sflag:s20] =	ssyncadd.s32 $0xFFFFF800  }
.Ltmp2:
0x40: {  	(pc) =	sbr.rel @p0 .LBB2_6-.Ltmp2, $3  }
0x41: {  	_ =	sdelay $0x1  }
0x42: {  	_ =	swait.ge [sflag:s20], $0x800  }
0x43: {  	[sflag:s20] =	ssyncset.done $0x0  }
0x44: {  	[sflag:s20] =	ssyncadd.s32 $0xFFFFF800  }
0x45: {  	[bflag:$0x0] =	sbarrier.arrive $0xFFFF  }
0x46: {  	[tilespmem:s21], [sflag:$0x2] =	stream.linear.gather [spmem:s5], $0x2800, $0x38;
	[tilespmem:$0xC800] =	vst v63  }
0x47: {  	_ =	swait.ge [sflag:s16], $0x2800  }
0x48: {  	[sflag:s16] =	ssyncset.done $0x0  }
0x49: {  	s24 =	simm.s32 $0x0;
	[sflag:s16] =	ssyncadd.s32 $0xFFFFD800  }
0x4a: {  	v2 =	vld [tilespmem:s24+$0x3800];
	_ =	sdelay $0x3  }
0x4b: {  	s24 =	simm.s32 $0x6040  }
0x4c: {  	[tilespmem:s24+$0xFFFFFFC0] =	vst v2  }
0x4d: {  	[tilespmem:s24+$0xFFFFFFD0] =	vst v2  }
0x4e: {  	[tilespmem:s24+$0xFFFFFFE0] =	vst v2  }
0x4f: {  	[tilespmem:s24+$0xFFFFFFF0] =	vst v2  }
0x50: {  	[tilespmem:s24+$0x0] =	vst v2  }
0x51: {  	[tilespmem:s24+$0x10] =	vst v2  }
0x52: {  	[tilespmem:s24+$0x20] =	vst v2  }
0x53: {  	s26 =	simm.s32 $0x10;
	s25 =	simm.s32 $0x80;
	[tilespmem:s24+$0x30] =	vst v2  }
.LBB2_8:
0x54: {  	p0 =	sne.s32 s25, $0x1FC0;
	v2 =	vld [tilespmem:s26+$0x3800];
	_ =	sdelay $0x3  }
0x55: {  	s24 =	sadd.s32 $0x80, s24  }
0x56: {  	[tilespmem:s24+$0xFFFFFFC0] =	vst v2  }
0x57: {  	[tilespmem:s24+$0xFFFFFFD0] =	vst v2  }
0x58: {  	[tilespmem:s24+$0xFFFFFFE0] =	vst v2  }
.Ltmp3:
0x59: {  	[tilespmem:s24+$0xFFFFFFF0] =	vst v2;
	(pc) =	sbr.rel @p0 .LBB2_8-.Ltmp3, $4  }
0x5a: {  	[tilespmem:s24+$0x0] =	vst v2  }
0x5b: {  	[tilespmem:s24+$0x10] =	vst v2  }
0x5c: {  	[tilespmem:s24+$0x20] =	vst v2  }
0x5d: {  	s26 =	sshra.s32 s25, $0x2;
	s25 =	sadd.s32 $0x40, s25;
	[tilespmem:s24+$0x30] =	vst v2  }
0x5e: {  	v2 =	vld [tilespmem:s26+$0x3800];
	_ =	sdelay $0x3  }
0x5f: {  	s24 =	sadd.s32 $0x80, s24  }
0x60: {  	[tilespmem:s24+$0xFFFFFFC0] =	vst v2  }
0x61: {  	[tilespmem:s24+$0xFFFFFFD0] =	vst v2  }
0x62: {  	[tilespmem:s24+$0xFFFFFFE0] =	vst v2  }
0x63: {  	[tilespmem:s24+$0xFFFFFFF0] =	vst v2  }
0x64: {  	[tilespmem:s24+$0x0] =	vst v2  }
0x65: {  	[tilespmem:s24+$0x10] =	vst v2  }
0x66: {  	[tilespmem:s24+$0x20] =	vst v2  }
0x67: {  	s30 =	simm.s32 $0x0;
	[tilespmem:s24+$0x30] =	vst v2  }
0x68: {  	[hbm4b:s10+s30] =	stream.linear.scatter [tilespmem:s22], [sflag:$0x2], $0x4000, $0x38;
	[tilespmem:$0xC800] =	vst v63  }
0x69: {  	_ =	swait.ge [sflag:s16], $0x4000  }
0x6a: {  	[sflag:s16] =	ssyncset.done $0x0  }
0x6b: {  	s31 =	simm.s32 $0x0;
	[sflag:s16] =	ssyncadd.s32 $0xFFFFC000  }
0x6c: {  	v2 =	vld [tilespmem:s31+$0x4000];
	_ =	sdelay $0x3  }
0x6d: {  	s24 =	simm.s32 $0x6040  }
0x6e: {  	[tilespmem:s24+$0xFFFFFFC0] =	vst v2  }
0x6f: {  	[tilespmem:s24+$0xFFFFFFD0] =	vst v2  }
0x70: {  	[tilespmem:s24+$0xFFFFFFE0] =	vst v2  }
0x71: {  	[tilespmem:s24+$0xFFFFFFF0] =	vst v2  }
0x72: {  	[tilespmem:s24+$0x0] =	vst v2  }
0x73: {  	[tilespmem:s24+$0x10] =	vst v2  }
0x74: {  	[tilespmem:s24+$0x20] =	vst v2  }
0x75: {  	s26 =	simm.s32 $0x10;
	s25 =	simm.s32 $0x80;
	[tilespmem:s24+$0x30] =	vst v2  }
.LBB2_10:
0x76: {  	p0 =	sne.s32 s25, $0x1FC0;
	v2 =	vld [tilespmem:s26+$0x4000];
	_ =	sdelay $0x3  }
0x77: {  	s24 =	sadd.s32 $0x80, s24  }
0x78: {  	[tilespmem:s24+$0xFFFFFFC0] =	vst v2  }
0x79: {  	[tilespmem:s24+$0xFFFFFFD0] =	vst v2  }
0x7a: {  	[tilespmem:s24+$0xFFFFFFE0] =	vst v2  }
.Ltmp4:
0x7b: {  	[tilespmem:s24+$0xFFFFFFF0] =	vst v2;
	(pc) =	sbr.rel @p0 .LBB2_10-.Ltmp4, $4  }
0x7c: {  	[tilespmem:s24+$0x0] =	vst v2  }
0x7d: {  	[tilespmem:s24+$0x10] =	vst v2  }
0x7e: {  	[tilespmem:s24+$0x20] =	vst v2  }
0x7f: {  	s26 =	sshra.s32 s25, $0x2;
	s25 =	sadd.s32 $0x40, s25;
	[tilespmem:s24+$0x30] =	vst v2  }
0x80: {  	v2 =	vld [tilespmem:s26+$0x4000];
	_ =	sdelay $0x3  }
0x81: {  	s24 =	sadd.s32 $0x80, s24  }
0x82: {  	[tilespmem:s24+$0xFFFFFFC0] =	vst v2  }
0x83: {  	[tilespmem:s24+$0xFFFFFFD0] =	vst v2  }
0x84: {  	[tilespmem:s24+$0xFFFFFFE0] =	vst v2  }
0x85: {  	[tilespmem:s24+$0xFFFFFFF0] =	vst v2  }
0x86: {  	[tilespmem:s24+$0x0] =	vst v2  }
0x87: {  	[tilespmem:s24+$0x10] =	vst v2  }
0x88: {  	[tilespmem:s24+$0x20] =	vst v2  }
0x89: {  	s30 =	simm.s32 $0x0;
	[tilespmem:s24+$0x30] =	vst v2  }
0x8a: {  	[hbm4b:s11+s30] =	stream.linear.scatter [tilespmem:s22], [sflag:$0x2], $0x4000, $0x38;
	[tilespmem:$0xC800] =	vst v63  }
0x8b: {  	_ =	swait.ge [sflag:s16], $0x4000  }
0x8c: {  	[sflag:s16] =	ssyncset.done $0x0  }
0x8d: {  	s31 =	simm.s32 $0x0;
	[sflag:s16] =	ssyncadd.s32 $0xFFFFC000  }
0x8e: {  	v2 =	vld [tilespmem:s31+$0x4800];
	_ =	sdelay $0x3  }
0x8f: {  	s24 =	simm.s32 $0x6040  }
0x90: {  	[tilespmem:s24+$0xFFFFFFC0] =	vst v2  }
0x91: {  	[tilespmem:s24+$0xFFFFFFD0] =	vst v2  }
0x92: {  	[tilespmem:s24+$0xFFFFFFE0] =	vst v2  }
0x93: {  	[tilespmem:s24+$0xFFFFFFF0] =	vst v2  }
0x94: {  	[tilespmem:s24+$0x0] =	vst v2  }
0x95: {  	[tilespmem:s24+$0x10] =	vst v2  }
0x96: {  	[tilespmem:s24+$0x20] =	vst v2  }
0x97: {  	s26 =	simm.s32 $0x10;
	s25 =	simm.s32 $0x80;
	[tilespmem:s24+$0x30] =	vst v2  }
.LBB2_12:
0x98: {  	p0 =	sne.s32 s25, $0x1FC0;
	v2 =	vld [tilespmem:s26+$0x4800];
	_ =	sdelay $0x3  }
0x99: {  	s24 =	sadd.s32 $0x80, s24  }
0x9a: {  	[tilespmem:s24+$0xFFFFFFC0] =	vst v2  }
0x9b: {  	[tilespmem:s24+$0xFFFFFFD0] =	vst v2  }
0x9c: {  	[tilespmem:s24+$0xFFFFFFE0] =	vst v2  }
.Ltmp5:
0x9d: {  	[tilespmem:s24+$0xFFFFFFF0] =	vst v2;
	(pc) =	sbr.rel @p0 .LBB2_12-.Ltmp5, $4  }
0x9e: {  	[tilespmem:s24+$0x0] =	vst v2  }
0x9f: {  	[tilespmem:s24+$0x10] =	vst v2  }
0xa0: {  	[tilespmem:s24+$0x20] =	vst v2  }
0xa1: {  	s26 =	sshra.s32 s25, $0x2;
	s25 =	sadd.s32 $0x40, s25;
	[tilespmem:s24+$0x30] =	vst v2  }
0xa2: {  	v2 =	vld [tilespmem:s26+$0x4800];
	_ =	sdelay $0x3  }
0xa3: {  	s24 =	sadd.s32 $0x80, s24  }
0xa4: {  	[tilespmem:s24+$0xFFFFFFC0] =	vst v2  }
0xa5: {  	[tilespmem:s24+$0xFFFFFFD0] =	vst v2  }
0xa6: {  	[tilespmem:s24+$0xFFFFFFE0] =	vst v2  }
0xa7: {  	[tilespmem:s24+$0xFFFFFFF0] =	vst v2  }
0xa8: {  	[tilespmem:s24+$0x0] =	vst v2  }
0xa9: {  	[tilespmem:s24+$0x10] =	vst v2  }
0xaa: {  	[tilespmem:s24+$0x20] =	vst v2  }
0xab: {  	s30 =	simm.s32 $0x0;
	[tilespmem:s24+$0x30] =	vst v2  }
0xac: {  	[hbm4b:s12+s30] =	stream.linear.scatter [tilespmem:s22], [sflag:$0x2], $0x4000, $0x38;
	[tilespmem:$0xC800] =	vst v63  }
0xad: {  	_ =	swait.ge [sflag:s16], $0x4000  }
0xae: {  	[sflag:s16] =	ssyncset.done $0x0  }
0xaf: {  	s31 =	simm.s32 $0x0;
	[sflag:s16] =	ssyncadd.s32 $0xFFFFC000  }
0xb0: {  	v2 =	vld [tilespmem:s31+$0x5000];
	_ =	sdelay $0x3  }
0xb1: {  	s24 =	simm.s32 $0x6040  }
0xb2: {  	[tilespmem:s24+$0xFFFFFFC0] =	vst v2  }
0xb3: {  	[tilespmem:s24+$0xFFFFFFD0] =	vst v2  }
0xb4: {  	[tilespmem:s24+$0xFFFFFFE0] =	vst v2  }
0xb5: {  	[tilespmem:s24+$0xFFFFFFF0] =	vst v2  }
0xb6: {  	[tilespmem:s24+$0x0] =	vst v2  }
0xb7: {  	[tilespmem:s24+$0x10] =	vst v2  }
0xb8: {  	[tilespmem:s24+$0x20] =	vst v2  }
0xb9: {  	s26 =	simm.s32 $0x10;
	s25 =	simm.s32 $0x80;
	[tilespmem:s24+$0x30] =	vst v2  }
.LBB2_14:
0xba: {  	p0 =	sne.s32 s25, $0x1FC0;
	v2 =	vld [tilespmem:s26+$0x5000];
	_ =	sdelay $0x3  }
0xbb: {  	s24 =	sadd.s32 $0x80, s24  }
0xbc: {  	[tilespmem:s24+$0xFFFFFFC0] =	vst v2  }
0xbd: {  	[tilespmem:s24+$0xFFFFFFD0] =	vst v2  }
0xbe: {  	[tilespmem:s24+$0xFFFFFFE0] =	vst v2  }
.Ltmp6:
0xbf: {  	[tilespmem:s24+$0xFFFFFFF0] =	vst v2;
	(pc) =	sbr.rel @p0 .LBB2_14-.Ltmp6, $4  }
0xc0: {  	[tilespmem:s24+$0x0] =	vst v2  }
0xc1: {  	[tilespmem:s24+$0x10] =	vst v2  }
0xc2: {  	[tilespmem:s24+$0x20] =	vst v2  }
0xc3: {  	s26 =	sshra.s32 s25, $0x2;
	s25 =	sadd.s32 $0x40, s25;
	[tilespmem:s24+$0x30] =	vst v2  }
0xc4: {  	v2 =	vld [tilespmem:s26+$0x5000];
	_ =	sdelay $0x3  }
0xc5: {  	s24 =	sadd.s32 $0x80, s24  }
0xc6: {  	[tilespmem:s24+$0xFFFFFFC0] =	vst v2  }
0xc7: {  	[tilespmem:s24+$0xFFFFFFD0] =	vst v2  }
0xc8: {  	[tilespmem:s24+$0xFFFFFFE0] =	vst v2  }
0xc9: {  	[tilespmem:s24+$0xFFFFFFF0] =	vst v2  }
0xca: {  	[tilespmem:s24+$0x0] =	vst v2  }
0xcb: {  	[tilespmem:s24+$0x10] =	vst v2  }
0xcc: {  	[tilespmem:s24+$0x20] =	vst v2  }
0xcd: {  	s30 =	simm.s32 $0x0;
	[tilespmem:s24+$0x30] =	vst v2  }
0xce: {  	[hbm4b:s13+s30] =	stream.linear.scatter [tilespmem:s22], [sflag:$0x2], $0x4000, $0x38;
	[tilespmem:$0xC800] =	vst v63  }
0xcf: {  	_ =	swait.ge [sflag:s16], $0x4000  }
0xd0: {  	[sflag:s16] =	ssyncset.done $0x0  }
0xd1: {  	s31 =	simm.s32 $0x0;
	[sflag:s16] =	ssyncadd.s32 $0xFFFFC000  }
0xd2: {  	v2 =	vld [tilespmem:s31+$0x5800];
	_ =	sdelay $0x3  }
0xd3: {  	s24 =	simm.s32 $0x6040  }
0xd4: {  	[tilespmem:s24+$0xFFFFFFC0] =	vst v2  }
0xd5: {  	[tilespmem:s24+$0xFFFFFFD0] =	vst v2  }
0xd6: {  	[tilespmem:s24+$0xFFFFFFE0] =	vst v2  }
0xd7: {  	[tilespmem:s24+$0xFFFFFFF0] =	vst v2  }
0xd8: {  	[tilespmem:s24+$0x0] =	vst v2  }
0xd9: {  	[tilespmem:s24+$0x10] =	vst v2  }
0xda: {  	[tilespmem:s24+$0x20] =	vst v2  }
0xdb: {  	s26 =	simm.s32 $0x10;
	s25 =	simm.s32 $0x80;
	[tilespmem:s24+$0x30] =	vst v2  }
.LBB2_16:
0xdc: {  	p0 =	sne.s32 s25, $0x1FC0;
	v2 =	vld [tilespmem:s26+$0x5800];
	_ =	sdelay $0x3  }
0xdd: {  	s24 =	sadd.s32 $0x80, s24  }
0xde: {  	[tilespmem:s24+$0xFFFFFFC0] =	vst v2  }
0xdf: {  	[tilespmem:s24+$0xFFFFFFD0] =	vst v2  }
0xe0: {  	[tilespmem:s24+$0xFFFFFFE0] =	vst v2  }
.Ltmp7:
0xe1: {  	[tilespmem:s24+$0xFFFFFFF0] =	vst v2;
	(pc) =	sbr.rel @p0 .LBB2_16-.Ltmp7, $4  }
0xe2: {  	[tilespmem:s24+$0x0] =	vst v2  }
0xe3: {  	[tilespmem:s24+$0x10] =	vst v2  }
0xe4: {  	[tilespmem:s24+$0x20] =	vst v2  }
0xe5: {  	s26 =	sshra.s32 s25, $0x2;
	s25 =	sadd.s32 $0x40, s25;
	[tilespmem:s24+$0x30] =	vst v2  }
0xe6: {  	v2 =	vld [tilespmem:s26+$0x5800];
	_ =	sdelay $0x3  }
0xe7: {  	s24 =	sadd.s32 $0x80, s24  }
0xe8: {  	[tilespmem:s24+$0xFFFFFFC0] =	vst v2  }
0xe9: {  	[tilespmem:s24+$0xFFFFFFD0] =	vst v2  }
0xea: {  	[tilespmem:s24+$0xFFFFFFE0] =	vst v2  }
0xeb: {  	[tilespmem:s24+$0xFFFFFFF0] =	vst v2  }
0xec: {  	[tilespmem:s24+$0x0] =	vst v2  }
0xed: {  	s23 =	sadd.s32 $0x1, s23;
	[tilespmem:s24+$0x10] =	vst v2  }
0xee: {  	p0 =	sne.s32 s23, s15;
	[tilespmem:s24+$0x20] =	vst v2  }
.Ltmp8:
0xef: {  	[tilespmem:s24+$0x30] =	vst v2;
	(pc) =	sbr.rel @p0 .LBB2_1-.Ltmp8, $4  }
0xf0: {  	[hbm4b:s14+s3] =	stream.linear.scatter [tilespmem:s22], [sflag:$0x2], $0x4000, $0x38;
	[tilespmem:$0xC800] =	vst v63  }
0xf1: {  	_ =	swait.ge [sflag:s16], $0x4000  }
0xf2: {  	[sflag:s16] =	ssyncset.done $0x0  }
0xf3: {  	[sflag:s16] =	ssyncadd.s32 $0xFFFFC000  }
0xf4: {  	_ =	sfence.sel $0x180000  }
0xf5: {  	[bflag:$0x0] =	sbarrier.arrive $0xFFFF  }
0xf6: {  	p0 =	sne.s32 s2, $0x0;
	_ =	strace $0x90000047  }
0xf7: {  	s0 =	sadd.s32 @!p0 $0x100000, s0;
	[bflag:$0x2] =	sbarrier.arrive $0xFFFF  }
0xf8: {  	[sflag:s0] =	ssyncadd.tile.s32 @!p0 $0x1;
	_ =	shalt  }
.Lfunc_end2:
_tile_overlayer_lowered:
.L_overlay_start_2:
0xf9: {  	(tag) =	ssettag $0x2  }
0xfa: {  	s0 =	rddreg [dreg:$0x0];
	s2 =	stileid.u32  }
0xfb: {  	s1 =	rddreg [dreg:$0x1];
	p0 =	sne.s32 s2, $0x0  }
0xfc: {  	s3 =	rddreg [dreg:$0x2];
	[bflag:$0x3] =	sbarrier.arrive $0xFFFF;
	s2 =	simm.s32 @!p0 $0x1C02  }
0xfd: {  	[timem:s3], [sflag:s2] =	dma.local @!p0 [hbm:s0], s1  }
0xfe: {  	s0 =	simm.s32 @!p0 $0x2  }
0xff: {  	_ =	swait.ge @!p0 [sflag:s0], s1  }
0x100: {  	s1 =	ssub.s32 @!p0 $0x0, s1;
	[sflag:s0] =	ssyncset.done @!p0 $0x0  }
0x101: {  	[sflag:s0] =	ssyncadd.s32 @!p0 s1  }
0x102: {  	[bflag:$0x3] =	sbarrier.arrive $0xFFFF  }
0x103: {  	_ =	shalt  }

// kernel: kernel.9.cloned.1.call-start
scs
__scs_entry_jumppad:
0x0: {  	(pc) =	sbr.rel $0x88, $3  }
0x1: {  	(tag) =	ssettag $0x0;
	lr =	simm.s32 $0x1  }
0x2: {  	[smem:$0x3F9B] =	sst lr;
	_ =	strace $0xD0000000  }
0x3: {  	_ = 	snop  }
0x4: {  	_ = 	snop  }
0x5: {  	_ = 	snop  }
0x6: {  	_ = 	snop  }
0x7: {  	_ = 	snop  }
__scs_overlays_trampoline_lowered:
0x8: {  	[smem:$0x3FAA] =	sst s0  }
0x9: {  	[smem:$0x3FAB] =	sst s1  }
0xa: {  	[smem:$0x3FAC] =	sst s2  }
0xb: {  	[smem:$0x3FAD] =	sst s3  }
0xc: {  	[smem:$0x3FAE] =	sst s4  }
0xd: {  	[smem:$0x3FAF] =	sst s5  }
0xe: {  	[smem:$0x3FB0] =	sst s6  }
0xf: {  	[smem:$0x3FB1] =	sst s7  }
0x10: {  	[smem:$0x3FB2] =	sst s8  }
0x11: {  	[smem:$0x3FB3] =	sst s9;
	s0 =	simm.s32 @!p0 $0x0  }
0x12: {  	s1 =	sld [smem:$0x3F99];
	s0 =	simm.s32 @p0 $0x1  }
0x13: {  	[smem:$0x3FB4] =	sst s0;
	s0 =	simm.s32 @!p1 $0x0  }
0x14: {  	s2 =	sld [smem:$0x3F98];
	s0 =	simm.s32 @p1 $0x1  }
0x15: {  	[smem:$0x3FB5] =	sst s0;
	s0 =	simm.s32 @!p2 $0x0  }
0x16: {  	s3 =	sld [smem:$0x3FDB];
	s0 =	simm.s32 @p2 $0x1  }
0x17: {  	s4 =	simm.s32 $0x1BF5;
	[smem:$0x3FB7] =	sst s0  }
0x18: {  	s0 =	sld [smem:$0x3F9A];
	_ =	swait.ge [sflag:s4], $0x0  }
0x19: {  	s7 =	sld [smem:$0x3F9B]  }
0x1a: {  	s8 =	sadd.s32 $0xFFFFE003, lr  }
0x1b: {  	s9 =	sadd.s32 $0xFFFFFEF7, lr;
	s5 =	simm.s32 $0xFFFFFFFF;
	p2 =	slt.u32 s8, $0xFFFFF086  }
0x1c: {  	p1 =	slt.u32 s9, $0xF7A;
	s5 =	simm.s32 @!p2 $0x0  }
0x1d: {  	s5 =	simm.s32 @p1 $0x1;
	p0 =	seq.s32 s7, s2  }
0x1e: {  	s7 =	smul.u32 @!p0 $0xF7A, s2;
	p2 =	seq.s32 @!p0 s5, $0x0  }
0x1f: {  	s9 =	smul.u32 $0xF7A, s1;
	s8 =	simm.s32 @!p0 $0x1BF5;
	p2 =	por !p2, p0  }
0x20: {  	[sflag:s8] =	ssyncset.s32 @!p0 $0xFFFFF086;
	s6 =	sadd.s32 @!p0 s3, s7;
	s7 =	simm.s32 @!p0 $0x108  }
0x21: {  	s3 =	sadd.s32 s3, s9;
	s6 =	sadd.s32 @!p0 $0x88, s6;
	s7 =	simm.s32 @p2 $0x1082  }
0x22: {  	[simem:s7], [sflag:s8] =	dma.local @!p0 [hbm:s6], $0xF7A  }
0x23: {  	s9 =	sor.u32 $0xD0000000, s2;
	s6 =	simm.s32 $0x108;
	_ =	swait.ge @!p0 [sflag:s8], $0x0  }
0x24: {  	s3 =	sadd.s32 $0x88, s3;
	s6 =	simm.s32 @!p1 $0x1082;
	[sflag:s4] =	ssyncset.s32 $0xFFFFF086  }
0x25: {  	[simem:s6], [sflag:s4] =	dma.local [hbm:s3], $0xF7A  }
0x26: {  	[smem:$0x3F9B] =	sst s1;
	(tag) =	ssettag s2;
	_ =	strace s9  }
0x27: {  	s1 =	sld [smem:$0x3FAB]  }
0x28: {  	s2 =	sld [smem:$0x3FAC]  }
0x29: {  	s4 =	sld [smem:$0x3FAE]  }
0x2a: {  	p0 =	seq.s32 s5, $0x0;
	s5 =	sld [smem:$0x3FAF]  }
0x2b: {  	s6 =	sld [smem:$0x3FB0]  }
0x2c: {  	s7 =	sld [smem:$0x3FB1]  }
0x2d: {  	s3 =	simm.s32 $0x108;
	s8 =	sld [smem:$0x3FB2]  }
0x2e: {  	s3 =	simm.s32 @!p0 $0x1082;
	s9 =	sld [smem:$0x3FB3]  }
0x2f: {  	lr =	sadd.s32 s0, s3;
	s0 =	sld [smem:$0x3FAA]  }
0x30: {  	s3 =	sld [smem:$0x3FAD]  }
0x31: {  	[smem:$0x3FB6] =	sst s10  }
0x32: {  	s10 =	sld [smem:$0x3FB4];
	_ =	sdelay $0x3  }
0x33: {  	p0 =	seq.s32 s10, $0x1;
	s10 =	sld [smem:$0x3FB6];
	_ =	sdelay $0x3  }
0x34: {  	[smem:$0x3FB6] =	sst s10  }
0x35: {  	s10 =	sld [smem:$0x3FB5];
	_ =	sdelay $0x3  }
0x36: {  	p1 =	seq.s32 s10, $0x1;
	s10 =	sld [smem:$0x3FB6];
	_ =	sdelay $0x3  }
0x37: {  	[smem:$0x3FB6] =	sst s10  }
0x38: {  	s10 =	sld [smem:$0x3FB7]  }
0x39: {  	_ = 	snop;
	(pc) =	sbr.ind lr, $3  }
0x3a: {  	_ = 	snop  }
0x3b: {  	_ = 	snop  }
0x3c: {  	p2 =	seq.s32 s10, $0x1;
	s10 =	sld [smem:$0x3FB6]  }
0x3d: {  	_ =	shalt  }
0x3e: {  	_ =	shalt  }
0x3f: {  	_ =	shalt  }
0x40: {  	_ =	shalt  }
0x41: {  	_ =	shalt  }
0x42: {  	_ =	shalt  }
0x43: {  	_ =	shalt  }
0x44: {  	_ =	shalt  }
0x45: {  	_ =	shalt  }
0x46: {  	_ =	shalt  }
0x47: {  	_ =	shalt  }
0x48: {  	_ =	shalt  }
0x49: {  	_ =	shalt  }
0x4a: {  	_ =	shalt  }
0x4b: {  	_ =	shalt  }
0x4c: {  	_ =	shalt  }
0x4d: {  	_ =	shalt  }
0x4e: {  	_ =	shalt  }
0x4f: {  	_ =	shalt  }
0x50: {  	_ =	shalt  }
0x51: {  	_ =	shalt  }
0x52: {  	_ =	shalt  }
0x53: {  	_ =	shalt  }
0x54: {  	_ =	shalt  }
0x55: {  	_ =	shalt  }
0x56: {  	_ =	shalt  }
0x57: {  	_ =	shalt  }
0x58: {  	_ =	shalt  }
0x59: {  	_ =	shalt  }
0x5a: {  	_ =	shalt  }
0x5b: {  	_ =	shalt  }
0x5c: {  	_ =	shalt  }
0x5d: {  	_ =	shalt  }
0x5e: {  	_ =	shalt  }
0x5f: {  	_ =	shalt  }
0x60: {  	_ =	shalt  }
0x61: {  	_ =	shalt  }
0x62: {  	_ =	shalt  }
0x63: {  	_ =	shalt  }
0x64: {  	_ =	shalt  }
0x65: {  	_ =	shalt  }
0x66: {  	_ =	shalt  }
0x67: {  	_ =	shalt  }
0x68: {  	_ =	shalt  }
0x69: {  	_ =	shalt  }
0x6a: {  	_ =	shalt  }
0x6b: {  	_ =	shalt  }
0x6c: {  	_ =	shalt  }
0x6d: {  	_ =	shalt  }
0x6e: {  	_ =	shalt  }
0x6f: {  	_ =	shalt  }
0x70: {  	_ =	shalt  }
0x71: {  	_ =	shalt  }
0x72: {  	_ =	shalt  }
0x73: {  	_ =	shalt  }
0x74: {  	_ =	shalt  }
0x75: {  	_ =	shalt  }
0x76: {  	_ =	shalt  }
0x77: {  	_ =	shalt  }
0x78: {  	_ =	shalt  }
0x79: {  	_ =	shalt  }
0x7a: {  	_ =	shalt  }
0x7b: {  	_ =	shalt  }
0x7c: {  	_ =	shalt  }
0x7d: {  	_ =	shalt  }
0x7e: {  	_ =	shalt  }
0x7f: {  	_ =	shalt  }
0x80: {  	_ =	shalt  }
0x81: {  	_ =	shalt  }
0x82: {  	_ =	shalt  }
0x83: {  	_ =	shalt  }
0x84: {  	_ =	shalt  }
0x85: {  	_ =	shalt  }
0x86: {  	_ =	shalt  }
0x87: {  	_ =	shalt  }
.Lfunc_end0:
.L_simem_size_0:
called_computation.1_lowered:
.L_overlay_start_0:
0x88: {  	s2 =	sld [smem:$0x3FD9]  }
0x89: {  	s3 =	sld [smem:$0x3FFE];
	_ =	sdelay $0x1  }
0x8a: {  	s1 =	srdreg.scid  }
0x8b: {  	s0 =	sand.u32 $0x1, s1  }
0x8c: {  	s17 =	sshll.u32 s0, $0xA;
	s2 =	sadd.s32 s3, s2  }
0x8d: {  	s2 =	sadd.s32 s2, s17  }
0x8e: {  	[smem:$0x3FC2] =	sst s2  }
0x8f: {  	_ = 	snop  }
0x90: {  	s2 =	sld [smem:$0x3FD0];
	(tm) =	ssettm $0x1  }
0x91: {  	s18 =	sld [smem:$0x3FFB];
	_ =	sdelay $0x3  }
0x92: {  	_ =	strace s18  }
0x93: {  	s3 =	sld [smem:$0x3FFC];
	_ =	sdelay $0x3  }
0x94: {  	_ =	strace s3  }
0x95: {  	s3 =	sld [smem:$0x3FFD];
	_ =	sdelay $0x3  }
0x96: {  	_ =	strace s3  }
0x97: {  	_ =	strace $0x8FFFFFFF  }
0x98: {  	s19 =	sld [smem:$0x3FDB];
	_ =	sdelay $0x1  }
0x99: {  	s4 =	simm.s32 $_scs_section_size  }
0x9a: {  	s5 =	simm.s32 $_size__tile_overlayer_lowered;
	s6 =	simm.s32 $_tile_overlayer_lowered  }
0x9b: {  	s22 =	simm.s32 $0x1BFF;
	s21 =	sshll.u32 s6, $0x1;
	s3 =	sadd.s32 s4, s19  }
0x9c: {  	s7 =	simm.s32 $0x0;
	s20 =	sshll.u32 s5, $0x1;
	s5 =	sadd.s32 s21, s3  }
0x9d: {  	[timem:s7], [sflag:s22] =	dma.local [hbm:s5], s20  }
0x9e: {  	_ =	swait.ge [sflag:s22], s20  }
0x9f: {  	s4 =	ssub.s32 $0x0, s20;
	[sflag:s22] =	ssyncset.done $0x0  }
0xa0: {  	[sflag:s22] =	ssyncadd.s32 s4;
	_ =	sdelay $0x1  }
0xa1: {  	s23 =	simm.s32 $0x1B8B  }
0xa2: {  	_ =	swait.ge [sflag:s23], $0x1  }
0xa3: {  	[sflag:s23] =	ssyncset.done $0x0  }
0xa4: {  	s25 =	simm.s32 $0x1B8E;
	s24 =	sld [smem:$0x3FFE];
	[sflag:s23] =	ssyncadd.s32 $0xFFFFFFFF  }
0xa5: {  	s26 =	simm.s32 $execute0_lowered;
	[smem:$0x3FD2] =	sst s25  }
0xa6: {  	s5 =	sshll.u32 s26, $0x1;
	_ =	strace $0x80000049;
	[dreg:$0x1] =	wrdreg $0xFFFFFFFF  }
0xa7: {  	s28 =	simm.s32 $_size_execute0_lowered;
	s3 =	sadd.s32 s3, s5;
	[dreg:$0x0] =	wrdreg $0x0  }
0xa8: {  	s5 =	sshll.u32 s28, $0x1;
	[dreg:$0x2] =	wrdreg s3  }
0xa9: {  	[dreg:$0x3] =	wrdreg s5  }
0xaa: {  	[dreg:$0x4] =	wrdreg $0xC0  }
0xab: {  	_ =	task [dreg:s7], $0x5FFFF  }
0xac: {  	[dreg:$0x1] =	wrdreg $0xFFFFFFFF  }
0xad: {  	[dreg:$0x0] =	wrdreg $0x60  }
0xae: {  	[dreg:$0x2] =	wrdreg s2  }
0xaf: {  	[dreg:$0x3] =	wrdreg s24  }
0xb0: {  	[dreg:$0x4] =	wrdreg $0xAA000  }
0xb1: {  	[dreg:$0x5] =	wrdreg $0x9  }
0xb2: {  	_ =	task.clear_ibuf [dreg:s7], $0x6FFFF;
	_ =	strace $0x90000049  }
0xb3: {  	s29 =	simm.s32 $0x9;
	_ =	strace $0x8000004B  }
0xb4: {  	_ =	swait.ge [sflag:s29], $0x1  }
0xb5: {  	[sflag:s29] =	ssyncadd.s32 $0xFFFFFFFF  }
0xb6: {  	_ =	strace $0x9000004B  }
0xb7: {  	_ =	sfence  }
0xb8: {  	s30 =	sld [smem:$0x0];
	_ =	sdelay $0x2  }
0xb9: {  	s31 =	sshll.u32 s1, $0xD;
	s1 =	sshrl.u32 s1, $0x2  }
0xba: {  	s3 =	sand.u32 $0x4000, s31;
	s1 =	sadd.s32 s1, s30  }
0xbb: {  	s0 =	sor.u32 s3, s0;
	s1 =	sshll.u32 s1, $0x11  }
0xbc: {  	s0 =	sor.u32 s1, s0  }
0xbd: {  	s0 =	sadd.s32 $0x8F2B, s0  }
0xbe: {  	[sflag:s0] =	ssyncadd.remote.s32 $0x1  }
0xbf: {  	_ =	sfence.sel $0xFFFF  }
0xc0: {  	[dreg:$0x0] =	wrdreg $0xFFFFFFFF;
	(pc) =	sbr.abs _section_cstart, $3  }
0xc1: {  	[dreg:$0x1] =	wrdreg $0xFFFFFFFF  }
0xc2: {  	_ =	task.clear_ibuf [dreg:s7], $0x2FFFF;
	_ =	strace $0x9FFFFFFF  }
0xc3: {  	(tm) =	ssettm $0x7FFFFFFF  }
tec
execute0_lowered:
.L_overlay_start_1:
0x0: {  	(tag) =	ssettag $0x1  }
0x1: {  	s1 =	rddreg [dreg:$0x0]  }
0x2: {  	s0 =	srdreg.scid;
	s2 =	rddreg [dreg:$0x1]  }
0x3: {  	s9 =	stileid.u32;
	s3 =	rddreg [dreg:$0x2]  }
0x4: {  	s19 =	simm.s32 $0x2A00;
	s20 =	simm.s32 $0x80;
	s21 =	simm.s32 $0x2800  }
0x5: {  	s22 =	simm.s32 $0x2880;
	s23 =	simm.s32 $0x6A00;
	s24 =	simm.s32 $0x1  }
0x6: {  	s25 =	simm.s32 $0x2900;
	s28 =	simm.s32 $0x2980;
	s29 =	simm.s32 $0x3  }
0x7: {  	s30 =	simm.s32 $0x4;
	s31 =	simm.s32 $0x0;
	s0 =	sand.u32 $0x1, s0  }
0x8: {  	s11 =	smul.u32 $0x14000, s9;
	s4 =	sshll.u32 s0, $0x4;
	s7 =	ssub.s32 $0x2, s0  }
0x9: {  	s0 =	smul.u32 $0x140000, s0;
	s5 =	sor.u32 s9, s4;
	s4 =	simm.s32 $0x0  }
0xa: {  	s8 =	sshrl.u32 s7, $0x1;
	s12 =	sadd.s32 $0x4000, s11;
	s14 =	sadd.s32 $0x8000, s11  }
0xb: {  	s15 =	sadd.s32 $0xC000, s11;
	s16 =	sadd.s32 $0x10000, s11;
	s5 =	smul.u32 $0x500, s5  }
0xc: {  	[smem:$0x7FF] =	sst s4;
	s17 =	ssub.s32 s7, s8;
	s7 =	sadd.s32 s11, s3  }
0xd: {  	s8 =	sadd.s32 s12, s3;
	s9 =	sadd.s32 s14, s3;
	s10 =	sadd.s32 s15, s3  }
0xe: {  	s13 =	sadd.s32 s11, s0;
	s18 =	sadd.s32 s0, s12;
	s11 =	sadd.s32 s16, s3  }
0xf: {  	s14 =	sadd.s32 s0, s14;
	s15 =	sadd.s32 s0, s15;
	s0 =	sadd.s32 s0, s16  }
0x10: {  	_ =	strace $0x8000004A;
	s13 =	sshrl.u32 s13, $0x3;
	s26 =	sshrl.u32 s18, $0x3  }
0x11: {  	s14 =	sshrl.u32 s14, $0x3;
	s15 =	sshrl.u32 s15, $0x3;
	s0 =	sshrl.u32 s0, $0x3  }
0x12: {  	s17 =	smax.u32 s17, $0x1;
	s18 =	simm.s32 $0x5;
	s6 =	sadd.s32 s5, s2  }
0x13: {  	s5 =	sadd.s32 $0x2200, s2;
	s2 =	sadd.s32 $0x5C200, s2;
	s6 =	sadd.s32 $0x52200, s6  }
0x14: {  	s12 =	sadd.s32 s2, s13;
	s13 =	sadd.s32 s2, s26;
	s14 =	sadd.s32 s2, s14  }
0x15: {  	s15 =	sadd.s32 s2, s15;
	s16 =	sadd.s32 s2, s0;
	s26 =	simm.s32 $0x2  }
.LBB2_1:
0x16: {  	[tilespmem:s4], [sflag:$0x5] =	stream.linear.gather [hbm4b:s6+s4], $0x2800, $0x38;
	[tilespmem:$0x1EA00] =	vst v63  }
0x17: {  	_ =	swait.ge [sflag:s18], $0x2800  }
0x18: {  	[sflag:s18] =	ssyncset.done $0x0  }
0x19: {  	[sflag:s18] =	ssyncadd.s32 $0xFFFFD800  }
0x1a: {  	[tilespmem:s19], [sflag:$0x5] =	stream.linear.gather [hbm4b:s5+s4], $0x4000, $0x38;
	[tilespmem:$0x1EA00] =	vst v63  }
0x1b: {  	_ =	swait.ge [sflag:s18], $0x4000  }
0x1c: {  	[sflag:s18] =	ssyncset.done $0x0  }
0x1d: {  	[sflag:s18] =	ssyncadd.s32 $0xFFFFC000  }
0x1e: {  	[spmem:s7] =	stream.linear.scatter [tilespmem:s19], [sflag:$0x5], $0x4000, $0x38;
	[tilespmem:$0x1EA00] =	vst v63  }
0x1f: {  	_ =	swait.ge [sflag:s18], $0x4000  }
0x20: {  	[sflag:s18] =	ssyncset.done $0x0  }
0x21: {  	[sflag:s18] =	ssyncadd.s32 $0xFFFFC000  }
0x22: {  	[spmem:s8] =	stream.linear.scatter [tilespmem:s19], [sflag:$0x5], $0x4000, $0x38;
	[tilespmem:$0x1EA00] =	vst v63  }
0x23: {  	_ =	swait.ge [sflag:s18], $0x4000  }
0x24: {  	[sflag:s18] =	ssyncset.done $0x0  }
0x25: {  	[sflag:s18] =	ssyncadd.s32 $0xFFFFC000  }
0x26: {  	[spmem:s9] =	stream.linear.scatter [tilespmem:s19], [sflag:$0x5], $0x4000, $0x38;
	[tilespmem:$0x1EA00] =	vst v63  }
0x27: {  	_ =	swait.ge [sflag:s18], $0x4000  }
0x28: {  	[sflag:s18] =	ssyncset.done $0x0  }
0x29: {  	[sflag:s18] =	ssyncadd.s32 $0xFFFFC000  }
0x2a: {  	[spmem:s10] =	stream.linear.scatter [tilespmem:s19], [sflag:$0x5], $0x4000, $0x38;
	[tilespmem:$0x1EA00] =	vst v63  }
0x2b: {  	_ =	swait.ge [sflag:s18], $0x4000  }
0x2c: {  	[sflag:s18] =	ssyncset.done $0x0  }
0x2d: {  	[sflag:s18] =	ssyncadd.s32 $0xFFFFC000  }
0x2e: {  	[spmem:s11] =	stream.linear.scatter [tilespmem:s19], [sflag:$0x5], $0x4000, $0x38;
	[tilespmem:$0x1EA00] =	vst v63  }
0x2f: {  	_ =	swait.ge [sflag:s18], $0x4000  }
0x30: {  	[sflag:s18] =	ssyncset.done $0x0  }
0x31: {  	[sflag:s18] =	ssyncadd.s32 $0xFFFFC000  }
0x32: {  	[bflag:$0x0] =	sbarrier.arrive $0xFFFF  }
0x33: {  	v0 =	vld [tilespmem:$0x0];
	_ =	sdelay $0x1  }
0x34: {  	v1 =	vld [tilespmem:$0x10];
	_ =	sdelay $0x1  }
0x35: {  	v2 =	vld [tilespmem:$0x20]  }
0x36: {  	v3 =	vand.u32 $0xFFFF, v0  }
0x37: {  	v0 =	vshrl.u32 v0, $0x10;
	[tilespmem:$0x2800] =	vst v3;
	v3 =	vld [tilespmem:$0x30]  }
0x38: {  	[tilespmem:$0x2900] =	vst v0;
	v0 =	vand.u32 $0xFFFF, v1  }
0x39: {  	[tilespmem:$0x2810] =	vst v0;
	v0 =	vshrl.u32 v1, $0x10;
	v1 =	vld [tilespmem:$0x40]  }
0x3a: {  	[tilespmem:$0x2910] =	vst v0;
	v0 =	vand.u32 $0xFFFF, v2  }
0x3b: {  	[tilespmem:$0x2820] =	vst v0;
	v0 =	vshrl.u32 v2, $0x10;
	v2 =	vld [tilespmem:$0x50]  }
0x3c: {  	[tilespmem:$0x2920] =	vst v0;
	v0 =	vand.u32 $0xFFFF, v3  }
0x3d: {  	[tilespmem:$0x2830] =	vst v0;
	v0 =	vshrl.u32 v3, $0x10;
	v3 =	vld [tilespmem:$0x60]  }
0x3e: {  	[tilespmem:$0x2930] =	vst v0;
	v0 =	vand.u32 $0xFFFF, v1  }
0x3f: {  	[tilespmem:$0x2840] =	vst v0;
	v0 =	vshrl.u32 v1, $0x10;
	v1 =	vld [tilespmem:$0x70]  }
0x40: {  	[tilespmem:$0x2940] =	vst v0;
	v0 =	vand.u32 $0xFFFF, v2  }
0x41: {  	[tilespmem:$0x2850] =	vst v0;
	v0 =	vshrl.u32 v2, $0x10  }
0x42: {  	[tilespmem:$0x2950] =	vst v0;
	v0 =	vand.u32 $0xFFFF, v3  }
0x43: {  	[tilespmem:$0x2860] =	vst v0;
	v0 =	vshrl.u32 v3, $0x10  }
0x44: {  	[tilespmem:$0x2960] =	vst v0;
	v0 =	vand.u32 $0xFFFF, v1  }
0x45: {  	[tilespmem:$0x2870] =	vst v0;
	v0 =	vshrl.u32 v1, $0x10  }
0x46: {  	[tilespmem:$0x2970] =	vst v0  }
0x47: {  	[tilespmem:s19], [sflag:$0x1] =	stream.indirect.gather [hbm4b:s1+s20], $0x80, s21, s20, $0xb8;
	[tilespmem:$0x1EA00] =	vst v63  }
0x48: {  	v0 =	vld [tilespmem:$0x80];
	_ =	sdelay $0x1  }
0x49: {  	v1 =	vld [tilespmem:$0x90];
	_ =	sdelay $0x1  }
0x4a: {  	v2 =	vld [tilespmem:$0xA0]  }
0x4b: {  	v3 =	vand.u32 $0xFFFF, v0  }
0x4c: {  	v0 =	vshrl.u32 v0, $0x10;
	[tilespmem:$0x2880] =	vst v3;
	v3 =	vld [tilespmem:$0xB0]  }
0x4d: {  	[tilespmem:$0x2980] =	vst v0;
	v0 =	vand.u32 $0xFFFF, v1  }
0x4e: {  	[tilespmem:$0x2890] =	vst v0;
	v0 =	vshrl.u32 v1, $0x10;
	v1 =	vld [tilespmem:$0xC0]  }
0x4f: {  	[tilespmem:$0x2990] =	vst v0;
	v0 =	vand.u32 $0xFFFF, v2  }
0x50: {  	[tilespmem:$0x28A0] =	vst v0;
	v0 =	vshrl.u32 v2, $0x10;
	v2 =	vld [tilespmem:$0xD0]  }
0x51: {  	[tilespmem:$0x29A0] =	vst v0;
	v0 =	vand.u32 $0xFFFF, v3  }
0x52: {  	[tilespmem:$0x28B0] =	vst v0;
	v0 =	vshrl.u32 v3, $0x10;
	v3 =	vld [tilespmem:$0xE0]  }
0x53: {  	[tilespmem:$0x29B0] =	vst v0;
	v0 =	vand.u32 $0xFFFF, v1  }
0x54: {  	[tilespmem:$0x28C0] =	vst v0;
	v0 =	vshrl.u32 v1, $0x10;
	v1 =	vld [tilespmem:$0xF0]  }
0x55: {  	[tilespmem:$0x29C0] =	vst v0;
	v0 =	vand.u32 $0xFFFF, v2  }
0x56: {  	[tilespmem:$0x28D0] =	vst v0;
	v0 =	vshrl.u32 v2, $0x10  }
0x57: {  	[tilespmem:$0x29D0] =	vst v0;
	v0 =	vand.u32 $0xFFFF, v3  }
0x58: {  	[tilespmem:$0x28E0] =	vst v0;
	v0 =	vshrl.u32 v3, $0x10  }
0x59: {  	[tilespmem:$0x29E0] =	vst v0;
	v0 =	vand.u32 $0xFFFF, v1  }
0x5a: {  	[tilespmem:$0x28F0] =	vst v0;
	v0 =	vshrl.u32 v1, $0x10  }
0x5b: {  	[tilespmem:$0x29F0] =	vst v0  }
0x5c: {  	[tilespmem:s23], [sflag:$0x2] =	stream.indirect.gather [hbm4b:s1+s20], $0x80, s22, s20, $0xb8;
	[tilespmem:$0x1EA00] =	vst v63  }
0x5d: {  	_ =	swait.ge [sflag:s24], $0x4000  }
0x5e: {  	[sflag:s24] =	ssyncset.done $0x0  }
0x5f: {  	[sflag:s24] =	ssyncadd.s32 $0xFFFFC000  }
0x60: {  	[spmem:s3] =	stream.indirect.scatter.add.f32 [tilespmem:s19], [sflag:$0x3], $0x80, s25, s20, $0xb8;
	[tilespmem:$0x1EA00] =	vst v63  }
0x61: {  	_ =	swait.ge [sflag:s26], $0x4000  }
0x62: {  	[sflag:s26] =	ssyncset.done $0x0  }
0x63: {  	[sflag:s26] =	ssyncadd.s32 $0xFFFFC000  }
0x64: {  	[spmem:s3] =	stream.indirect.scatter.add.f32 [tilespmem:s23], [sflag:$0x4], $0x80, s28, s20, $0xb8;
	[tilespmem:$0x1EA00] =	vst v63  }
0x65: {  	_ =	swait.ge [sflag:s29], $0x4000  }
0x66: {  	[sflag:s29] =	ssyncset.done $0x0  }
0x67: {  	s0 =	simm.s32 $0x1F0;
	[sflag:s29] =	ssyncadd.s32 $0xFFFFC000  }
0x68: {  	v0 =	vld [tilespmem:s0+$0xFFFFFF10];
	_ =	sdelay $0x4  }
0x69: {  	v1 =	vand.u32 $0xFFFF, v0  }
0x6a: {  	v0 =	vshrl.u32 v0, $0x10;
	[tilespmem:$0x2800] =	vst v1  }
0x6b: {  	[tilespmem:$0x2900] =	vst v0  }
0x6c: {  	v0 =	vld [tilespmem:s0+$0xFFFFFF20];
	_ =	sdelay $0x4  }
0x6d: {  	v1 =	vand.u32 $0xFFFF, v0  }
0x6e: {  	v0 =	vshrl.u32 v0, $0x10;
	[tilespmem:$0x2810] =	vst v1  }
0x6f: {  	[tilespmem:$0x2910] =	vst v0  }
0x70: {  	v0 =	vld [tilespmem:s0+$0xFFFFFF30];
	_ =	sdelay $0x4  }
0x71: {  	v1 =	vand.u32 $0xFFFF, v0  }
0x72: {  	v0 =	vshrl.u32 v0, $0x10;
	[tilespmem:$0x2820] =	vst v1  }
0x73: {  	[tilespmem:$0x2920] =	vst v0  }
0x74: {  	v0 =	vld [tilespmem:s0+$0xFFFFFF40];
	_ =	sdelay $0x4  }
0x75: {  	v1 =	vand.u32 $0xFFFF, v0  }
0x76: {  	v0 =	vshrl.u32 v0, $0x10;
	[tilespmem:$0x2830] =	vst v1  }
0x77: {  	[tilespmem:$0x2930] =	vst v0  }
0x78: {  	v0 =	vld [tilespmem:s0+$0xFFFFFF50];
	_ =	sdelay $0x4  }
0x79: {  	v1 =	vand.u32 $0xFFFF, v0  }
0x7a: {  	v0 =	vshrl.u32 v0, $0x10;
	[tilespmem:$0x2840] =	vst v1  }
0x7b: {  	[tilespmem:$0x2940] =	vst v0  }
0x7c: {  	v0 =	vld [tilespmem:s0+$0xFFFFFF60];
	_ =	sdelay $0x4  }
0x7d: {  	v1 =	vand.u32 $0xFFFF, v0  }
0x7e: {  	v0 =	vshrl.u32 v0, $0x10;
	[tilespmem:$0x2850] =	vst v1  }
0x7f: {  	[tilespmem:$0x2950] =	vst v0  }
0x80: {  	v0 =	vld [tilespmem:s0+$0xFFFFFF70];
	_ =	sdelay $0x4  }
0x81: {  	v1 =	vand.u32 $0xFFFF, v0  }
0x82: {  	v0 =	vshrl.u32 v0, $0x10;
	[tilespmem:$0x2860] =	vst v1  }
0x83: {  	[tilespmem:$0x2960] =	vst v0  }
0x84: {  	v0 =	vld [tilespmem:s0+$0xFFFFFF80];
	_ =	sdelay $0x4  }
0x85: {  	v1 =	vand.u32 $0xFFFF, v0  }
0x86: {  	v0 =	vshrl.u32 v0, $0x10;
	[tilespmem:$0x2870] =	vst v1  }
0x87: {  	[tilespmem:$0x2970] =	vst v0  }
0x88: {  	[tilespmem:s19], [sflag:$0x1] =	stream.indirect.gather [hbm4b:s1+s20], $0x80, s21, s20, $0xb8;
	[tilespmem:$0x1EA00] =	vst v63  }
0x89: {  	_ =	swait.ge [sflag:s30], $0x4000  }
0x8a: {  	[sflag:s30] =	ssyncset.done $0x0  }
0x8b: {  	[sflag:s30] =	ssyncadd.s32 $0xFFFFC000  }
0x8c: {  	v0 =	vld [tilespmem:s0+$0xFFFFFF90];
	_ =	sdelay $0x4  }
0x8d: {  	v1 =	vand.u32 $0xFFFF, v0  }
0x8e: {  	v0 =	vshrl.u32 v0, $0x10;
	[tilespmem:$0x2880] =	vst v1  }
0x8f: {  	[tilespmem:$0x2980] =	vst v0  }
0x90: {  	v0 =	vld [tilespmem:s0+$0xFFFFFFA0];
	_ =	sdelay $0x4  }
0x91: {  	v1 =	vand.u32 $0xFFFF, v0  }
0x92: {  	v0 =	vshrl.u32 v0, $0x10;
	[tilespmem:$0x2890] =	vst v1  }
0x93: {  	[tilespmem:$0x2990] =	vst v0  }
0x94: {  	v0 =	vld [tilespmem:s0+$0xFFFFFFB0];
	_ =	sdelay $0x4  }
0x95: {  	v1 =	vand.u32 $0xFFFF, v0  }
0x96: {  	v0 =	vshrl.u32 v0, $0x10;
	[tilespmem:$0x28A0] =	vst v1  }
0x97: {  	[tilespmem:$0x29A0] =	vst v0  }
0x98: {  	v0 =	vld [tilespmem:s0+$0xFFFFFFC0];
	_ =	sdelay $0x4  }
0x99: {  	v1 =	vand.u32 $0xFFFF, v0  }
0x9a: {  	v0 =	vshrl.u32 v0, $0x10;
	[tilespmem:$0x28B0] =	vst v1  }
0x9b: {  	[tilespmem:$0x29B0] =	vst v0  }
0x9c: {  	v0 =	vld [tilespmem:s0+$0xFFFFFFD0];
	_ =	sdelay $0x4  }
0x9d: {  	v1 =	vand.u32 $0xFFFF, v0  }
0x9e: {  	v0 =	vshrl.u32 v0, $0x10;
	[tilespmem:$0x28C0] =	vst v1  }
0x9f: {  	[tilespmem:$0x29C0] =	vst v0  }
0xa0: {  	v0 =	vld [tilespmem:s0+$0xFFFFFFE0];
	_ =	sdelay $0x4  }
0xa1: {  	v1 =	vand.u32 $0xFFFF, v0  }
0xa2: {  	v0 =	vshrl.u32 v0, $0x10;
	[tilespmem:$0x28D0] =	vst v1  }
0xa3: {  	[tilespmem:$0x29D0] =	vst v0  }
0xa4: {  	v0 =	vld [tilespmem:s0+$0xFFFFFFF0];
	_ =	sdelay $0x4  }
0xa5: {  	v1 =	vand.u32 $0xFFFF, v0  }
0xa6: {  	v0 =	vshrl.u32 v0, $0x10;
	[tilespmem:$0x28E0] =	vst v1  }
0xa7: {  	[tilespmem:$0x29E0] =	vst v0  }
0xa8: {  	s2 =	simm.s32 $0xBC0;
	v0 =	vld [tilespmem:s0+$0x0]  }
.LBB2_2:
0xa9: {  	_ =	sdelay $0x1  }
0xaa: {  	p0 =	sne.s32 s2, $0x9FC0;
	s0 =	smov.u32 s2;
	s2 =	sadd.s32 $0x400, s2  }
0xab: {  	_ = 	snop  }
0xac: {  	v1 =	vand.u32 $0xFFFF, v0;
	v0 =	vshrl.u32 v0, $0x10  }
0xad: {  	[tilespmem:$0x28F0] =	vst v1  }
0xae: {  	[tilespmem:$0x29F0] =	vst v0  }
0xaf: {  	[tilespmem:s23], [sflag:$0x2] =	stream.indirect.gather [hbm4b:s1+s20], $0x80, s22, s20, $0xb8;
	[tilespmem:$0x1EA00] =	vst v63  }
0xb0: {  	_ =	swait.ge [sflag:s24], $0x4000  }
0xb1: {  	[sflag:s24] =	ssyncset.done $0x0  }
0xb2: {  	[sflag:s24] =	ssyncadd.s32 $0xFFFFC000  }
0xb3: {  	[spmem:s3] =	stream.indirect.scatter.add.f32 [tilespmem:s19], [sflag:$0x3], $0x80, s25, s20, $0xb8;
	[tilespmem:$0x1EA00] =	vst v63  }
0xb4: {  	_ =	swait.ge [sflag:s26], $0x4000  }
0xb5: {  	[sflag:s26] =	ssyncset.done $0x0  }
0xb6: {  	[sflag:s26] =	ssyncadd.s32 $0xFFFFC000  }
0xb7: {  	[spmem:s3] =	stream.indirect.scatter.add.f32 [tilespmem:s23], [sflag:$0x4], $0x80, s28, s20, $0xb8;
	[tilespmem:$0x1EA00] =	vst v63  }
0xb8: {  	_ =	swait.ge [sflag:s29], $0x4000  }
0xb9: {  	[sflag:s29] =	ssyncset.done $0x0  }
0xba: {  	s0 =	sshra.s32 s0, $0x2;
	[sflag:s29] =	ssyncadd.s32 $0xFFFFC000  }
0xbb: {  	v0 =	vld [tilespmem:s0+$0xFFFFFF10];
	_ =	sdelay $0x4  }
0xbc: {  	v1 =	vand.u32 $0xFFFF, v0;
	v0 =	vshrl.u32 v0, $0x10  }
0xbd: {  	[tilespmem:$0x2800] =	vst v1  }
0xbe: {  	[tilespmem:$0x2900] =	vst v0  }
0xbf: {  	v0 =	vld [tilespmem:s0+$0xFFFFFF20];
	_ =	sdelay $0x4  }
0xc0: {  	v1 =	vand.u32 $0xFFFF, v0;
	v0 =	vshrl.u32 v0, $0x10  }
0xc1: {  	[tilespmem:$0x2810] =	vst v1  }
0xc2: {  	[tilespmem:$0x2910] =	vst v0  }
0xc3: {  	v0 =	vld [tilespmem:s0+$0xFFFFFF30];
	_ =	sdelay $0x4  }
0xc4: {  	v1 =	vand.u32 $0xFFFF, v0;
	v0 =	vshrl.u32 v0, $0x10  }
0xc5: {  	[tilespmem:$0x2820] =	vst v1  }
0xc6: {  	[tilespmem:$0x2920] =	vst v0  }
0xc7: {  	v0 =	vld [tilespmem:s0+$0xFFFFFF40];
	_ =	sdelay $0x4  }
0xc8: {  	v1 =	vand.u32 $0xFFFF, v0;
	v0 =	vshrl.u32 v0, $0x10  }
0xc9: {  	[tilespmem:$0x2830] =	vst v1  }
0xca: {  	[tilespmem:$0x2930] =	vst v0  }
0xcb: {  	v0 =	vld [tilespmem:s0+$0xFFFFFF50];
	_ =	sdelay $0x4  }
0xcc: {  	v1 =	vand.u32 $0xFFFF, v0;
	v0 =	vshrl.u32 v0, $0x10  }
0xcd: {  	[tilespmem:$0x2840] =	vst v1  }
0xce: {  	[tilespmem:$0x2940] =	vst v0  }
0xcf: {  	v0 =	vld [tilespmem:s0+$0xFFFFFF60];
	_ =	sdelay $0x4  }
0xd0: {  	v1 =	vand.u32 $0xFFFF, v0;
	v0 =	vshrl.u32 v0, $0x10  }
0xd1: {  	[tilespmem:$0x2850] =	vst v1  }
0xd2: {  	[tilespmem:$0x2950] =	vst v0  }
0xd3: {  	v0 =	vld [tilespmem:s0+$0xFFFFFF70];
	_ =	sdelay $0x4  }
0xd4: {  	v1 =	vand.u32 $0xFFFF, v0;
	v0 =	vshrl.u32 v0, $0x10  }
0xd5: {  	[tilespmem:$0x2860] =	vst v1  }
0xd6: {  	[tilespmem:$0x2960] =	vst v0  }
0xd7: {  	v0 =	vld [tilespmem:s0+$0xFFFFFF80];
	_ =	sdelay $0x4  }
0xd8: {  	v1 =	vand.u32 $0xFFFF, v0;
	v0 =	vshrl.u32 v0, $0x10  }
0xd9: {  	[tilespmem:$0x2870] =	vst v1  }
0xda: {  	[tilespmem:$0x2970] =	vst v0  }
0xdb: {  	[tilespmem:s19], [sflag:$0x1] =	stream.indirect.gather [hbm4b:s1+s20], $0x80, s21, s20, $0xb8;
	[tilespmem:$0x1EA00] =	vst v63  }
0xdc: {  	_ =	swait.ge [sflag:s30], $0x4000  }
0xdd: {  	[sflag:s30] =	ssyncset.done $0x0  }
0xde: {  	[sflag:s30] =	ssyncadd.s32 $0xFFFFC000  }
0xdf: {  	v0 =	vld [tilespmem:s0+$0xFFFFFF90];
	_ =	sdelay $0x4  }
0xe0: {  	v1 =	vand.u32 $0xFFFF, v0;
	v0 =	vshrl.u32 v0, $0x10  }
0xe1: {  	[tilespmem:$0x2880] =	vst v1  }
0xe2: {  	[tilespmem:$0x2980] =	vst v0  }
0xe3: {  	v0 =	vld [tilespmem:s0+$0xFFFFFFA0];
	_ =	sdelay $0x4  }
0xe4: {  	v1 =	vand.u32 $0xFFFF, v0;
	v0 =	vshrl.u32 v0, $0x10  }
0xe5: {  	[tilespmem:$0x2890] =	vst v1  }
0xe6: {  	[tilespmem:$0x2990] =	vst v0  }
0xe7: {  	v0 =	vld [tilespmem:s0+$0xFFFFFFB0];
	_ =	sdelay $0x4  }
0xe8: {  	v1 =	vand.u32 $0xFFFF, v0;
	v0 =	vshrl.u32 v0, $0x10  }
0xe9: {  	[tilespmem:$0x28A0] =	vst v1  }
0xea: {  	[tilespmem:$0x29A0] =	vst v0  }
0xeb: {  	v0 =	vld [tilespmem:s0+$0xFFFFFFC0];
	_ =	sdelay $0x4  }
0xec: {  	v1 =	vand.u32 $0xFFFF, v0;
	v0 =	vshrl.u32 v0, $0x10  }
0xed: {  	[tilespmem:$0x28B0] =	vst v1  }
0xee: {  	[tilespmem:$0x29B0] =	vst v0  }
0xef: {  	v0 =	vld [tilespmem:s0+$0xFFFFFFD0];
	_ =	sdelay $0x4  }
0xf0: {  	v1 =	vand.u32 $0xFFFF, v0;
	v0 =	vshrl.u32 v0, $0x10  }
0xf1: {  	[tilespmem:$0x28C0] =	vst v1  }
0xf2: {  	[tilespmem:$0x29C0] =	vst v0  }
0xf3: {  	v0 =	vld [tilespmem:s0+$0xFFFFFFE0];
	_ =	sdelay $0x4  }
0xf4: {  	v1 =	vand.u32 $0xFFFF, v0;
	v0 =	vshrl.u32 v0, $0x10  }
0xf5: {  	[tilespmem:$0x28D0] =	vst v1  }
0xf6: {  	[tilespmem:$0x29D0] =	vst v0  }
0xf7: {  	v0 =	vld [tilespmem:s0+$0xFFFFFFF0];
	_ =	sdelay $0x3  }
.Ltmp0:
0xf8: {  	(pc) =	sbr.rel @p0 .LBB2_2-.Ltmp0, $4  }
0xf9: {  	v1 =	vand.u32 $0xFFFF, v0;
	v0 =	vshrl.u32 v0, $0x10  }
0xfa: {  	[tilespmem:$0x28E0] =	vst v1  }
0xfb: {  	[tilespmem:$0x29E0] =	vst v0  }
0xfc: {  	v0 =	vld [tilespmem:s0+$0x0]  }
0xfd: {  	_ =	sdelay $0x3  }
0xfe: {  	v1 =	vand.u32 $0xFFFF, v0  }
0xff: {  	v63 =	vshrl.u32 v0, $0x10;
	[tilespmem:$0x28F0] =	vst v1  }
0x100: {  	[tilespmem:$0x29F0] =	vst v63  }
0x101: {  	[tilespmem:s23], [sflag:$0x2] =	stream.indirect.gather [hbm4b:s1+s20], $0x80, s22, s20, $0xb8;
	[tilespmem:$0x1EA00] =	vst v63  }
0x102: {  	_ =	swait.ge [sflag:s24], $0x4000  }
0x103: {  	[sflag:s24] =	ssyncset.done $0x0  }
0x104: {  	[sflag:s24] =	ssyncadd.s32 $0xFFFFC000  }
0x105: {  	[spmem:s3] =	stream.indirect.scatter.add.f32 [tilespmem:s19], [sflag:$0x3], $0x80, s25, s20, $0xb8;
	[tilespmem:$0x1EA00] =	vst v63  }
0x106: {  	_ =	swait.ge [sflag:s26], $0x4000  }
0x107: {  	[sflag:s26] =	ssyncset.done $0x0  }
0x108: {  	[sflag:s26] =	ssyncadd.s32 $0xFFFFC000  }
0x109: {  	[spmem:s3] =	stream.indirect.scatter.add.f32 [tilespmem:s23], [sflag:$0x4], $0x80, s28, s20, $0xb8;
	[tilespmem:$0x1EA00] =	vst v63  }
0x10a: {  	_ =	swait.ge [sflag:s29], $0x4000  }
0x10b: {  	[sflag:s29] =	ssyncset.done $0x0  }
0x10c: {  	[sflag:s29] =	ssyncadd.s32 $0xFFFFC000  }
0x10d: {  	_ =	swait.ge [sflag:s30], $0x4000  }
0x10e: {  	[sflag:s30] =	ssyncset.done $0x0  }
0x10f: {  	[sflag:s30] =	ssyncadd.s32 $0xFFFFC000  }
0x110: {  	[bflag:$0x0] =	sbarrier.arrive $0xFFFF  }
0x111: {  	[tilespmem:s19], [sflag:$0x5] =	stream.linear.gather [spmem:s7], $0x4000, $0x38;
	[tilespmem:$0x1EA00] =	vst v63  }
0x112: {  	_ =	swait.ge [sflag:s18], $0x4000  }
0x113: {  	[sflag:s18] =	ssyncset.done $0x0  }
0x114: {  	[sflag:s18] =	ssyncadd.s32 $0xFFFFC000  }
0x115: {  	[hbm4b:s12+s4] =	stream.linear.scatter [tilespmem:s19], [sflag:$0x5], $0x4000, $0x38;
	[tilespmem:$0x1EA00] =	vst v63  }
0x116: {  	_ =	swait.ge [sflag:s18], $0x4000  }
0x117: {  	[sflag:s18] =	ssyncset.done $0x0  }
0x118: {  	[sflag:s18] =	ssyncadd.s32 $0xFFFFC000  }
0x119: {  	[tilespmem:s19], [sflag:$0x5] =	stream.linear.gather [spmem:s8], $0x4000, $0x38;
	[tilespmem:$0x1EA00] =	vst v63  }
0x11a: {  	_ =	swait.ge [sflag:s18], $0x4000  }
0x11b: {  	[sflag:s18] =	ssyncset.done $0x0  }
0x11c: {  	[sflag:s18] =	ssyncadd.s32 $0xFFFFC000  }
0x11d: {  	[hbm4b:s13+s4] =	stream.linear.scatter [tilespmem:s19], [sflag:$0x5], $0x4000, $0x38;
	[tilespmem:$0x1EA00] =	vst v63  }
0x11e: {  	_ =	swait.ge [sflag:s18], $0x4000  }
0x11f: {  	[sflag:s18] =	ssyncset.done $0x0  }
0x120: {  	[sflag:s18] =	ssyncadd.s32 $0xFFFFC000  }
0x121: {  	[tilespmem:s19], [sflag:$0x5] =	stream.linear.gather [spmem:s9], $0x4000, $0x38;
	[tilespmem:$0x1EA00] =	vst v63  }
0x122: {  	_ =	swait.ge [sflag:s18], $0x4000  }
0x123: {  	[sflag:s18] =	ssyncset.done $0x0  }
0x124: {  	[sflag:s18] =	ssyncadd.s32 $0xFFFFC000  }
0x125: {  	[hbm4b:s14+s4] =	stream.linear.scatter [tilespmem:s19], [sflag:$0x5], $0x4000, $0x38;
	[tilespmem:$0x1EA00] =	vst v63  }
0x126: {  	_ =	swait.ge [sflag:s18], $0x4000  }
0x127: {  	[sflag:s18] =	ssyncset.done $0x0  }
0x128: {  	[sflag:s18] =	ssyncadd.s32 $0xFFFFC000  }
0x129: {  	[tilespmem:s19], [sflag:$0x5] =	stream.linear.gather [spmem:s10], $0x4000, $0x38;
	[tilespmem:$0x1EA00] =	vst v63  }
0x12a: {  	_ =	swait.ge [sflag:s18], $0x4000  }
0x12b: {  	[sflag:s18] =	ssyncset.done $0x0  }
0x12c: {  	[sflag:s18] =	ssyncadd.s32 $0xFFFFC000  }
0x12d: {  	[hbm4b:s15+s4] =	stream.linear.scatter [tilespmem:s19], [sflag:$0x5], $0x4000, $0x38;
	[tilespmem:$0x1EA00] =	vst v63  }
0x12e: {  	_ =	swait.ge [sflag:s18], $0x4000  }
0x12f: {  	[sflag:s18] =	ssyncset.done $0x0  }
0x130: {  	[sflag:s18] =	ssyncadd.s32 $0xFFFFC000  }
0x131: {  	[tilespmem:s19], [sflag:$0x5] =	stream.linear.gather [spmem:s11], $0x4000, $0x38;
	[tilespmem:$0x1EA00] =	vst v63  }
0x132: {  	s31 =	sadd.s32 $0x1, s31;
	_ =	swait.ge [sflag:s18], $0x4000  }
0x133: {  	p0 =	sne.s32 s31, s17;
	[sflag:s18] =	ssyncset.done $0x0  }
.Ltmp1:
0x134: {  	[sflag:s18] =	ssyncadd.s32 $0xFFFFC000;
	(pc) =	sbr.rel @p0 .LBB2_1-.Ltmp1, $4  }
0x135: {  	[hbm4b:s16+s4] =	stream.linear.scatter [tilespmem:s19], [sflag:$0x5], $0x4000, $0x38;
	[tilespmem:$0x1EA00] =	vst v63  }
0x136: {  	_ =	swait.ge [sflag:s18], $0x4000  }
0x137: {  	[sflag:s18] =	ssyncset.done $0x0  }
0x138: {  	[sflag:s18] =	ssyncadd.s32 $0xFFFFC000  }
0x139: {  	_ =	sfence.sel $0x180000  }
0x13a: {  	[bflag:$0x0] =	sbarrier.arrive $0xFFFF  }
0x13b: {  	_ =	strace $0x9000004A  }
0x13c: {  	s0 =	stileid.u32;
	[bflag:$0x2] =	sbarrier.arrive $0xFFFF  }
0x13d: {  	p0 =	sne.s32 s0, $0x0;
	s0 =	rddreg [dreg:$0x3]  }
0x13e: {  	s0 =	sadd.s32 @!p0 $0x100000, s0  }
0x13f: {  	[sflag:s0] =	ssyncadd.tile.s32 @!p0 $0x1;
	_ =	shalt  }
.Lfunc_end2:
_tile_overlayer_lowered:
.L_overlay_start_2:
0x140: {  	(tag) =	ssettag $0x2  }
0x141: {  	s0 =	rddreg [dreg:$0x0];
	s2 =	stileid.u32  }
0x142: {  	s1 =	rddreg [dreg:$0x1];
	p0 =	sne.s32 s2, $0x0  }
0x143: {  	s3 =	rddreg [dreg:$0x2];
	[bflag:$0x3] =	sbarrier.arrive $0xFFFF;
	s2 =	simm.s32 @!p0 $0x1C05  }
0x144: {  	[timem:s3], [sflag:s2] =	dma.local @!p0 [hbm:s0], s1  }
0x145: {  	s0 =	simm.s32 @!p0 $0x5  }
0x146: {  	_ =	swait.ge @!p0 [sflag:s0], s1  }
0x147: {  	s1 =	ssub.s32 @!p0 $0x0, s1;
	[sflag:s0] =	ssyncset.done @!p0 $0x0  }
0x148: {  	[sflag:s0] =	ssyncadd.s32 @!p0 s1  }
0x149: {  	[bflag:$0x3] =	sbarrier.arrive $0xFFFF  }
0x14a: {  	_ =	shalt  }

</sc_bundles>
